<compile_context>
chip_gen: v7x
topology: tpu7x:2x2x1
jax: 0.10.2.dev20260603
libtpu: 0.0.44.dev20260713+nightly
codegen_flags: <defaults>
</compile_context>

<pallas_src>
import functools

import jax
import jax.numpy as jnp
from jax import lax
from jax.experimental import pallas as pl
from jax.experimental.pallas import tpu as pltpu
from jax.experimental.pallas import tpu_sc as plsc

N = 10000
E = 320000
D = 128
H = 128

NC = 2
NS = 16
NW = NC * NS
K = 128
NCHUNK = E // K
BPW = 80
NBIG = 17


def _worker_range(wid):
    start = 76 * wid + 4 * jnp.minimum(wid, NBIG)
    cnt = jnp.where(wid < NBIG, 80, 76)
    return start, cnt
ZRP = 1000
ZNS = N // ZRP

_mesh = plsc.VectorSubcoreMesh(core_axis_name="c", subcore_axis_name="s")


NP = 10240
DRP = NP // NS


@functools.partial(
    pl.kernel,
    out_type=jax.ShapeDtypeStruct((NC, 1, NP), jnp.float32),
    mesh=_mesh,
    scratch_types=[
        pltpu.VMEM((2, BPW * K), jnp.int32),
        pltpu.VMEM((K,), jnp.float32),
        pltpu.VMEM_SHARED((NP,), jnp.float32),
    ],
)
def _sc_degree(edge_hbm, ones_hbm, zeros_hbm, out_hbm, ebuf, ones_v, acc):
    c = lax.axis_index("c")
    s = lax.axis_index("s")
    wid = c * NS + s
    start, cnt = _worker_range(wid)

    pltpu.sync_copy(ones_hbm, ones_v)
    bstart = jnp.minimum(start, NCHUNK - BPW)
    off = start - bstart
    pltpu.sync_copy(edge_hbm.at[:, pl.ds(bstart * K, BPW * K)], ebuf)

    pltpu.sync_copy(zeros_hbm.at[0, pl.ds(s * DRP, DRP)],
                    acc.at[pl.ds(s * DRP, DRP)])
    plsc.subcore_barrier()

    @pl.loop(0, cnt)
    def _(j):
        pltpu.sync_copy(
            ones_v, acc.at[ebuf.at[1, pl.ds((j + off) * K, K)]], add=True
        )

    plsc.subcore_barrier()
    pltpu.sync_copy(acc.at[pl.ds(s * DRP, DRP)],
                    out_hbm.at[c].at[0, pl.ds(s * DRP, DRP)])


@functools.partial(
    pl.kernel,
    out_type=jax.ShapeDtypeStruct((NC, N, H), jnp.float32),
    mesh=_mesh,
    scratch_types=[
        [pltpu.VMEM((2, K), jnp.int32)] * 4,
        pltpu.VMEM((K, H), jnp.float32),
        pltpu.VMEM((K, H), jnp.float32),
        pltpu.VMEM_SHARED((N, H), jnp.float32),
        [pltpu.SemaphoreType.DMA] * 4,
        pltpu.SemaphoreType.DMA,
        pltpu.SemaphoreType.DMA,
    ],
)
def _sc_edge_agg(xn_hbm, edge_hbm, zeros_hbm, out_hbm,
                 eidx, rows_a, rows_b, acc, esem, sem_a, sem_b):
    c = lax.axis_index("c")
    s = lax.axis_index("s")
    wid = c * NS + s
    start, cnt = _worker_range(wid)

    @pl.when(s < ZNS)
    def _():
        pltpu.sync_copy(
            zeros_hbm.at[pl.ds(s * ZRP, ZRP)], acc.at[pl.ds(s * ZRP, ZRP)]
        )

    plsc.subcore_barrier()

    def efetch(j, q):
        pltpu.async_copy(
            edge_hbm.at[:, pl.ds((start + j) * K, K)], eidx[q], esem[q]
        )

    def ewait(q):
        pltpu.make_async_copy(
            edge_hbm.at[:, pl.ds(0, K)], eidx[q], esem[q]
        ).wait()

    def gather(q, rows, sem):
        pltpu.async_copy(xn_hbm.at[eidx[q].at[0]], rows, sem)

    def gwait(q, rows, sem):
        pltpu.make_async_copy(xn_hbm.at[eidx[q].at[0]], rows, sem).wait()

    def scat(rows, q):
        pltpu.sync_copy(rows, acc.at[eidx[q].at[1]], add=True)

    def refill(j, q):
        @pl.when(j < cnt)
        def _():
            efetch(j, q)

    for q in range(4):
        efetch(q, q)
    ewait(0)
    gather(0, rows_a, sem_a)
    ewait(1)
    gather(1, rows_b, sem_b)

    @pl.loop(0, cnt // 4)
    def _(it):
        j = 4 * it
        gwait(0, rows_a, sem_a)
        scat(rows_a, 0)
        refill(j + 4, 0)
        ewait(2)
        gather(2, rows_a, sem_a)
        gwait(1, rows_b, sem_b)
        scat(rows_b, 1)
        refill(j + 5, 1)
        ewait(3)
        gather(3, rows_b, sem_b)
        gwait(2, rows_a, sem_a)
        scat(rows_a, 2)
        refill(j + 6, 2)

        @pl.when(j + 4 < cnt)
        def _():
            ewait(0)
            gather(0, rows_a, sem_a)

        gwait(3, rows_b, sem_b)
        scat(rows_b, 3)
        refill(j + 7, 3)

        @pl.when(j + 5 < cnt)
        def _():
            ewait(1)
            gather(1, rows_b, sem_b)

    plsc.subcore_barrier()

    @pl.when(s < ZNS)
    def _():
        pltpu.sync_copy(
            acc.at[pl.ds(s * ZRP, ZRP)], out_hbm.at[c].at[pl.ds(s * ZRP, ZRP)]
        )


def _tc_proj_body(f_ref, t_ref, wp_ref, bp_ref, wd_ref, bd_ref, h_ref):
    x = f_ref[...]
    proj_p = jnp.dot(x, wp_ref[...], preferred_element_type=jnp.float32) + bp_ref[...]
    proj_d = jnp.dot(x, wd_ref[...], preferred_element_type=jnp.float32) + bd_ref[...]
    h_ref[...] = jnp.where(t_ref[...] == 0, proj_p, proj_d)


def _tc_scale_body(h_ref, degp_ref, xn_ref, norm_ref):
    deg = degp_ref[:, 0:1] + degp_ref[:, 1:2]
    norm = lax.rsqrt(jnp.maximum(deg, 1.0))
    xn_ref[...] = h_ref[...] * norm
    norm_ref[...] = norm


def _tc_layer_body(aggp_ref, norm_ref, w_ref, b_ref, out_ref, *, relu, rescale):
    norm = norm_ref[...]
    agg = (aggp_ref[0] + aggp_ref[1]) * norm
    y = jnp.dot(agg, w_ref[...], preferred_element_type=jnp.float32) + b_ref[...]
    if relu:
        y = jnp.maximum(y, 0.0)
    if rescale:
        y = y * norm
    out_ref[...] = y


def kernel(features, edge_index, node_types, W_person, b_person,
           W_disease, b_disease, W1, b1, W2, b2):
    zeros_h = jnp.zeros((N, H), jnp.float32)
    zeros_np = jnp.zeros((1, NP), jnp.float32)
    types2d = node_types.reshape(N, 1)
    bp = b_person.reshape(1, H)
    bd = b_disease.reshape(1, H)
    b1r = b1.reshape(1, H)
    b2r = b2.reshape(1, H)

    degp = _sc_degree(edge_index, jnp.ones((K,), jnp.float32), zeros_np)
    degt = degp.reshape(NC, NP)[:, :N].T

    h0 = pl.pallas_call(
        _tc_proj_body,
        out_shape=jax.ShapeDtypeStruct((N, H), jnp.float32),
    )(features, types2d, W_person, bp, W_disease, bd)

    xn1, norm = pl.pallas_call(
        _tc_scale_body,
        out_shape=(
            jax.ShapeDtypeStruct((N, H), jnp.float32),
            jax.ShapeDtypeStruct((N, 1), jnp.float32),
        ),
    )(h0, degt)

    aggp1 = _sc_edge_agg(xn1, edge_index, zeros_h)

    xn2 = pl.pallas_call(
        functools.partial(_tc_layer_body, relu=True, rescale=True),
        out_shape=jax.ShapeDtypeStruct((N, H), jnp.float32),
    )(aggp1, norm, W1, b1r)

    aggp2 = _sc_edge_agg(xn2, edge_index, zeros_h)

    out = pl.pallas_call(
        functools.partial(_tc_layer_body, relu=False, rescale=False),
        out_shape=jax.ShapeDtypeStruct((N, H), jnp.float32),
    )(aggp2, norm, W2, b2r)

    return out

# --- scband reference (transcript-rebuilt; emitter-appended) ---
"""Pipeline reference for scband-hetero-projection-gnn-85495618994902 (READ-ONLY COPY).

The authoritative reference and input builder live on the scoring server;
editing this copy changes nothing except your own understanding.
"""

import jax, jax.numpy as jnp
import numpy as np

N = 10000
E = 320000
D = 128
H = 128


def setup_inputs(seed: int = 0) -> dict:
    key = jax.random.key(seed)
    ks = jax.random.split(key, 12)
    features = jax.random.normal(ks[0], (N, D), dtype=jnp.float32)
    edge_index = jax.random.randint(ks[1], (2, E), 0, N, dtype=jnp.int32)
    node_types = jax.random.randint(ks[2], (N,), 0, 2, dtype=jnp.int32)
    s = 1.0 / np.sqrt(D)
    W_person = jax.random.normal(ks[3], (D, H), dtype=jnp.float32) * s
    b_person = jnp.zeros((H,), dtype=jnp.float32)
    W_disease = jax.random.normal(ks[4], (D, H), dtype=jnp.float32) * s
    b_disease = jnp.zeros((H,), dtype=jnp.float32)
    sh = 1.0 / np.sqrt(H)
    W1 = jax.random.normal(ks[5], (H, H), dtype=jnp.float32) * sh
    b1 = jnp.zeros((H,), dtype=jnp.float32)
    W2 = jax.random.normal(ks[6], (H, H), dtype=jnp.float32) * sh
    b2 = jnp.zeros((H,), dtype=jnp.float32)
    return {"features": features, "edge_index": edge_index, "node_types": node_types,
            "W_person": W_person, "b_person": b_person,
            "W_disease": W_disease, "b_disease": b_disease,
            "W1": W1, "b1": b1, "W2": W2, "b2": b2}


def reference(features, edge_index, node_types, W_person, b_person, W_disease, b_disease, W1, b1, W2, b2):
    # Type-specific projection into common hidden_dim (projected_feats starts as zeros,
    # then masked rows are overwritten by each projector's output).
    proj_p = features[:, :D] @ W_person + b_person
    proj_d = features[:, :D] @ W_disease + b_disease
    mask_p = (node_types == 0)[:, None]
    mask_d = (node_types == 1)[:, None]
    h = jnp.where(mask_p, proj_p, 0.0) + jnp.where(mask_d, proj_d, 0.0)

    # GCN backbone: n_layers=2 graph conv layers with symmetric degree normalization.
    src = edge_index[0]
    dst = edge_index[1]
    deg = jnp.zeros((N,), dtype=jnp.float32).at[dst].add(1.0)
    norm = jax.lax.rsqrt(jnp.maximum(deg, 1.0))

    def gcn_layer(x, W, b):
        xn = x * norm[:, None]
        msg = jnp.take(xn, src, axis=0)
        agg = jnp.zeros_like(x).at[dst].add(msg)
        agg = agg * norm[:, None]
        return agg @ W + b

    h = jax.nn.relu(gcn_layer(h, W1, b1))
    h = gcn_layer(h, W2, b2)
    return h

if __name__ == "__main__":
    import jax
    _d = setup_inputs()
    print(jax.jit(kernel)(*tuple(_d.values())))

</pallas_src>

<mosaic_0001>
#map = affine_map<(d0, d1) -> (0, 0)>
#map1 = affine_map<(d0, d1) -> (0)>
#map2 = affine_map<(d0, d1) -> (0, 0, 0)>
module attributes {stable_mosaic.version = 14 : i64} {
  func.func @_sc_degree(%arg0: i32, %arg1: i32, %arg2: memref<2x320000xi32, #tpu.memory_space<hbm>>, %arg3: memref<128xf32, #tpu.memory_space<hbm>>, %arg4: memref<1x10240xf32, #tpu.memory_space<hbm>>, %arg5: memref<2x1x10240xf32, #tpu.memory_space<hbm>>, %arg6: memref<2x10240xi32, #tpu.memory_space<vmem>>, %arg7: memref<128xf32, #tpu.memory_space<vmem>>, %arg8: memref<10240xf32, #tpu.memory_space<vmem_shared>>) attributes {dimension_semantics = [#tpu.dimension_semantics<core_parallel>, #tpu.dimension_semantics<subcore_parallel>], iteration_bounds = array<i64: 2, 16>, scalar_prefetch = 0 : i64, scratch_operands = 3 : i64, tpu.core_type = #tpu.core_type<sc_vector_subcore>, window_params = [{transform_indices = #map}, {transform_indices = #map1}, {transform_indices = #map}, {transform_indices = #map2}]} {
    %mul3A = arith.constant 16 : i32
    %mul3A_0 = arith.muli %arg0, %mul3A : i32
    %add3A = arith.addi %mul3A_0, %arg1 : i32
    %mul3A_1 = arith.constant 76 : i32
    %mul3A_2 = arith.muli %mul3A_1, %add3A : i32
    %min3A = arith.constant 17 : i32
    %min3A_3 = arith.minsi %add3A, %min3A : i32
    %mul3A_4 = arith.constant 4 : i32
    %mul3A_5 = arith.muli %mul3A_4, %min3A_3 : i32
    %add3A_6 = arith.addi %mul3A_2, %mul3A_5 : i32
    %lt3A = arith.constant 17 : i32
    %lt3A_7 = arith.cmpi slt, %add3A, %lt3A : i32
    %jit3A = arith.constant 80 : i32
    %jit3A_8 = arith.constant 76 : i32
    %select_n3A = arith.select %lt3A_7, %jit3A, %jit3A_8 : i32
    "tpu.region"() ({
      %run_scoped3A_40 = tpu.sem_alloc : memref<!tpu.dma_semaphore, #tpu.memory_space<semaphore_mem>>
      tpu.enqueue_dma source(%arg3 : memref<128xf32, #tpu.memory_space<hbm>>) target(%arg7 : memref<128xf32, #tpu.memory_space<vmem>>) target_semaphore(%run_scoped3A_40 : memref<!tpu.dma_semaphore, #tpu.memory_space<semaphore_mem>>)
      tpu.wait_dma2 semaphore(%run_scoped3A_40 : memref<!tpu.dma_semaphore, #tpu.memory_space<semaphore_mem>>) src(%arg3 : memref<128xf32, #tpu.memory_space<hbm>>) dst(%arg7 : memref<128xf32, #tpu.memory_space<vmem>>)
      tpu.yield
    }) : () -> ()
    %min3A_9 = arith.constant 2420 : i32
    %min3A_10 = arith.minsi %add3A_6, %min3A_9 : i32
    %sub3A = arith.subi %add3A_6, %min3A_10 : i32
    %mul3A_11 = arith.constant 128 : i32
    %mul3A_12 = arith.muli %min3A_10, %mul3A_11 : i32
    "tpu.region"() ({
      %run_scoped3A_40 = tpu.sem_alloc : memref<!tpu.dma_semaphore, #tpu.memory_space<semaphore_mem>>
      %dma_start3A = arith.constant 0 : i32
      %dma_start3A_41 = tpu.memref_slice %arg2[%dma_start3A, %mul3A_12] : memref<2x320000xi32, #tpu.memory_space<hbm>> -> memref<2x10240xi32, #tpu.memory_space<hbm>>
      %dma_start3A_42 = arith.constant 0 : i32
      %dma_start3A_43 = tpu.memref_slice %arg2[%dma_start3A_42, %mul3A_12] : memref<2x320000xi32, #tpu.memory_space<hbm>> -> memref<2x10240xi32, #tpu.memory_space<hbm>>
      tpu.enqueue_dma source(%dma_start3A_43 : memref<2x10240xi32, #tpu.memory_space<hbm>>) target(%arg6 : memref<2x10240xi32, #tpu.memory_space<vmem>>) target_semaphore(%run_scoped3A_40 : memref<!tpu.dma_semaphore, #tpu.memory_space<semaphore_mem>>)
      %dma_wait3A = arith.constant 0 : i32
      %dma_wait3A_44 = tpu.memref_slice %arg2[%dma_wait3A, %mul3A_12] : memref<2x320000xi32, #tpu.memory_space<hbm>> -> memref<2x10240xi32, #tpu.memory_space<hbm>>
      %dma_wait3A_45 = arith.constant 0 : i32
      %dma_wait3A_46 = tpu.memref_slice %arg2[%dma_wait3A_45, %mul3A_12] : memref<2x320000xi32, #tpu.memory_space<hbm>> -> memref<2x10240xi32, #tpu.memory_space<hbm>>
      tpu.wait_dma2 semaphore(%run_scoped3A_40 : memref<!tpu.dma_semaphore, #tpu.memory_space<semaphore_mem>>) src(%dma_wait3A_46 : memref<2x10240xi32, #tpu.memory_space<hbm>>) dst(%arg6 : memref<2x10240xi32, #tpu.memory_space<vmem>>)
      tpu.yield
    }) : () -> ()
    %mul3A_13 = arith.constant 640 : i32
    %mul3A_14 = arith.muli %arg1, %mul3A_13 : i32
    %mul3A_15 = arith.constant 640 : i32
    %mul3A_16 = arith.muli %arg1, %mul3A_15 : i32
    %run_scoped3A = arith.constant 0 : i32
    "tpu.region"() ({
      %run_scoped3A_40 = tpu.sem_alloc : memref<!tpu.dma_semaphore, #tpu.memory_space<semaphore_mem>>
      %dma_start3A = tpu.memref_slice %arg8[%mul3A_16] : memref<10240xf32, #tpu.memory_space<vmem_shared>> -> memref<640xf32, #tpu.memory_space<vmem_shared>>
      %dma_start3A_41 = tpu.memref_slice %arg4[%run_scoped3A, %mul3A_14] : memref<1x10240xf32, #tpu.memory_space<hbm>> -> memref<1x640xf32, #tpu.memory_space<hbm>>
      %dma_start3A_42 = tpu.memref_squeeze %dma_start3A_41 : memref<1x640xf32, #tpu.memory_space<hbm>> -> memref<640xf32, #tpu.memory_space<hbm>>
      tpu.enqueue_dma source(%dma_start3A_42 : memref<640xf32, #tpu.memory_space<hbm>>) target(%dma_start3A : memref<640xf32, #tpu.memory_space<vmem_shared>>) target_semaphore(%run_scoped3A_40 : memref<!tpu.dma_semaphore, #tpu.memory_space<semaphore_mem>>)
      %dma_wait3A = tpu.memref_slice %arg8[%mul3A_16] : memref<10240xf32, #tpu.memory_space<vmem_shared>> -> memref<640xf32, #tpu.memory_space<vmem_shared>>
      %dma_wait3A_43 = tpu.memref_slice %arg4[%run_scoped3A, %mul3A_14] : memref<1x10240xf32, #tpu.memory_space<hbm>> -> memref<1x640xf32, #tpu.memory_space<hbm>>
      %dma_wait3A_44 = tpu.memref_squeeze %dma_wait3A_43 : memref<1x640xf32, #tpu.memory_space<hbm>> -> memref<640xf32, #tpu.memory_space<hbm>>
      tpu.wait_dma2 semaphore(%run_scoped3A_40 : memref<!tpu.dma_semaphore, #tpu.memory_space<semaphore_mem>>) src(%dma_wait3A_44 : memref<640xf32, #tpu.memory_space<hbm>>) dst(%dma_wait3A : memref<640xf32, #tpu.memory_space<vmem_shared>>)
      tpu.yield
    }) : () -> ()
    %barrier3A = arith.constant 0 : index
    tpu.barrier barrier_id(%barrier3A)
    %sub3A_17 = arith.constant 0 : i32
    %sub3A_18 = arith.subi %select_n3A, %sub3A_17 : i32
    %sub3A_19 = arith.constant 1 : i32
    %sub3A_20 = arith.constant 1 : i32
    %sub3A_21 = arith.subi %sub3A_19, %sub3A_20 : i32
    %add3A_22 = arith.addi %sub3A_18, %sub3A_21 : i32
    %div3A = arith.constant 1 : i32
    %div3A_23 = arith.divsi %add3A_22, %div3A : i32
    %while3A = arith.constant 1 : i32
    %while3A_24 = arith.constant 0 : i32
    %while3A_25 = arith.constant 0 : i32
    %while3A_26 = arith.subi %div3A_23, %while3A_25 : i32
    %while3A_27 = arith.addi %while3A_25, %while3A_26 : i32
    %while3A_28 = arith.constant 1 : i32
    %while3A_29 = arith.divsi %while3A_26, %while3A_28 : i32
    %while3A_30 = arith.muli %while3A_29, %while3A_28 : i32
    %while3A_31 = arith.addi %while3A_25, %while3A_30 : i32
    %while3A_32 = arith.constant 1 : i32
    scf.for %while3A_40 = %while3A_25 to %while3A_31 step %while3A_32  : i32 {
      %mul3A_41 = arith.muli %while3A_40, %while3A : i32
      %add3A_42 = arith.addi %while3A_24, %mul3A_41 : i32
      %add3A_43 = arith.addi %add3A_42, %sub3A : i32
      %mul3A_44 = arith.constant 128 : i32
      %mul3A_45 = arith.muli %add3A_43, %mul3A_44 : i32
      %run_scoped3A_46 = arith.constant 1 : i32
      "tpu.region"() ({
        %run_scoped3A_47 = tpu.sem_alloc : memref<!tpu.dma_semaphore, #tpu.memory_space<semaphore_mem>>
        %dma_start3A = tpu.memref_slice %arg6[%run_scoped3A_46, %mul3A_45] : memref<2x10240xi32, #tpu.memory_space<vmem>> -> memref<1x128xi32, #tpu.memory_space<vmem>>
        %dma_start3A_48 = tpu.memref_squeeze %dma_start3A : memref<1x128xi32, #tpu.memory_space<vmem>> -> memref<128xi32, #tpu.memory_space<vmem>>
        %dma_start3A_49 = arith.constant 0 : i32
        %dma_start3A_50 = tpu.memref_slice %arg8[%dma_start3A_49] : memref<10240xf32, #tpu.memory_space<vmem_shared>> -> memref<10240xf32, #tpu.memory_space<vmem_shared>>
        tpu.enqueue_indirect_dma source(%arg7 : memref<128xf32, #tpu.memory_space<vmem>>) target(%dma_start3A_50 : memref<10240xf32, #tpu.memory_space<vmem_shared>>) offsets(%dma_start3A_48 : memref<128xi32, #tpu.memory_space<vmem>>) semaphore(%run_scoped3A_47 : memref<!tpu.dma_semaphore, #tpu.memory_space<semaphore_mem>>) {add = true}
        %dma_wait3A = tpu.memref_slice %arg6[%run_scoped3A_46, %mul3A_45] : memref<2x10240xi32, #tpu.memory_space<vmem>> -> memref<1x128xi32, #tpu.memory_space<vmem>>
        %dma_wait3A_51 = tpu.memref_squeeze %dma_wait3A : memref<1x128xi32, #tpu.memory_space<vmem>> -> memref<128xi32, #tpu.memory_space<vmem>>
        %dma_wait3A_52 = arith.constant 0 : i32
        %dma_wait3A_53 = tpu.memref_slice %arg8[%dma_wait3A_52] : memref<10240xf32, #tpu.memory_space<vmem_shared>> -> memref<10240xf32, #tpu.memory_space<vmem_shared>>
        tpu.wait_indirect_dma semaphore(%run_scoped3A_47 : memref<!tpu.dma_semaphore, #tpu.memory_space<semaphore_mem>>) src(%arg7 : memref<128xf32, #tpu.memory_space<vmem>>) dst(%dma_wait3A_53 : memref<10240xf32, #tpu.memory_space<vmem_shared>>)
        tpu.yield
      }) : () -> ()
    }
    %while3A_33 = arith.constant 1 : i32
    scf.for %while3A_40 = %while3A_31 to %while3A_27 step %while3A_33  : i32 {
      %mul3A_41 = arith.muli %while3A_40, %while3A : i32
      %add3A_42 = arith.addi %while3A_24, %mul3A_41 : i32
      %add3A_43 = arith.addi %add3A_42, %sub3A : i32
      %mul3A_44 = arith.constant 128 : i32
      %mul3A_45 = arith.muli %add3A_43, %mul3A_44 : i32
      %run_scoped3A_46 = arith.constant 1 : i32
      "tpu.region"() ({
        %run_scoped3A_47 = tpu.sem_alloc : memref<!tpu.dma_semaphore, #tpu.memory_space<semaphore_mem>>
        %dma_start3A = tpu.memref_slice %arg6[%run_scoped3A_46, %mul3A_45] : memref<2x10240xi32, #tpu.memory_space<vmem>> -> memref<1x128xi32, #tpu.memory_space<vmem>>
        %dma_start3A_48 = tpu.memref_squeeze %dma_start3A : memref<1x128xi32, #tpu.memory_space<vmem>> -> memref<128xi32, #tpu.memory_space<vmem>>
        %dma_start3A_49 = arith.constant 0 : i32
        %dma_start3A_50 = tpu.memref_slice %arg8[%dma_start3A_49] : memref<10240xf32, #tpu.memory_space<vmem_shared>> -> memref<10240xf32, #tpu.memory_space<vmem_shared>>
        tpu.enqueue_indirect_dma source(%arg7 : memref<128xf32, #tpu.memory_space<vmem>>) target(%dma_start3A_50 : memref<10240xf32, #tpu.memory_space<vmem_shared>>) offsets(%dma_start3A_48 : memref<128xi32, #tpu.memory_space<vmem>>) semaphore(%run_scoped3A_47 : memref<!tpu.dma_semaphore, #tpu.memory_space<semaphore_mem>>) {add = true}
        %dma_wait3A = tpu.memref_slice %arg6[%run_scoped3A_46, %mul3A_45] : memref<2x10240xi32, #tpu.memory_space<vmem>> -> memref<1x128xi32, #tpu.memory_space<vmem>>
        %dma_wait3A_51 = tpu.memref_squeeze %dma_wait3A : memref<1x128xi32, #tpu.memory_space<vmem>> -> memref<128xi32, #tpu.memory_space<vmem>>
        %dma_wait3A_52 = arith.constant 0 : i32
        %dma_wait3A_53 = tpu.memref_slice %arg8[%dma_wait3A_52] : memref<10240xf32, #tpu.memory_space<vmem_shared>> -> memref<10240xf32, #tpu.memory_space<vmem_shared>>
        tpu.wait_indirect_dma semaphore(%run_scoped3A_47 : memref<!tpu.dma_semaphore, #tpu.memory_space<semaphore_mem>>) src(%arg7 : memref<128xf32, #tpu.memory_space<vmem>>) dst(%dma_wait3A_53 : memref<10240xf32, #tpu.memory_space<vmem_shared>>)
        tpu.yield
      }) : () -> ()
    }
    %barrier3A_34 = arith.constant 0 : index
    tpu.barrier barrier_id(%barrier3A_34)
    %mul3A_35 = arith.constant 640 : i32
    %mul3A_36 = arith.muli %arg1, %mul3A_35 : i32
    %mul3A_37 = arith.constant 640 : i32
    %mul3A_38 = arith.muli %arg1, %mul3A_37 : i32
    %run_scoped3A_39 = arith.constant 0 : i32
    "tpu.region"() ({
      %run_scoped3A_40 = tpu.sem_alloc : memref<!tpu.dma_semaphore, #tpu.memory_space<semaphore_mem>>
      %dma_start3A = arith.constant 0 : i32
      %dma_start3A_41 = arith.constant 0 : i32
      %dma_start3A_42 = tpu.memref_slice %arg5[%arg0, %dma_start3A, %dma_start3A_41] : memref<2x1x10240xf32, #tpu.memory_space<hbm>> -> memref<1x1x10240xf32, #tpu.memory_space<hbm>>
      %dma_start3A_43 = tpu.memref_squeeze %dma_start3A_42 : memref<1x1x10240xf32, #tpu.memory_space<hbm>> -> memref<1x10240xf32, #tpu.memory_space<hbm>>
      %dma_start3A_44 = tpu.memref_slice %dma_start3A_43[%run_scoped3A_39, %mul3A_38] : memref<1x10240xf32, #tpu.memory_space<hbm>> -> memref<1x640xf32, #tpu.memory_space<hbm>>
      %dma_start3A_45 = tpu.memref_squeeze %dma_start3A_44 : memref<1x640xf32, #tpu.memory_space<hbm>> -> memref<640xf32, #tpu.memory_space<hbm>>
      %dma_start3A_46 = tpu.memref_slice %arg8[%mul3A_36] : memref<10240xf32, #tpu.memory_space<vmem_shared>> -> memref<640xf32, #tpu.memory_space<vmem_shared>>
      tpu.enqueue_dma source(%dma_start3A_46 : memref<640xf32, #tpu.memory_space<vmem_shared>>) target(%dma_start3A_45 : memref<640xf32, #tpu.memory_space<hbm>>) target_semaphore(%run_scoped3A_40 : memref<!tpu.dma_semaphore, #tpu.memory_space<semaphore_mem>>)
      %dma_wait3A = arith.constant 0 : i32
      %dma_wait3A_47 = arith.constant 0 : i32
      %dma_wait3A_48 = tpu.memref_slice %arg5[%arg0, %dma_wait3A, %dma_wait3A_47] : memref<2x1x10240xf32, #tpu.memory_space<hbm>> -> memref<1x1x10240xf32, #tpu.memory_space<hbm>>
      %dma_wait3A_49 = tpu.memref_squeeze %dma_wait3A_48 : memref<1x1x10240xf32, #tpu.memory_space<hbm>> -> memref<1x10240xf32, #tpu.memory_space<hbm>>
      %dma_wait3A_50 = tpu.memref_slice %dma_wait3A_49[%run_scoped3A_39, %mul3A_38] : memref<1x10240xf32, #tpu.memory_space<hbm>> -> memref<1x640xf32, #tpu.memory_space<hbm>>
      %dma_wait3A_51 = tpu.memref_squeeze %dma_wait3A_50 : memref<1x640xf32, #tpu.memory_space<hbm>> -> memref<640xf32, #tpu.memory_space<hbm>>
      %dma_wait3A_52 = tpu.memref_slice %arg8[%mul3A_36] : memref<10240xf32, #tpu.memory_space<vmem_shared>> -> memref<640xf32, #tpu.memory_space<vmem_shared>>
      tpu.wait_dma2 semaphore(%run_scoped3A_40 : memref<!tpu.dma_semaphore, #tpu.memory_space<semaphore_mem>>) src(%dma_wait3A_52 : memref<640xf32, #tpu.memory_space<vmem_shared>>) dst(%dma_wait3A_51 : memref<640xf32, #tpu.memory_space<hbm>>)
      tpu.yield
    }) : () -> ()
    return
  }
}

#map = affine_map<(d0, d1) -> (0, 0)>
#map1 = affine_map<(d0, d1) -> (0, 0, 0)>
module attributes {stable_mosaic.version = 14 : i64} {
  func.func @_sc_edge_agg(%arg0: i32, %arg1: i32, %arg2: memref<10000x128xf32, #tpu.memory_space<hbm>>, %arg3: memref<2x320000xi32, #tpu.memory_space<hbm>>, %arg4: memref<10000x128xf32, #tpu.memory_space<hbm>>, %arg5: memref<2x10000x128xf32, #tpu.memory_space<hbm>>, %arg6: memref<2x128xi32, #tpu.memory_space<vmem>>, %arg7: memref<2x128xi32, #tpu.memory_space<vmem>>, %arg8: memref<2x128xi32, #tpu.memory_space<vmem>>, %arg9: memref<2x128xi32, #tpu.memory_space<vmem>>, %arg10: memref<128x128xf32, #tpu.memory_space<vmem>>, %arg11: memref<128x128xf32, #tpu.memory_space<vmem>>, %arg12: memref<10000x128xf32, #tpu.memory_space<vmem_shared>>, %arg13: memref<!tpu.dma_semaphore, #tpu.memory_space<semaphore_mem>>, %arg14: memref<!tpu.dma_semaphore, #tpu.memory_space<semaphore_mem>>, %arg15: memref<!tpu.dma_semaphore, #tpu.memory_space<semaphore_mem>>, %arg16: memref<!tpu.dma_semaphore, #tpu.memory_space<semaphore_mem>>, %arg17: memref<!tpu.dma_semaphore, #tpu.memory_space<semaphore_mem>>, %arg18: memref<!tpu.dma_semaphore, #tpu.memory_space<semaphore_mem>>) attributes {dimension_semantics = [#tpu.dimension_semantics<core_parallel>, #tpu.dimension_semantics<subcore_parallel>], iteration_bounds = array<i64: 2, 16>, scalar_prefetch = 0 : i64, scratch_operands = 13 : i64, tpu.core_type = #tpu.core_type<sc_vector_subcore>, window_params = [{transform_indices = #map}, {transform_indices = #map}, {transform_indices = #map}, {transform_indices = #map1}]} {
    %mul3A = arith.constant 16 : i32
    %mul3A_0 = arith.muli %arg0, %mul3A : i32
    %add3A = arith.addi %mul3A_0, %arg1 : i32
    %mul3A_1 = arith.constant 76 : i32
    %mul3A_2 = arith.muli %mul3A_1, %add3A : i32
    %min3A = arith.constant 17 : i32
    %min3A_3 = arith.minsi %add3A, %min3A : i32
    %mul3A_4 = arith.constant 4 : i32
    %mul3A_5 = arith.muli %mul3A_4, %min3A_3 : i32
    %add3A_6 = arith.addi %mul3A_2, %mul3A_5 : i32
    %lt3A = arith.constant 17 : i32
    %lt3A_7 = arith.cmpi slt, %add3A, %lt3A : i32
    %jit3A = arith.constant 80 : i32
    %jit3A_8 = arith.constant 76 : i32
    %select_n3A = arith.select %lt3A_7, %jit3A, %jit3A_8 : i32
    %lt3A_9 = arith.constant 10 : i32
    %lt3A_10 = arith.cmpi slt, %arg1, %lt3A_9 : i32
    %convert_element_type3A = arith.extui %lt3A_10 : i1 to i32
    %cond3A = arith.constant 0 : i32
    %cond3A_11 = arith.cmpi ne, %convert_element_type3A, %cond3A : i32
    scf.if %cond3A_11 {
      %mul3A_110 = arith.constant 1000 : i32
      %mul3A_111 = arith.muli %arg1, %mul3A_110 : i32
      %mul3A_112 = arith.constant 1000 : i32
      %mul3A_113 = arith.muli %arg1, %mul3A_112 : i32
      "tpu.region"() ({
        %run_scoped3A = tpu.sem_alloc : memref<!tpu.dma_semaphore, #tpu.memory_space<semaphore_mem>>
        %dma_start3A_114 = arith.constant 0 : i32
        %dma_start3A_115 = tpu.memref_slice %arg12[%mul3A_113, %dma_start3A_114] : memref<10000x128xf32, #tpu.memory_space<vmem_shared>> -> memref<1000x128xf32, #tpu.memory_space<vmem_shared>>
        %dma_start3A_116 = arith.constant 0 : i32
        %dma_start3A_117 = tpu.memref_slice %arg4[%mul3A_111, %dma_start3A_116] : memref<10000x128xf32, #tpu.memory_space<hbm>> -> memref<1000x128xf32, #tpu.memory_space<hbm>>
        tpu.enqueue_dma source(%dma_start3A_117 : memref<1000x128xf32, #tpu.memory_space<hbm>>) target(%dma_start3A_115 : memref<1000x128xf32, #tpu.memory_space<vmem_shared>>) target_semaphore(%run_scoped3A : memref<!tpu.dma_semaphore, #tpu.memory_space<semaphore_mem>>)
        %dma_wait3A_118 = arith.constant 0 : i32
        %dma_wait3A_119 = tpu.memref_slice %arg12[%mul3A_113, %dma_wait3A_118] : memref<10000x128xf32, #tpu.memory_space<vmem_shared>> -> memref<1000x128xf32, #tpu.memory_space<vmem_shared>>
        %dma_wait3A_120 = arith.constant 0 : i32
        %dma_wait3A_121 = tpu.memref_slice %arg4[%mul3A_111, %dma_wait3A_120] : memref<10000x128xf32, #tpu.memory_space<hbm>> -> memref<1000x128xf32, #tpu.memory_space<hbm>>
        tpu.wait_dma2 semaphore(%run_scoped3A : memref<!tpu.dma_semaphore, #tpu.memory_space<semaphore_mem>>) src(%dma_wait3A_121 : memref<1000x128xf32, #tpu.memory_space<hbm>>) dst(%dma_wait3A_119 : memref<1000x128xf32, #tpu.memory_space<vmem_shared>>)
        tpu.yield
      }) : () -> ()
    } else {
    }
    %barrier3A = arith.constant 0 : index
    tpu.barrier barrier_id(%barrier3A)
    %add3A_12 = arith.constant 0 : i32
    %add3A_13 = arith.addi %add3A_6, %add3A_12 : i32
    %mul3A_14 = arith.constant 128 : i32
    %mul3A_15 = arith.muli %add3A_13, %mul3A_14 : i32
    %dma_start3A = arith.constant 0 : i32
    %dma_start3A_16 = tpu.memref_slice %arg3[%dma_start3A, %mul3A_15] : memref<2x320000xi32, #tpu.memory_space<hbm>> -> memref<2x128xi32, #tpu.memory_space<hbm>>
    %dma_start3A_17 = arith.constant 0 : i32
    %dma_start3A_18 = tpu.memref_slice %arg3[%dma_start3A_17, %mul3A_15] : memref<2x320000xi32, #tpu.memory_space<hbm>> -> memref<2x128xi32, #tpu.memory_space<hbm>>
    tpu.enqueue_dma source(%dma_start3A_18 : memref<2x128xi32, #tpu.memory_space<hbm>>) target(%arg6 : memref<2x128xi32, #tpu.memory_space<vmem>>) target_semaphore(%arg13 : memref<!tpu.dma_semaphore, #tpu.memory_space<semaphore_mem>>)
    %add3A_19 = arith.constant 1 : i32
    %add3A_20 = arith.addi %add3A_6, %add3A_19 : i32
    %mul3A_21 = arith.constant 128 : i32
    %mul3A_22 = arith.muli %add3A_20, %mul3A_21 : i32
    %dma_start3A_23 = arith.constant 0 : i32
    %dma_start3A_24 = tpu.memref_slice %arg3[%dma_start3A_23, %mul3A_22] : memref<2x320000xi32, #tpu.memory_space<hbm>> -> memref<2x128xi32, #tpu.memory_space<hbm>>
    %dma_start3A_25 = arith.constant 0 : i32
    %dma_start3A_26 = tpu.memref_slice %arg3[%dma_start3A_25, %mul3A_22] : memref<2x320000xi32, #tpu.memory_space<hbm>> -> memref<2x128xi32, #tpu.memory_space<hbm>>
    tpu.enqueue_dma source(%dma_start3A_26 : memref<2x128xi32, #tpu.memory_space<hbm>>) target(%arg7 : memref<2x128xi32, #tpu.memory_space<vmem>>) target_semaphore(%arg14 : memref<!tpu.dma_semaphore, #tpu.memory_space<semaphore_mem>>)
    %add3A_27 = arith.constant 2 : i32
    %add3A_28 = arith.addi %add3A_6, %add3A_27 : i32
    %mul3A_29 = arith.constant 128 : i32
    %mul3A_30 = arith.muli %add3A_28, %mul3A_29 : i32
    %dma_start3A_31 = arith.constant 0 : i32
    %dma_start3A_32 = tpu.memref_slice %arg3[%dma_start3A_31, %mul3A_30] : memref<2x320000xi32, #tpu.memory_space<hbm>> -> memref<2x128xi32, #tpu.memory_space<hbm>>
    %dma_start3A_33 = arith.constant 0 : i32
    %dma_start3A_34 = tpu.memref_slice %arg3[%dma_start3A_33, %mul3A_30] : memref<2x320000xi32, #tpu.memory_space<hbm>> -> memref<2x128xi32, #tpu.memory_space<hbm>>
    tpu.enqueue_dma source(%dma_start3A_34 : memref<2x128xi32, #tpu.memory_space<hbm>>) target(%arg8 : memref<2x128xi32, #tpu.memory_space<vmem>>) target_semaphore(%arg15 : memref<!tpu.dma_semaphore, #tpu.memory_space<semaphore_mem>>)
    %add3A_35 = arith.constant 3 : i32
    %add3A_36 = arith.addi %add3A_6, %add3A_35 : i32
    %mul3A_37 = arith.constant 128 : i32
    %mul3A_38 = arith.muli %add3A_36, %mul3A_37 : i32
    %dma_start3A_39 = arith.constant 0 : i32
    %dma_start3A_40 = tpu.memref_slice %arg3[%dma_start3A_39, %mul3A_38] : memref<2x320000xi32, #tpu.memory_space<hbm>> -> memref<2x128xi32, #tpu.memory_space<hbm>>
    %dma_start3A_41 = arith.constant 0 : i32
    %dma_start3A_42 = tpu.memref_slice %arg3[%dma_start3A_41, %mul3A_38] : memref<2x320000xi32, #tpu.memory_space<hbm>> -> memref<2x128xi32, #tpu.memory_space<hbm>>
    tpu.enqueue_dma source(%dma_start3A_42 : memref<2x128xi32, #tpu.memory_space<hbm>>) target(%arg9 : memref<2x128xi32, #tpu.memory_space<vmem>>) target_semaphore(%arg16 : memref<!tpu.dma_semaphore, #tpu.memory_space<semaphore_mem>>)
    %dma_wait3A = arith.constant 0 : i32
    %dma_wait3A_43 = arith.constant 0 : i32
    %dma_wait3A_44 = tpu.memref_slice %arg3[%dma_wait3A, %dma_wait3A_43] : memref<2x320000xi32, #tpu.memory_space<hbm>> -> memref<2x128xi32, #tpu.memory_space<hbm>>
    %dma_wait3A_45 = arith.constant 0 : i32
    %dma_wait3A_46 = arith.constant 0 : i32
    %dma_wait3A_47 = tpu.memref_slice %arg3[%dma_wait3A_45, %dma_wait3A_46] : memref<2x320000xi32, #tpu.memory_space<hbm>> -> memref<2x128xi32, #tpu.memory_space<hbm>>
    tpu.wait_dma2 semaphore(%arg13 : memref<!tpu.dma_semaphore, #tpu.memory_space<semaphore_mem>>) src(%dma_wait3A_47 : memref<2x128xi32, #tpu.memory_space<hbm>>) dst(%arg6 : memref<2x128xi32, #tpu.memory_space<vmem>>)
    %dma_start3A_48 = arith.constant 0 : i32
    %dma_start3A_49 = arith.constant 0 : i32
    %dma_start3A_50 = tpu.memref_slice %arg6[%dma_start3A_48, %dma_start3A_49] : memref<2x128xi32, #tpu.memory_space<vmem>> -> memref<1x128xi32, #tpu.memory_space<vmem>>
    %dma_start3A_51 = tpu.memref_squeeze %dma_start3A_50 : memref<1x128xi32, #tpu.memory_space<vmem>> -> memref<128xi32, #tpu.memory_space<vmem>>
    %dma_start3A_52 = arith.constant 0 : i32
    %dma_start3A_53 = arith.constant 0 : i32
    %dma_start3A_54 = tpu.memref_slice %arg2[%dma_start3A_52, %dma_start3A_53] : memref<10000x128xf32, #tpu.memory_space<hbm>> -> memref<10000x128xf32, #tpu.memory_space<hbm>>
    tpu.enqueue_indirect_dma source(%dma_start3A_54 : memref<10000x128xf32, #tpu.memory_space<hbm>>) target(%arg10 : memref<128x128xf32, #tpu.memory_space<vmem>>) offsets(%dma_start3A_51 : memref<128xi32, #tpu.memory_space<vmem>>) semaphore(%arg17 : memref<!tpu.dma_semaphore, #tpu.memory_space<semaphore_mem>>)
    %dma_wait3A_55 = arith.constant 0 : i32
    %dma_wait3A_56 = arith.constant 0 : i32
    %dma_wait3A_57 = tpu.memref_slice %arg3[%dma_wait3A_55, %dma_wait3A_56] : memref<2x320000xi32, #tpu.memory_space<hbm>> -> memref<2x128xi32, #tpu.memory_space<hbm>>
    %dma_wait3A_58 = arith.constant 0 : i32
    %dma_wait3A_59 = arith.constant 0 : i32
    %dma_wait3A_60 = tpu.memref_slice %arg3[%dma_wait3A_58, %dma_wait3A_59] : memref<2x320000xi32, #tpu.memory_space<hbm>> -> memref<2x128xi32, #tpu.memory_space<hbm>>
    tpu.wait_dma2 semaphore(%arg14 : memref<!tpu.dma_semaphore, #tpu.memory_space<semaphore_mem>>) src(%dma_wait3A_60 : memref<2x128xi32, #tpu.memory_space<hbm>>) dst(%arg7 : memref<2x128xi32, #tpu.memory_space<vmem>>)
    %dma_start3A_61 = arith.constant 0 : i32
    %dma_start3A_62 = arith.constant 0 : i32
    %dma_start3A_63 = tpu.memref_slice %arg7[%dma_start3A_61, %dma_start3A_62] : memref<2x128xi32, #tpu.memory_space<vmem>> -> memref<1x128xi32, #tpu.memory_space<vmem>>
    %dma_start3A_64 = tpu.memref_squeeze %dma_start3A_63 : memref<1x128xi32, #tpu.memory_space<vmem>> -> memref<128xi32, #tpu.memory_space<vmem>>
    %dma_start3A_65 = arith.constant 0 : i32
    %dma_start3A_66 = arith.constant 0 : i32
    %dma_start3A_67 = tpu.memref_slice %arg2[%dma_start3A_65, %dma_start3A_66] : memref<10000x128xf32, #tpu.memory_space<hbm>> -> memref<10000x128xf32, #tpu.memory_space<hbm>>
    tpu.enqueue_indirect_dma source(%dma_start3A_67 : memref<10000x128xf32, #tpu.memory_space<hbm>>) target(%arg11 : memref<128x128xf32, #tpu.memory_space<vmem>>) offsets(%dma_start3A_64 : memref<128xi32, #tpu.memory_space<vmem>>) semaphore(%arg18 : memref<!tpu.dma_semaphore, #tpu.memory_space<semaphore_mem>>)
    %jit3A_68 = arith.constant 4 : i32
    %div3A = arith.divsi %select_n3A, %jit3A_68 : i32
    %sign3A = arith.constant 0 : i32
    %sign3A_69 = arith.cmpi sgt, %select_n3A, %sign3A : i32
    %sign3A_70 = arith.extui %sign3A_69 : i1 to i32
    %sign3A_71 = arith.constant 0 : i32
    %sign3A_72 = arith.cmpi slt, %select_n3A, %sign3A_71 : i32
    %sign3A_73 = arith.extui %sign3A_72 : i1 to i32
    %sign3A_74 = arith.subi %sign3A_70, %sign3A_73 : i32
    %sign3A_75 = arith.constant 0 : i32
    %sign3A_76 = arith.cmpi sgt, %jit3A_68, %sign3A_75 : i32
    %sign3A_77 = arith.extui %sign3A_76 : i1 to i32
    %sign3A_78 = arith.constant 0 : i32
    %sign3A_79 = arith.cmpi slt, %jit3A_68, %sign3A_78 : i32
    %sign3A_80 = arith.extui %sign3A_79 : i1 to i32
    %sign3A_81 = arith.subi %sign3A_77, %sign3A_80 : i32
    %ne3A = arith.cmpi ne, %sign3A_74, %sign3A_81 : i32
    %rem3A = arith.remsi %select_n3A, %jit3A_68 : i32
    %ne3A_82 = arith.constant 0 : i32
    %ne3A_83 = arith.cmpi ne, %rem3A, %ne3A_82 : i32
    %and3A = arith.andi %ne3A, %ne3A_83 : i1
    %sub3A = arith.constant 1 : i32
    %sub3A_84 = arith.subi %div3A, %sub3A : i32
    %select_n3A_85 = arith.select %and3A, %sub3A_84, %div3A : i32
    %sub3A_86 = arith.constant 0 : i32
    %sub3A_87 = arith.subi %select_n3A_85, %sub3A_86 : i32
    %sub3A_88 = arith.constant 1 : i32
    %sub3A_89 = arith.constant 1 : i32
    %sub3A_90 = arith.subi %sub3A_88, %sub3A_89 : i32
    %add3A_91 = arith.addi %sub3A_87, %sub3A_90 : i32
    %div3A_92 = arith.constant 1 : i32
    %div3A_93 = arith.divsi %add3A_91, %div3A_92 : i32
    %while3A = arith.constant 1 : i32
    %while3A_94 = arith.constant 0 : i32
    %while3A_95 = arith.constant 0 : i32
    %while3A_96 = arith.subi %div3A_93, %while3A_95 : i32
    %while3A_97 = arith.addi %while3A_95, %while3A_96 : i32
    %while3A_98 = arith.constant 1 : i32
    %while3A_99 = arith.divsi %while3A_96, %while3A_98 : i32
    %while3A_100 = arith.muli %while3A_99, %while3A_98 : i32
    %while3A_101 = arith.addi %while3A_95, %while3A_100 : i32
    %while3A_102 = arith.constant 1 : i32
    scf.for %while3A_110 = %while3A_95 to %while3A_101 step %while3A_102  : i32 {
      %mul3A_111 = arith.muli %while3A_110, %while3A : i32
      %add3A_112 = arith.addi %while3A_94, %mul3A_111 : i32
      %mul3A_113 = arith.constant 4 : i32
      %mul3A_114 = arith.muli %mul3A_113, %add3A_112 : i32
      %dma_wait3A_115 = arith.constant 0 : i32
      %dma_wait3A_116 = arith.constant 0 : i32
      %dma_wait3A_117 = tpu.memref_slice %arg6[%dma_wait3A_115, %dma_wait3A_116] : memref<2x128xi32, #tpu.memory_space<vmem>> -> memref<1x128xi32, #tpu.memory_space<vmem>>
      %dma_wait3A_118 = tpu.memref_squeeze %dma_wait3A_117 : memref<1x128xi32, #tpu.memory_space<vmem>> -> memref<128xi32, #tpu.memory_space<vmem>>
      %dma_wait3A_119 = arith.constant 0 : i32
      %dma_wait3A_120 = arith.constant 0 : i32
      %dma_wait3A_121 = tpu.memref_slice %arg2[%dma_wait3A_119, %dma_wait3A_120] : memref<10000x128xf32, #tpu.memory_space<hbm>> -> memref<10000x128xf32, #tpu.memory_space<hbm>>
      tpu.wait_indirect_dma semaphore(%arg17 : memref<!tpu.dma_semaphore, #tpu.memory_space<semaphore_mem>>) src(%dma_wait3A_121 : memref<10000x128xf32, #tpu.memory_space<hbm>>) dst(%arg10 : memref<128x128xf32, #tpu.memory_space<vmem>>)
      %run_scoped3A = arith.constant 1 : i32
      "tpu.region"() ({
        %run_scoped3A_208 = tpu.sem_alloc : memref<!tpu.dma_semaphore, #tpu.memory_space<semaphore_mem>>
        %dma_start3A_209 = arith.constant 0 : i32
        %dma_start3A_210 = tpu.memref_slice %arg6[%run_scoped3A, %dma_start3A_209] : memref<2x128xi32, #tpu.memory_space<vmem>> -> memref<1x128xi32, #tpu.memory_space<vmem>>
        %dma_start3A_211 = tpu.memref_squeeze %dma_start3A_210 : memref<1x128xi32, #tpu.memory_space<vmem>> -> memref<128xi32, #tpu.memory_space<vmem>>
        %dma_start3A_212 = arith.constant 0 : i32
        %dma_start3A_213 = arith.constant 0 : i32
        %dma_start3A_214 = tpu.memref_slice %arg12[%dma_start3A_212, %dma_start3A_213] : memref<10000x128xf32, #tpu.memory_space<vmem_shared>> -> memref<10000x128xf32, #tpu.memory_space<vmem_shared>>
        tpu.enqueue_indirect_dma source(%arg10 : memref<128x128xf32, #tpu.memory_space<vmem>>) target(%dma_start3A_214 : memref<10000x128xf32, #tpu.memory_space<vmem_shared>>) offsets(%dma_start3A_211 : memref<128xi32, #tpu.memory_space<vmem>>) semaphore(%run_scoped3A_208 : memref<!tpu.dma_semaphore, #tpu.memory_space<semaphore_mem>>) {add = true}
        %dma_wait3A_215 = arith.constant 0 : i32
        %dma_wait3A_216 = tpu.memref_slice %arg6[%run_scoped3A, %dma_wait3A_215] : memref<2x128xi32, #tpu.memory_space<vmem>> -> memref<1x128xi32, #tpu.memory_space<vmem>>
        %dma_wait3A_217 = tpu.memref_squeeze %dma_wait3A_216 : memref<1x128xi32, #tpu.memory_space<vmem>> -> memref<128xi32, #tpu.memory_space<vmem>>
        %dma_wait3A_218 = arith.constant 0 : i32
        %dma_wait3A_219 = arith.constant 0 : i32
        %dma_wait3A_220 = tpu.memref_slice %arg12[%dma_wait3A_218, %dma_wait3A_219] : memref<10000x128xf32, #tpu.memory_space<vmem_shared>> -> memref<10000x128xf32, #tpu.memory_space<vmem_shared>>
        tpu.wait_indirect_dma semaphore(%run_scoped3A_208 : memref<!tpu.dma_semaphore, #tpu.memory_space<semaphore_mem>>) src(%arg10 : memref<128x128xf32, #tpu.memory_space<vmem>>) dst(%dma_wait3A_220 : memref<10000x128xf32, #tpu.memory_space<vmem_shared>>)
        tpu.yield
      }) : () -> ()
      %add3A_122 = arith.constant 4 : i32
      %add3A_123 = arith.addi %mul3A_114, %add3A_122 : i32
      %lt3A_124 = arith.cmpi slt, %add3A_123, %select_n3A : i32
      %convert_element_type3A_125 = arith.extui %lt3A_124 : i1 to i32
      %cond3A_126 = arith.constant 0 : i32
      %cond3A_127 = arith.cmpi ne, %convert_element_type3A_125, %cond3A_126 : i32
      scf.if %cond3A_127 {
        %add3A_208 = arith.addi %add3A_6, %add3A_123 : i32
        %mul3A_209 = arith.constant 128 : i32
        %mul3A_210 = arith.muli %add3A_208, %mul3A_209 : i32
        %dma_start3A_211 = arith.constant 0 : i32
        %dma_start3A_212 = tpu.memref_slice %arg3[%dma_start3A_211, %mul3A_210] : memref<2x320000xi32, #tpu.memory_space<hbm>> -> memref<2x128xi32, #tpu.memory_space<hbm>>
        %dma_start3A_213 = arith.constant 0 : i32
        %dma_start3A_214 = tpu.memref_slice %arg3[%dma_start3A_213, %mul3A_210] : memref<2x320000xi32, #tpu.memory_space<hbm>> -> memref<2x128xi32, #tpu.memory_space<hbm>>
        tpu.enqueue_dma source(%dma_start3A_214 : memref<2x128xi32, #tpu.memory_space<hbm>>) target(%arg6 : memref<2x128xi32, #tpu.memory_space<vmem>>) target_semaphore(%arg13 : memref<!tpu.dma_semaphore, #tpu.memory_space<semaphore_mem>>)
      } else {
      }
      %dma_wait3A_128 = arith.constant 0 : i32
      %dma_wait3A_129 = arith.constant 0 : i32
      %dma_wait3A_130 = tpu.memref_slice %arg3[%dma_wait3A_128, %dma_wait3A_129] : memref<2x320000xi32, #tpu.memory_space<hbm>> -> memref<2x128xi32, #tpu.memory_space<hbm>>
      %dma_wait3A_131 = arith.constant 0 : i32
      %dma_wait3A_132 = arith.constant 0 : i32
      %dma_wait3A_133 = tpu.memref_slice %arg3[%dma_wait3A_131, %dma_wait3A_132] : memref<2x320000xi32, #tpu.memory_space<hbm>> -> memref<2x128xi32, #tpu.memory_space<hbm>>
      tpu.wait_dma2 semaphore(%arg15 : memref<!tpu.dma_semaphore, #tpu.memory_space<semaphore_mem>>) src(%dma_wait3A_133 : memref<2x128xi32, #tpu.memory_space<hbm>>) dst(%arg8 : memref<2x128xi32, #tpu.memory_space<vmem>>)
      %dma_start3A_134 = arith.constant 0 : i32
      %dma_start3A_135 = arith.constant 0 : i32
      %dma_start3A_136 = tpu.memref_slice %arg8[%dma_start3A_134, %dma_start3A_135] : memref<2x128xi32, #tpu.memory_space<vmem>> -> memref<1x128xi32, #tpu.memory_space<vmem>>
      %dma_start3A_137 = tpu.memref_squeeze %dma_start3A_136 : memref<1x128xi32, #tpu.memory_space<vmem>> -> memref<128xi32, #tpu.memory_space<vmem>>
      %dma_start3A_138 = arith.constant 0 : i32
      %dma_start3A_139 = arith.constant 0 : i32
      %dma_start3A_140 = tpu.memref_slice %arg2[%dma_start3A_138, %dma_start3A_139] : memref<10000x128xf32, #tpu.memory_space<hbm>> -> memref<10000x128xf32, #tpu.memory_space<hbm>>
      tpu.enqueue_indirect_dma source(%dma_start3A_140 : memref<10000x128xf32, #tpu.memory_space<hbm>>) target(%arg10 : memref<128x128xf32, #tpu.memory_space<vmem>>) offsets(%dma_start3A_137 : memref<128xi32, #tpu.memory_space<vmem>>) semaphore(%arg17 : memref<!tpu.dma_semaphore, #tpu.memory_space<semaphore_mem>>)
      %dma_wait3A_141 = arith.constant 0 : i32
      %dma_wait3A_142 = arith.constant 0 : i32
      %dma_wait3A_143 = tpu.memref_slice %arg7[%dma_wait3A_141, %dma_wait3A_142] : memref<2x128xi32, #tpu.memory_space<vmem>> -> memref<1x128xi32, #tpu.memory_space<vmem>>
      %dma_wait3A_144 = tpu.memref_squeeze %dma_wait3A_143 : memref<1x128xi32, #tpu.memory_space<vmem>> -> memref<128xi32, #tpu.memory_space<vmem>>
      %dma_wait3A_145 = arith.constant 0 : i32
      %dma_wait3A_146 = arith.constant 0 : i32
      %dma_wait3A_147 = tpu.memref_slice %arg2[%dma_wait3A_145, %dma_wait3A_146] : memref<10000x128xf32, #tpu.memory_space<hbm>> -> memref<10000x128xf32, #tpu.memory_space<hbm>>
      tpu.wait_indirect_dma semaphore(%arg18 : memref<!tpu.dma_semaphore, #tpu.memory_space<semaphore_mem>>) src(%dma_wait3A_147 : memref<10000x128xf32, #tpu.memory_space<hbm>>) dst(%arg11 : memref<128x128xf32, #tpu.memory_space<vmem>>)
      %run_scoped3A_148 = arith.constant 1 : i32
      "tpu.region"() ({
        %run_scoped3A_208 = tpu.sem_alloc : memref<!tpu.dma_semaphore, #tpu.memory_space<semaphore_mem>>
        %dma_start3A_209 = arith.constant 0 : i32
        %dma_start3A_210 = tpu.memref_slice %arg7[%run_scoped3A_148, %dma_start3A_209] : memref<2x128xi32, #tpu.memory_space<vmem>> -> memref<1x128xi32, #tpu.memory_space<vmem>>
        %dma_start3A_211 = tpu.memref_squeeze %dma_start3A_210 : memref<1x128xi32, #tpu.memory_space<vmem>> -> memref<128xi32, #tpu.memory_space<vmem>>
        %dma_start3A_212 = arith.constant 0 : i32
        %dma_start3A_213 = arith.constant 0 : i32
        %dma_start3A_214 = tpu.memref_slice %arg12[%dma_start3A_212, %dma_start3A_213] : memref<10000x128xf32, #tpu.memory_space<vmem_shared>> -> memref<10000x128xf32, #tpu.memory_space<vmem_shared>>
        tpu.enqueue_indirect_dma source(%arg11 : memref<128x128xf32, #tpu.memory_space<vmem>>) target(%dma_start3A_214 : memref<10000x128xf32, #tpu.memory_space<vmem_shared>>) offsets(%dma_start3A_211 : memref<128xi32, #tpu.memory_space<vmem>>) semaphore(%run_scoped3A_208 : memref<!tpu.dma_semaphore, #tpu.memory_space<semaphore_mem>>) {add = true}
        %dma_wait3A_215 = arith.constant 0 : i32
        %dma_wait3A_216 = tpu.memref_slice %arg7[%run_scoped3A_148, %dma_wait3A_215] : memref<2x128xi32, #tpu.memory_space<vmem>> -> memref<1x128xi32, #tpu.memory_space<vmem>>
        %dma_wait3A_217 = tpu.memref_squeeze %dma_wait3A_216 : memref<1x128xi32, #tpu.memory_space<vmem>> -> memref<128xi32, #tpu.memory_space<vmem>>
        %dma_wait3A_218 = arith.constant 0 : i32
        %dma_wait3A_219 = arith.constant 0 : i32
        %dma_wait3A_220 = tpu.memref_slice %arg12[%dma_wait3A_218, %dma_wait3A_219] : memref<10000x128xf32, #tpu.memory_space<vmem_shared>> -> memref<10000x128xf32, #tpu.memory_space<vmem_shared>>
        tpu.wait_indirect_dma semaphore(%run_scoped3A_208 : memref<!tpu.dma_semaphore, #tpu.memory_space<semaphore_mem>>) src(%arg11 : memref<128x128xf32, #tpu.memory_space<vmem>>) dst(%dma_wait3A_220 : memref<10000x128xf32, #tpu.memory_space<vmem_shared>>)
        tpu.yield
      }) : () -> ()
      %add3A_149 = arith.constant 5 : i32
      %add3A_150 = arith.addi %mul3A_114, %add3A_149 : i32
      %lt3A_151 = arith.cmpi slt, %add3A_150, %select_n3A : i32
      %convert_element_type3A_152 = arith.extui %lt3A_151 : i1 to i32
      %cond3A_153 = arith.constant 0 : i32
      %cond3A_154 = arith.cmpi ne, %convert_element_type3A_152, %cond3A_153 : i32
      scf.if %cond3A_154 {
        %add3A_208 = arith.addi %add3A_6, %add3A_150 : i32
        %mul3A_209 = arith.constant 128 : i32
        %mul3A_210 = arith.muli %add3A_208, %mul3A_209 : i32
        %dma_start3A_211 = arith.constant 0 : i32
        %dma_start3A_212 = tpu.memref_slice %arg3[%dma_start3A_211, %mul3A_210] : memref<2x320000xi32, #tpu.memory_space<hbm>> -> memref<2x128xi32, #tpu.memory_space<hbm>>
        %dma_start3A_213 = arith.constant 0 : i32
        %dma_start3A_214 = tpu.memref_slice %arg3[%dma_start3A_213, %mul3A_210] : memref<2x320000xi32, #tpu.memory_space<hbm>> -> memref<2x128xi32, #tpu.memory_space<hbm>>
        tpu.enqueue_dma source(%dma_start3A_214 : memref<2x128xi32, #tpu.memory_space<hbm>>) target(%arg7 : memref<2x128xi32, #tpu.memory_space<vmem>>) target_semaphore(%arg14 : memref<!tpu.dma_semaphore, #tpu.memory_space<semaphore_mem>>)
      } else {
      }
      %dma_wait3A_155 = arith.constant 0 : i32
      %dma_wait3A_156 = arith.constant 0 : i32
      %dma_wait3A_157 = tpu.memref_slice %arg3[%dma_wait3A_155, %dma_wait3A_156] : memref<2x320000xi32, #tpu.memory_space<hbm>> -> memref<2x128xi32, #tpu.memory_space<hbm>>
      %dma_wait3A_158 = arith.constant 0 : i32
      %dma_wait3A_159 = arith.constant 0 : i32
      %dma_wait3A_160 = tpu.memref_slice %arg3[%dma_wait3A_158, %dma_wait3A_159] : memref<2x320000xi32, #tpu.memory_space<hbm>> -> memref<2x128xi32, #tpu.memory_space<hbm>>
      tpu.wait_dma2 semaphore(%arg16 : memref<!tpu.dma_semaphore, #tpu.memory_space<semaphore_mem>>) src(%dma_wait3A_160 : memref<2x128xi32, #tpu.memory_space<hbm>>) dst(%arg9 : memref<2x128xi32, #tpu.memory_space<vmem>>)
      %dma_start3A_161 = arith.constant 0 : i32
      %dma_start3A_162 = arith.constant 0 : i32
      %dma_start3A_163 = tpu.memref_slice %arg9[%dma_start3A_161, %dma_start3A_162] : memref<2x128xi32, #tpu.memory_space<vmem>> -> memref<1x128xi32, #tpu.memory_space<vmem>>
      %dma_start3A_164 = tpu.memref_squeeze %dma_start3A_163 : memref<1x128xi32, #tpu.memory_space<vmem>> -> memref<128xi32, #tpu.memory_space<vmem>>
      %dma_start3A_165 = arith.constant 0 : i32
      %dma_start3A_166 = arith.constant 0 : i32
      %dma_start3A_167 = tpu.memref_slice %arg2[%dma_start3A_165, %dma_start3A_166] : memref<10000x128xf32, #tpu.memory_space<hbm>> -> memref<10000x128xf32, #tpu.memory_space<hbm>>
      tpu.enqueue_indirect_dma source(%dma_start3A_167 : memref<10000x128xf32, #tpu.memory_space<hbm>>) target(%arg11 : memref<128x128xf32, #tpu.memory_space<vmem>>) offsets(%dma_start3A_164 : memref<128xi32, #tpu.memory_space<vmem>>) semaphore(%arg18 : memref<!tpu.dma_semaphore, #tpu.memory_space<semaphore_mem>>)
      %dma_wait3A_168 = arith.constant 0 : i32
      %dma_wait3A_169 = arith.constant 0 : i32
      %dma_wait3A_170 = tpu.memref_slice %arg8[%dma_wait3A_168, %dma_wait3A_169] : memref<2x128xi32, #tpu.memory_space<vmem>> -> memref<1x128xi32, #tpu.memory_space<vmem>>
      %dma_wait3A_171 = tpu.memref_squeeze %dma_wait3A_170 : memref<1x128xi32, #tpu.memory_space<vmem>> -> memref<128xi32, #tpu.memory_space<vmem>>
      %dma_wait3A_172 = arith.constant 0 : i32
      %dma_wait3A_173 = arith.constant 0 : i32
      %dma_wait3A_174 = tpu.memref_slice %arg2[%dma_wait3A_172, %dma_wait3A_173] : memref<10000x128xf32, #tpu.memory_space<hbm>> -> memref<10000x128xf32, #tpu.memory_space<hbm>>
      tpu.wait_indirect_dma semaphore(%arg17 : memref<!tpu.dma_semaphore, #tpu.memory_space<semaphore_mem>>) src(%dma_wait3A_174 : memref<10000x128xf32, #tpu.memory_space<hbm>>) dst(%arg10 : memref<128x128xf32, #tpu.memory_space<vmem>>)
      %run_scoped3A_175 = arith.constant 1 : i32
      "tpu.region"() ({
        %run_scoped3A_208 = tpu.sem_alloc : memref<!tpu.dma_semaphore, #tpu.memory_space<semaphore_mem>>
        %dma_start3A_209 = arith.constant 0 : i32
        %dma_start3A_210 = tpu.memref_slice %arg8[%run_scoped3A_175, %dma_start3A_209] : memref<2x128xi32, #tpu.memory_space<vmem>> -> memref<1x128xi32, #tpu.memory_space<vmem>>
        %dma_start3A_211 = tpu.memref_squeeze %dma_start3A_210 : memref<1x128xi32, #tpu.memory_space<vmem>> -> memref<128xi32, #tpu.memory_space<vmem>>
        %dma_start3A_212 = arith.constant 0 : i32
        %dma_start3A_213 = arith.constant 0 : i32
        %dma_start3A_214 = tpu.memref_slice %arg12[%dma_start3A_212, %dma_start3A_213] : memref<10000x128xf32, #tpu.memory_space<vmem_shared>> -> memref<10000x128xf32, #tpu.memory_space<vmem_shared>>
        tpu.enqueue_indirect_dma source(%arg10 : memref<128x128xf32, #tpu.memory_space<vmem>>) target(%dma_start3A_214 : memref<10000x128xf32, #tpu.memory_space<vmem_shared>>) offsets(%dma_start3A_211 : memref<128xi32, #tpu.memory_space<vmem>>) semaphore(%run_scoped3A_208 : memref<!tpu.dma_semaphore, #tpu.memory_space<semaphore_mem>>) {add = true}
        %dma_wait3A_215 = arith.constant 0 : i32
        %dma_wait3A_216 = tpu.memref_slice %arg8[%run_scoped3A_175, %dma_wait3A_215] : memref<2x128xi32, #tpu.memory_space<vmem>> -> memref<1x128xi32, #tpu.memory_space<vmem>>
        %dma_wait3A_217 = tpu.memref_squeeze %dma_wait3A_216 : memref<1x128xi32, #tpu.memory_space<vmem>> -> memref<128xi32, #tpu.memory_space<vmem>>
        %dma_wait3A_218 = arith.constant 0 : i32
        %dma_wait3A_219 = arith.constant 0 : i32
        %dma_wait3A_220 = tpu.memref_slice %arg12[%dma_wait3A_218, %dma_wait3A_219] : memref<10000x128xf32, #tpu.memory_space<vmem_shared>> -> memref<10000x128xf32, #tpu.memory_space<vmem_shared>>
        tpu.wait_indirect_dma semaphore(%run_scoped3A_208 : memref<!tpu.dma_semaphore, #tpu.memory_space<semaphore_mem>>) src(%arg10 : memref<128x128xf32, #tpu.memory_space<vmem>>) dst(%dma_wait3A_220 : memref<10000x128xf32, #tpu.memory_space<vmem_shared>>)
        tpu.yield
      }) : () -> ()
      %add3A_176 = arith.constant 6 : i32
      %add3A_177 = arith.addi %mul3A_114, %add3A_176 : i32
      %lt3A_178 = arith.cmpi slt, %add3A_177, %select_n3A : i32
      %convert_element_type3A_179 = arith.extui %lt3A_178 : i1 to i32
      %cond3A_180 = arith.constant 0 : i32
      %cond3A_181 = arith.cmpi ne, %convert_element_type3A_179, %cond3A_180 : i32
      scf.if %cond3A_181 {
        %add3A_208 = arith.addi %add3A_6, %add3A_177 : i32
        %mul3A_209 = arith.constant 128 : i32
        %mul3A_210 = arith.muli %add3A_208, %mul3A_209 : i32
        %dma_start3A_211 = arith.constant 0 : i32
        %dma_start3A_212 = tpu.memref_slice %arg3[%dma_start3A_211, %mul3A_210] : memref<2x320000xi32, #tpu.memory_space<hbm>> -> memref<2x128xi32, #tpu.memory_space<hbm>>
        %dma_start3A_213 = arith.constant 0 : i32
        %dma_start3A_214 = tpu.memref_slice %arg3[%dma_start3A_213, %mul3A_210] : memref<2x320000xi32, #tpu.memory_space<hbm>> -> memref<2x128xi32, #tpu.memory_space<hbm>>
        tpu.enqueue_dma source(%dma_start3A_214 : memref<2x128xi32, #tpu.memory_space<hbm>>) target(%arg8 : memref<2x128xi32, #tpu.memory_space<vmem>>) target_semaphore(%arg15 : memref<!tpu.dma_semaphore, #tpu.memory_space<semaphore_mem>>)
      } else {
      }
      %add3A_182 = arith.constant 4 : i32
      %add3A_183 = arith.addi %mul3A_114, %add3A_182 : i32
      %lt3A_184 = arith.cmpi slt, %add3A_183, %select_n3A : i32
      %convert_element_type3A_185 = arith.extui %lt3A_184 : i1 to i32
      %cond3A_186 = arith.constant 0 : i32
      %cond3A_187 = arith.cmpi ne, %convert_element_type3A_185, %cond3A_186 : i32
      scf.if %cond3A_187 {
        %dma_wait3A_208 = arith.constant 0 : i32
        %dma_wait3A_209 = arith.constant 0 : i32
        %dma_wait3A_210 = tpu.memref_slice %arg3[%dma_wait3A_208, %dma_wait3A_209] : memref<2x320000xi32, #tpu.memory_space<hbm>> -> memref<2x128xi32, #tpu.memory_space<hbm>>
        %dma_wait3A_211 = arith.constant 0 : i32
        %dma_wait3A_212 = arith.constant 0 : i32
        %dma_wait3A_213 = tpu.memref_slice %arg3[%dma_wait3A_211, %dma_wait3A_212] : memref<2x320000xi32, #tpu.memory_space<hbm>> -> memref<2x128xi32, #tpu.memory_space<hbm>>
        tpu.wait_dma2 semaphore(%arg13 : memref<!tpu.dma_semaphore, #tpu.memory_space<semaphore_mem>>) src(%dma_wait3A_213 : memref<2x128xi32, #tpu.memory_space<hbm>>) dst(%arg6 : memref<2x128xi32, #tpu.memory_space<vmem>>)
        %dma_start3A_214 = arith.constant 0 : i32
        %dma_start3A_215 = arith.constant 0 : i32
        %dma_start3A_216 = tpu.memref_slice %arg6[%dma_start3A_214, %dma_start3A_215] : memref<2x128xi32, #tpu.memory_space<vmem>> -> memref<1x128xi32, #tpu.memory_space<vmem>>
        %dma_start3A_217 = tpu.memref_squeeze %dma_start3A_216 : memref<1x128xi32, #tpu.memory_space<vmem>> -> memref<128xi32, #tpu.memory_space<vmem>>
        %dma_start3A_218 = arith.constant 0 : i32
        %dma_start3A_219 = arith.constant 0 : i32
        %dma_start3A_220 = tpu.memref_slice %arg2[%dma_start3A_218, %dma_start3A_219] : memref<10000x128xf32, #tpu.memory_space<hbm>> -> memref<10000x128xf32, #tpu.memory_space<hbm>>
        tpu.enqueue_indirect_dma source(%dma_start3A_220 : memref<10000x128xf32, #tpu.memory_space<hbm>>) target(%arg10 : memref<128x128xf32, #tpu.memory_space<vmem>>) offsets(%dma_start3A_217 : memref<128xi32, #tpu.memory_space<vmem>>) semaphore(%arg17 : memref<!tpu.dma_semaphore, #tpu.memory_space<semaphore_mem>>)
      } else {
      }
      %dma_wait3A_188 = arith.constant 0 : i32
      %dma_wait3A_189 = arith.constant 0 : i32
      %dma_wait3A_190 = tpu.memref_slice %arg9[%dma_wait3A_188, %dma_wait3A_189] : memref<2x128xi32, #tpu.memory_space<vmem>> -> memref<1x128xi32, #tpu.memory_space<vmem>>
      %dma_wait3A_191 = tpu.memref_squeeze %dma_wait3A_190 : memref<1x128xi32, #tpu.memory_space<vmem>> -> memref<128xi32, #tpu.memory_space<vmem>>
      %dma_wait3A_192 = arith.constant 0 : i32
      %dma_wait3A_193 = arith.constant 0 : i32
      %dma_wait3A_194 = tpu.memref_slice %arg2[%dma_wait3A_192, %dma_wait3A_193] : memref<10000x128xf32, #tpu.memory_space<hbm>> -> memref<10000x128xf32, #tpu.memory_space<hbm>>
      tpu.wait_indirect_dma semaphore(%arg18 : memref<!tpu.dma_semaphore, #tpu.memory_space<semaphore_mem>>) src(%dma_wait3A_194 : memref<10000x128xf32, #tpu.memory_space<hbm>>) dst(%arg11 : memref<128x128xf32, #tpu.memory_space<vmem>>)
      %run_scoped3A_195 = arith.constant 1 : i32
      "tpu.region"() ({
        %run_scoped3A_208 = tpu.sem_alloc : memref<!tpu.dma_semaphore, #tpu.memory_space<semaphore_mem>>
        %dma_start3A_209 = arith.constant 0 : i32
        %dma_start3A_210 = tpu.memref_slice %arg9[%run_scoped3A_195, %dma_start3A_209] : memref<2x128xi32, #tpu.memory_space<vmem>> -> memref<1x128xi32, #tpu.memory_space<vmem>>
        %dma_start3A_211 = tpu.memref_squeeze %dma_start3A_210 : memref<1x128xi32, #tpu.memory_space<vmem>> -> memref<128xi32, #tpu.memory_space<vmem>>
        %dma_start3A_212 = arith.constant 0 : i32
        %dma_start3A_213 = arith.constant 0 : i32
        %dma_start3A_214 = tpu.memref_slice %arg12[%dma_start3A_212, %dma_start3A_213] : memref<10000x128xf32, #tpu.memory_space<vmem_shared>> -> memref<10000x128xf32, #tpu.memory_space<vmem_shared>>
        tpu.enqueue_indirect_dma source(%arg11 : memref<128x128xf32, #tpu.memory_space<vmem>>) target(%dma_start3A_214 : memref<10000x128xf32, #tpu.memory_space<vmem_shared>>) offsets(%dma_start3A_211 : memref<128xi32, #tpu.memory_space<vmem>>) semaphore(%run_scoped3A_208 : memref<!tpu.dma_semaphore, #tpu.memory_space<semaphore_mem>>) {add = true}
        %dma_wait3A_215 = arith.constant 0 : i32
        %dma_wait3A_216 = tpu.memref_slice %arg9[%run_scoped3A_195, %dma_wait3A_215] : memref<2x128xi32, #tpu.memory_space<vmem>> -> memref<1x128xi32, #tpu.memory_space<vmem>>
        %dma_wait3A_217 = tpu.memref_squeeze %dma_wait3A_216 : memref<1x128xi32, #tpu.memory_space<vmem>> -> memref<128xi32, #tpu.memory_space<vmem>>
        %dma_wait3A_218 = arith.constant 0 : i32
        %dma_wait3A_219 = arith.constant 0 : i32
        %dma_wait3A_220 = tpu.memref_slice %arg12[%dma_wait3A_218, %dma_wait3A_219] : memref<10000x128xf32, #tpu.memory_space<vmem_shared>> -> memref<10000x128xf32, #tpu.memory_space<vmem_shared>>
        tpu.wait_indirect_dma semaphore(%run_scoped3A_208 : memref<!tpu.dma_semaphore, #tpu.memory_space<semaphore_mem>>) src(%arg11 : memref<128x128xf32, #tpu.memory_space<vmem>>) dst(%dma_wait3A_220 : memref<10000x128xf32, #tpu.memory_space<vmem_shared>>)
        tpu.yield
      }) : () -> ()
      %add3A_196 = arith.constant 7 : i32
      %add3A_197 = arith.addi %mul3A_114, %add3A_196 : i32
      %lt3A_198 = arith.cmpi slt, %add3A_197, %select_n3A : i32
      %convert_element_type3A_199 = arith.extui %lt3A_198 : i1 to i32
      %cond3A_200 = arith.constant 0 : i32
      %cond3A_201 = arith.cmpi ne, %convert_element_type3A_199, %cond3A_200 : i32
      scf.if %cond3A_201 {
        %add3A_208 = arith.addi %add3A_6, %add3A_197 : i32
        %mul3A_209 = arith.constant 128 : i32
        %mul3A_210 = arith.muli %add3A_208, %mul3A_209 : i32
        %dma_start3A_211 = arith.constant 0 : i32
        %dma_start3A_212 = tpu.memref_slice %arg3[%dma_start3A_211, %mul3A_210] : memref<2x320000xi32, #tpu.memory_space<hbm>> -> memref<2x128xi32, #tpu.memory_space<hbm>>
        %dma_start3A_213 = arith.constant 0 : i32
        %dma_start3A_214 = tpu.memref_slice %arg3[%dma_start3A_213, %mul3A_210] : memref<2x320000xi32, #tpu.memory_space<hbm>> -> memref<2x128xi32, #tpu.memory_space<hbm>>
        tpu.enqueue_dma source(%dma_start3A_214 : memref<2x128xi32, #tpu.memory_space<hbm>>) target(%arg9 : memref<2x128xi32, #tpu.memory_space<vmem>>) target_semaphore(%arg16 : memref<!tpu.dma_semaphore, #tpu.memory_space<semaphore_mem>>)
      } else {
      }
      %add3A_202 = arith.constant 5 : i32
      %add3A_203 = arith.addi %mul3A_114, %add3A_202 : i32
      %lt3A_204 = arith.cmpi slt, %add3A_203, %select_n3A : i32
      %convert_element_type3A_205 = arith.extui %lt3A_204 : i1 to i32
      %cond3A_206 = arith.constant 0 : i32
      %cond3A_207 = arith.cmpi ne, %convert_element_type3A_205, %cond3A_206 : i32
      scf.if %cond3A_207 {
        %dma_wait3A_208 = arith.constant 0 : i32
        %dma_wait3A_209 = arith.constant 0 : i32
        %dma_wait3A_210 = tpu.memref_slice %arg3[%dma_wait3A_208, %dma_wait3A_209] : memref<2x320000xi32, #tpu.memory_space<hbm>> -> memref<2x128xi32, #tpu.memory_space<hbm>>
        %dma_wait3A_211 = arith.constant 0 : i32
        %dma_wait3A_212 = arith.constant 0 : i32
        %dma_wait3A_213 = tpu.memref_slice %arg3[%dma_wait3A_211, %dma_wait3A_212] : memref<2x320000xi32, #tpu.memory_space<hbm>> -> memref<2x128xi32, #tpu.memory_space<hbm>>
        tpu.wait_dma2 semaphore(%arg14 : memref<!tpu.dma_semaphore, #tpu.memory_space<semaphore_mem>>) src(%dma_wait3A_213 : memref<2x128xi32, #tpu.memory_space<hbm>>) dst(%arg7 : memref<2x128xi32, #tpu.memory_space<vmem>>)
        %dma_start3A_214 = arith.constant 0 : i32
        %dma_start3A_215 = arith.constant 0 : i32
        %dma_start3A_216 = tpu.memref_slice %arg7[%dma_start3A_214, %dma_start3A_215] : memref<2x128xi32, #tpu.memory_space<vmem>> -> memref<1x128xi32, #tpu.memory_space<vmem>>
        %dma_start3A_217 = tpu.memref_squeeze %dma_start3A_216 : memref<1x128xi32, #tpu.memory_space<vmem>> -> memref<128xi32, #tpu.memory_space<vmem>>
        %dma_start3A_218 = arith.constant 0 : i32
        %dma_start3A_219 = arith.constant 0 : i32
        %dma_start3A_220 = tpu.memref_slice %arg2[%dma_start3A_218, %dma_start3A_219] : memref<10000x128xf32, #tpu.memory_space<hbm>> -> memref<10000x128xf32, #tpu.memory_space<hbm>>
        tpu.enqueue_indirect_dma source(%dma_start3A_220 : memref<10000x128xf32, #tpu.memory_space<hbm>>) target(%arg11 : memref<128x128xf32, #tpu.memory_space<vmem>>) offsets(%dma_start3A_217 : memref<128xi32, #tpu.memory_space<vmem>>) semaphore(%arg18 : memref<!tpu.dma_semaphore, #tpu.memory_space<semaphore_mem>>)
      } else {
      }
    }
    %while3A_103 = arith.constant 1 : i32
    scf.for %while3A_110 = %while3A_101 to %while3A_97 step %while3A_103  : i32 {
      %mul3A_111 = arith.muli %while3A_110, %while3A : i32
      %add3A_112 = arith.addi %while3A_94, %mul3A_111 : i32
      %mul3A_113 = arith.constant 4 : i32
      %mul3A_114 = arith.muli %mul3A_113, %add3A_112 : i32
      %dma_wait3A_115 = arith.constant 0 : i32
      %dma_wait3A_116 = arith.constant 0 : i32
      %dma_wait3A_117 = tpu.memref_slice %arg6[%dma_wait3A_115, %dma_wait3A_116] : memref<2x128xi32, #tpu.memory_space<vmem>> -> memref<1x128xi32, #tpu.memory_space<vmem>>
      %dma_wait3A_118 = tpu.memref_squeeze %dma_wait3A_117 : memref<1x128xi32, #tpu.memory_space<vmem>> -> memref<128xi32, #tpu.memory_space<vmem>>
      %dma_wait3A_119 = arith.constant 0 : i32
      %dma_wait3A_120 = arith.constant 0 : i32
      %dma_wait3A_121 = tpu.memref_slice %arg2[%dma_wait3A_119, %dma_wait3A_120] : memref<10000x128xf32, #tpu.memory_space<hbm>> -> memref<10000x128xf32, #tpu.memory_space<hbm>>
      tpu.wait_indirect_dma semaphore(%arg17 : memref<!tpu.dma_semaphore, #tpu.memory_space<semaphore_mem>>) src(%dma_wait3A_121 : memref<10000x128xf32, #tpu.memory_space<hbm>>) dst(%arg10 : memref<128x128xf32, #tpu.memory_space<vmem>>)
      %run_scoped3A = arith.constant 1 : i32
      "tpu.region"() ({
        %run_scoped3A_208 = tpu.sem_alloc : memref<!tpu.dma_semaphore, #tpu.memory_space<semaphore_mem>>
        %dma_start3A_209 = arith.constant 0 : i32
        %dma_start3A_210 = tpu.memref_slice %arg6[%run_scoped3A, %dma_start3A_209] : memref<2x128xi32, #tpu.memory_space<vmem>> -> memref<1x128xi32, #tpu.memory_space<vmem>>
        %dma_start3A_211 = tpu.memref_squeeze %dma_start3A_210 : memref<1x128xi32, #tpu.memory_space<vmem>> -> memref<128xi32, #tpu.memory_space<vmem>>
        %dma_start3A_212 = arith.constant 0 : i32
        %dma_start3A_213 = arith.constant 0 : i32
        %dma_start3A_214 = tpu.memref_slice %arg12[%dma_start3A_212, %dma_start3A_213] : memref<10000x128xf32, #tpu.memory_space<vmem_shared>> -> memref<10000x128xf32, #tpu.memory_space<vmem_shared>>
        tpu.enqueue_indirect_dma source(%arg10 : memref<128x128xf32, #tpu.memory_space<vmem>>) target(%dma_start3A_214 : memref<10000x128xf32, #tpu.memory_space<vmem_shared>>) offsets(%dma_start3A_211 : memref<128xi32, #tpu.memory_space<vmem>>) semaphore(%run_scoped3A_208 : memref<!tpu.dma_semaphore, #tpu.memory_space<semaphore_mem>>) {add = true}
        %dma_wait3A_215 = arith.constant 0 : i32
        %dma_wait3A_216 = tpu.memref_slice %arg6[%run_scoped3A, %dma_wait3A_215] : memref<2x128xi32, #tpu.memory_space<vmem>> -> memref<1x128xi32, #tpu.memory_space<vmem>>
        %dma_wait3A_217 = tpu.memref_squeeze %dma_wait3A_216 : memref<1x128xi32, #tpu.memory_space<vmem>> -> memref<128xi32, #tpu.memory_space<vmem>>
        %dma_wait3A_218 = arith.constant 0 : i32
        %dma_wait3A_219 = arith.constant 0 : i32
        %dma_wait3A_220 = tpu.memref_slice %arg12[%dma_wait3A_218, %dma_wait3A_219] : memref<10000x128xf32, #tpu.memory_space<vmem_shared>> -> memref<10000x128xf32, #tpu.memory_space<vmem_shared>>
        tpu.wait_indirect_dma semaphore(%run_scoped3A_208 : memref<!tpu.dma_semaphore, #tpu.memory_space<semaphore_mem>>) src(%arg10 : memref<128x128xf32, #tpu.memory_space<vmem>>) dst(%dma_wait3A_220 : memref<10000x128xf32, #tpu.memory_space<vmem_shared>>)
        tpu.yield
      }) : () -> ()
      %add3A_122 = arith.constant 4 : i32
      %add3A_123 = arith.addi %mul3A_114, %add3A_122 : i32
      %lt3A_124 = arith.cmpi slt, %add3A_123, %select_n3A : i32
      %convert_element_type3A_125 = arith.extui %lt3A_124 : i1 to i32
      %cond3A_126 = arith.constant 0 : i32
      %cond3A_127 = arith.cmpi ne, %convert_element_type3A_125, %cond3A_126 : i32
      scf.if %cond3A_127 {
        %add3A_208 = arith.addi %add3A_6, %add3A_123 : i32
        %mul3A_209 = arith.constant 128 : i32
        %mul3A_210 = arith.muli %add3A_208, %mul3A_209 : i32
        %dma_start3A_211 = arith.constant 0 : i32
        %dma_start3A_212 = tpu.memref_slice %arg3[%dma_start3A_211, %mul3A_210] : memref<2x320000xi32, #tpu.memory_space<hbm>> -> memref<2x128xi32, #tpu.memory_space<hbm>>
        %dma_start3A_213 = arith.constant 0 : i32
        %dma_start3A_214 = tpu.memref_slice %arg3[%dma_start3A_213, %mul3A_210] : memref<2x320000xi32, #tpu.memory_space<hbm>> -> memref<2x128xi32, #tpu.memory_space<hbm>>
        tpu.enqueue_dma source(%dma_start3A_214 : memref<2x128xi32, #tpu.memory_space<hbm>>) target(%arg6 : memref<2x128xi32, #tpu.memory_space<vmem>>) target_semaphore(%arg13 : memref<!tpu.dma_semaphore, #tpu.memory_space<semaphore_mem>>)
      } else {
      }
      %dma_wait3A_128 = arith.constant 0 : i32
      %dma_wait3A_129 = arith.constant 0 : i32
      %dma_wait3A_130 = tpu.memref_slice %arg3[%dma_wait3A_128, %dma_wait3A_129] : memref<2x320000xi32, #tpu.memory_space<hbm>> -> memref<2x128xi32, #tpu.memory_space<hbm>>
      %dma_wait3A_131 = arith.constant 0 : i32
      %dma_wait3A_132 = arith.constant 0 : i32
      %dma_wait3A_133 = tpu.memref_slice %arg3[%dma_wait3A_131, %dma_wait3A_132] : memref<2x320000xi32, #tpu.memory_space<hbm>> -> memref<2x128xi32, #tpu.memory_space<hbm>>
      tpu.wait_dma2 semaphore(%arg15 : memref<!tpu.dma_semaphore, #tpu.memory_space<semaphore_mem>>) src(%dma_wait3A_133 : memref<2x128xi32, #tpu.memory_space<hbm>>) dst(%arg8 : memref<2x128xi32, #tpu.memory_space<vmem>>)
      %dma_start3A_134 = arith.constant 0 : i32
      %dma_start3A_135 = arith.constant 0 : i32
      %dma_start3A_136 = tpu.memref_slice %arg8[%dma_start3A_134, %dma_start3A_135] : memref<2x128xi32, #tpu.memory_space<vmem>> -> memref<1x128xi32, #tpu.memory_space<vmem>>
      %dma_start3A_137 = tpu.memref_squeeze %dma_start3A_136 : memref<1x128xi32, #tpu.memory_space<vmem>> -> memref<128xi32, #tpu.memory_space<vmem>>
      %dma_start3A_138 = arith.constant 0 : i32
      %dma_start3A_139 = arith.constant 0 : i32
      %dma_start3A_140 = tpu.memref_slice %arg2[%dma_start3A_138, %dma_start3A_139] : memref<10000x128xf32, #tpu.memory_space<hbm>> -> memref<10000x128xf32, #tpu.memory_space<hbm>>
      tpu.enqueue_indirect_dma source(%dma_start3A_140 : memref<10000x128xf32, #tpu.memory_space<hbm>>) target(%arg10 : memref<128x128xf32, #tpu.memory_space<vmem>>) offsets(%dma_start3A_137 : memref<128xi32, #tpu.memory_space<vmem>>) semaphore(%arg17 : memref<!tpu.dma_semaphore, #tpu.memory_space<semaphore_mem>>)
      %dma_wait3A_141 = arith.constant 0 : i32
      %dma_wait3A_142 = arith.constant 0 : i32
      %dma_wait3A_143 = tpu.memref_slice %arg7[%dma_wait3A_141, %dma_wait3A_142] : memref<2x128xi32, #tpu.memory_space<vmem>> -> memref<1x128xi32, #tpu.memory_space<vmem>>
      %dma_wait3A_144 = tpu.memref_squeeze %dma_wait3A_143 : memref<1x128xi32, #tpu.memory_space<vmem>> -> memref<128xi32, #tpu.memory_space<vmem>>
      %dma_wait3A_145 = arith.constant 0 : i32
      %dma_wait3A_146 = arith.constant 0 : i32
      %dma_wait3A_147 = tpu.memref_slice %arg2[%dma_wait3A_145, %dma_wait3A_146] : memref<10000x128xf32, #tpu.memory_space<hbm>> -> memref<10000x128xf32, #tpu.memory_space<hbm>>
      tpu.wait_indirect_dma semaphore(%arg18 : memref<!tpu.dma_semaphore, #tpu.memory_space<semaphore_mem>>) src(%dma_wait3A_147 : memref<10000x128xf32, #tpu.memory_space<hbm>>) dst(%arg11 : memref<128x128xf32, #tpu.memory_space<vmem>>)
      %run_scoped3A_148 = arith.constant 1 : i32
      "tpu.region"() ({
        %run_scoped3A_208 = tpu.sem_alloc : memref<!tpu.dma_semaphore, #tpu.memory_space<semaphore_mem>>
        %dma_start3A_209 = arith.constant 0 : i32
        %dma_start3A_210 = tpu.memref_slice %arg7[%run_scoped3A_148, %dma_start3A_209] : memref<2x128xi32, #tpu.memory_space<vmem>> -> memref<1x128xi32, #tpu.memory_space<vmem>>
        %dma_start3A_211 = tpu.memref_squeeze %dma_start3A_210 : memref<1x128xi32, #tpu.memory_space<vmem>> -> memref<128xi32, #tpu.memory_space<vmem>>
        %dma_start3A_212 = arith.constant 0 : i32
        %dma_start3A_213 = arith.constant 0 : i32
        %dma_start3A_214 = tpu.memref_slice %arg12[%dma_start3A_212, %dma_start3A_213] : memref<10000x128xf32, #tpu.memory_space<vmem_shared>> -> memref<10000x128xf32, #tpu.memory_space<vmem_shared>>
        tpu.enqueue_indirect_dma source(%arg11 : memref<128x128xf32, #tpu.memory_space<vmem>>) target(%dma_start3A_214 : memref<10000x128xf32, #tpu.memory_space<vmem_shared>>) offsets(%dma_start3A_211 : memref<128xi32, #tpu.memory_space<vmem>>) semaphore(%run_scoped3A_208 : memref<!tpu.dma_semaphore, #tpu.memory_space<semaphore_mem>>) {add = true}
        %dma_wait3A_215 = arith.constant 0 : i32
        %dma_wait3A_216 = tpu.memref_slice %arg7[%run_scoped3A_148, %dma_wait3A_215] : memref<2x128xi32, #tpu.memory_space<vmem>> -> memref<1x128xi32, #tpu.memory_space<vmem>>
        %dma_wait3A_217 = tpu.memref_squeeze %dma_wait3A_216 : memref<1x128xi32, #tpu.memory_space<vmem>> -> memref<128xi32, #tpu.memory_space<vmem>>
        %dma_wait3A_218 = arith.constant 0 : i32
        %dma_wait3A_219 = arith.constant 0 : i32
        %dma_wait3A_220 = tpu.memref_slice %arg12[%dma_wait3A_218, %dma_wait3A_219] : memref<10000x128xf32, #tpu.memory_space<vmem_shared>> -> memref<10000x128xf32, #tpu.memory_space<vmem_shared>>
        tpu.wait_indirect_dma semaphore(%run_scoped3A_208 : memref<!tpu.dma_semaphore, #tpu.memory_space<semaphore_mem>>) src(%arg11 : memref<128x128xf32, #tpu.memory_space<vmem>>) dst(%dma_wait3A_220 : memref<10000x128xf32, #tpu.memory_space<vmem_shared>>)
        tpu.yield
      }) : () -> ()
      %add3A_149 = arith.constant 5 : i32
      %add3A_150 = arith.addi %mul3A_114, %add3A_149 : i32
      %lt3A_151 = arith.cmpi slt, %add3A_150, %select_n3A : i32
      %convert_element_type3A_152 = arith.extui %lt3A_151 : i1 to i32
      %cond3A_153 = arith.constant 0 : i32
      %cond3A_154 = arith.cmpi ne, %convert_element_type3A_152, %cond3A_153 : i32
      scf.if %cond3A_154 {
        %add3A_208 = arith.addi %add3A_6, %add3A_150 : i32
        %mul3A_209 = arith.constant 128 : i32
        %mul3A_210 = arith.muli %add3A_208, %mul3A_209 : i32
        %dma_start3A_211 = arith.constant 0 : i32
        %dma_start3A_212 = tpu.memref_slice %arg3[%dma_start3A_211, %mul3A_210] : memref<2x320000xi32, #tpu.memory_space<hbm>> -> memref<2x128xi32, #tpu.memory_space<hbm>>
        %dma_start3A_213 = arith.constant 0 : i32
        %dma_start3A_214 = tpu.memref_slice %arg3[%dma_start3A_213, %mul3A_210] : memref<2x320000xi32, #tpu.memory_space<hbm>> -> memref<2x128xi32, #tpu.memory_space<hbm>>
        tpu.enqueue_dma source(%dma_start3A_214 : memref<2x128xi32, #tpu.memory_space<hbm>>) target(%arg7 : memref<2x128xi32, #tpu.memory_space<vmem>>) target_semaphore(%arg14 : memref<!tpu.dma_semaphore, #tpu.memory_space<semaphore_mem>>)
      } else {
      }
      %dma_wait3A_155 = arith.constant 0 : i32
      %dma_wait3A_156 = arith.constant 0 : i32
      %dma_wait3A_157 = tpu.memref_slice %arg3[%dma_wait3A_155, %dma_wait3A_156] : memref<2x320000xi32, #tpu.memory_space<hbm>> -> memref<2x128xi32, #tpu.memory_space<hbm>>
      %dma_wait3A_158 = arith.constant 0 : i32
      %dma_wait3A_159 = arith.constant 0 : i32
      %dma_wait3A_160 = tpu.memref_slice %arg3[%dma_wait3A_158, %dma_wait3A_159] : memref<2x320000xi32, #tpu.memory_space<hbm>> -> memref<2x128xi32, #tpu.memory_space<hbm>>
      tpu.wait_dma2 semaphore(%arg16 : memref<!tpu.dma_semaphore, #tpu.memory_space<semaphore_mem>>) src(%dma_wait3A_160 : memref<2x128xi32, #tpu.memory_space<hbm>>) dst(%arg9 : memref<2x128xi32, #tpu.memory_space<vmem>>)
      %dma_start3A_161 = arith.constant 0 : i32
      %dma_start3A_162 = arith.constant 0 : i32
      %dma_start3A_163 = tpu.memref_slice %arg9[%dma_start3A_161, %dma_start3A_162] : memref<2x128xi32, #tpu.memory_space<vmem>> -> memref<1x128xi32, #tpu.memory_space<vmem>>
      %dma_start3A_164 = tpu.memref_squeeze %dma_start3A_163 : memref<1x128xi32, #tpu.memory_space<vmem>> -> memref<128xi32, #tpu.memory_space<vmem>>
      %dma_start3A_165 = arith.constant 0 : i32
      %dma_start3A_166 = arith.constant 0 : i32
      %dma_start3A_167 = tpu.memref_slice %arg2[%dma_start3A_165, %dma_start3A_166] : memref<10000x128xf32, #tpu.memory_space<hbm>> -> memref<10000x128xf32, #tpu.memory_space<hbm>>
      tpu.enqueue_indirect_dma source(%dma_start3A_167 : memref<10000x128xf32, #tpu.memory_space<hbm>>) target(%arg11 : memref<128x128xf32, #tpu.memory_space<vmem>>) offsets(%dma_start3A_164 : memref<128xi32, #tpu.memory_space<vmem>>) semaphore(%arg18 : memref<!tpu.dma_semaphore, #tpu.memory_space<semaphore_mem>>)
      %dma_wait3A_168 = arith.constant 0 : i32
      %dma_wait3A_169 = arith.constant 0 : i32
      %dma_wait3A_170 = tpu.memref_slice %arg8[%dma_wait3A_168, %dma_wait3A_169] : memref<2x128xi32, #tpu.memory_space<vmem>> -> memref<1x128xi32, #tpu.memory_space<vmem>>
      %dma_wait3A_171 = tpu.memref_squeeze %dma_wait3A_170 : memref<1x128xi32, #tpu.memory_space<vmem>> -> memref<128xi32, #tpu.memory_space<vmem>>
      %dma_wait3A_172 = arith.constant 0 : i32
      %dma_wait3A_173 = arith.constant 0 : i32
      %dma_wait3A_174 = tpu.memref_slice %arg2[%dma_wait3A_172, %dma_wait3A_173] : memref<10000x128xf32, #tpu.memory_space<hbm>> -> memref<10000x128xf32, #tpu.memory_space<hbm>>
      tpu.wait_indirect_dma semaphore(%arg17 : memref<!tpu.dma_semaphore, #tpu.memory_space<semaphore_mem>>) src(%dma_wait3A_174 : memref<10000x128xf32, #tpu.memory_space<hbm>>) dst(%arg10 : memref<128x128xf32, #tpu.memory_space<vmem>>)
      %run_scoped3A_175 = arith.constant 1 : i32
      "tpu.region"() ({
        %run_scoped3A_208 = tpu.sem_alloc : memref<!tpu.dma_semaphore, #tpu.memory_space<semaphore_mem>>
        %dma_start3A_209 = arith.constant 0 : i32
        %dma_start3A_210 = tpu.memref_slice %arg8[%run_scoped3A_175, %dma_start3A_209] : memref<2x128xi32, #tpu.memory_space<vmem>> -> memref<1x128xi32, #tpu.memory_space<vmem>>
        %dma_start3A_211 = tpu.memref_squeeze %dma_start3A_210 : memref<1x128xi32, #tpu.memory_space<vmem>> -> memref<128xi32, #tpu.memory_space<vmem>>
        %dma_start3A_212 = arith.constant 0 : i32
        %dma_start3A_213 = arith.constant 0 : i32
        %dma_start3A_214 = tpu.memref_slice %arg12[%dma_start3A_212, %dma_start3A_213] : memref<10000x128xf32, #tpu.memory_space<vmem_shared>> -> memref<10000x128xf32, #tpu.memory_space<vmem_shared>>
        tpu.enqueue_indirect_dma source(%arg10 : memref<128x128xf32, #tpu.memory_space<vmem>>) target(%dma_start3A_214 : memref<10000x128xf32, #tpu.memory_space<vmem_shared>>) offsets(%dma_start3A_211 : memref<128xi32, #tpu.memory_space<vmem>>) semaphore(%run_scoped3A_208 : memref<!tpu.dma_semaphore, #tpu.memory_space<semaphore_mem>>) {add = true}
        %dma_wait3A_215 = arith.constant 0 : i32
        %dma_wait3A_216 = tpu.memref_slice %arg8[%run_scoped3A_175, %dma_wait3A_215] : memref<2x128xi32, #tpu.memory_space<vmem>> -> memref<1x128xi32, #tpu.memory_space<vmem>>
        %dma_wait3A_217 = tpu.memref_squeeze %dma_wait3A_216 : memref<1x128xi32, #tpu.memory_space<vmem>> -> memref<128xi32, #tpu.memory_space<vmem>>
        %dma_wait3A_218 = arith.constant 0 : i32
        %dma_wait3A_219 = arith.constant 0 : i32
        %dma_wait3A_220 = tpu.memref_slice %arg12[%dma_wait3A_218, %dma_wait3A_219] : memref<10000x128xf32, #tpu.memory_space<vmem_shared>> -> memref<10000x128xf32, #tpu.memory_space<vmem_shared>>
        tpu.wait_indirect_dma semaphore(%run_scoped3A_208 : memref<!tpu.dma_semaphore, #tpu.memory_space<semaphore_mem>>) src(%arg10 : memref<128x128xf32, #tpu.memory_space<vmem>>) dst(%dma_wait3A_220 : memref<10000x128xf32, #tpu.memory_space<vmem_shared>>)
        tpu.yield
      }) : () -> ()
      %add3A_176 = arith.constant 6 : i32
      %add3A_177 = arith.addi %mul3A_114, %add3A_176 : i32
      %lt3A_178 = arith.cmpi slt, %add3A_177, %select_n3A : i32
      %convert_element_type3A_179 = arith.extui %lt3A_178 : i1 to i32
      %cond3A_180 = arith.constant 0 : i32
      %cond3A_181 = arith.cmpi ne, %convert_element_type3A_179, %cond3A_180 : i32
      scf.if %cond3A_181 {
        %add3A_208 = arith.addi %add3A_6, %add3A_177 : i32
        %mul3A_209 = arith.constant 128 : i32
        %mul3A_210 = arith.muli %add3A_208, %mul3A_209 : i32
        %dma_start3A_211 = arith.constant 0 : i32
        %dma_start3A_212 = tpu.memref_slice %arg3[%dma_start3A_211, %mul3A_210] : memref<2x320000xi32, #tpu.memory_space<hbm>> -> memref<2x128xi32, #tpu.memory_space<hbm>>
        %dma_start3A_213 = arith.constant 0 : i32
        %dma_start3A_214 = tpu.memref_slice %arg3[%dma_start3A_213, %mul3A_210] : memref<2x320000xi32, #tpu.memory_space<hbm>> -> memref<2x128xi32, #tpu.memory_space<hbm>>
        tpu.enqueue_dma source(%dma_start3A_214 : memref<2x128xi32, #tpu.memory_space<hbm>>) target(%arg8 : memref<2x128xi32, #tpu.memory_space<vmem>>) target_semaphore(%arg15 : memref<!tpu.dma_semaphore, #tpu.memory_space<semaphore_mem>>)
      } else {
      }
      %add3A_182 = arith.constant 4 : i32
      %add3A_183 = arith.addi %mul3A_114, %add3A_182 : i32
      %lt3A_184 = arith.cmpi slt, %add3A_183, %select_n3A : i32
      %convert_element_type3A_185 = arith.extui %lt3A_184 : i1 to i32
      %cond3A_186 = arith.constant 0 : i32
      %cond3A_187 = arith.cmpi ne, %convert_element_type3A_185, %cond3A_186 : i32
      scf.if %cond3A_187 {
        %dma_wait3A_208 = arith.constant 0 : i32
        %dma_wait3A_209 = arith.constant 0 : i32
        %dma_wait3A_210 = tpu.memref_slice %arg3[%dma_wait3A_208, %dma_wait3A_209] : memref<2x320000xi32, #tpu.memory_space<hbm>> -> memref<2x128xi32, #tpu.memory_space<hbm>>
        %dma_wait3A_211 = arith.constant 0 : i32
        %dma_wait3A_212 = arith.constant 0 : i32
        %dma_wait3A_213 = tpu.memref_slice %arg3[%dma_wait3A_211, %dma_wait3A_212] : memref<2x320000xi32, #tpu.memory_space<hbm>> -> memref<2x128xi32, #tpu.memory_space<hbm>>
        tpu.wait_dma2 semaphore(%arg13 : memref<!tpu.dma_semaphore, #tpu.memory_space<semaphore_mem>>) src(%dma_wait3A_213 : memref<2x128xi32, #tpu.memory_space<hbm>>) dst(%arg6 : memref<2x128xi32, #tpu.memory_space<vmem>>)
        %dma_start3A_214 = arith.constant 0 : i32
        %dma_start3A_215 = arith.constant 0 : i32
        %dma_start3A_216 = tpu.memref_slice %arg6[%dma_start3A_214, %dma_start3A_215] : memref<2x128xi32, #tpu.memory_space<vmem>> -> memref<1x128xi32, #tpu.memory_space<vmem>>
        %dma_start3A_217 = tpu.memref_squeeze %dma_start3A_216 : memref<1x128xi32, #tpu.memory_space<vmem>> -> memref<128xi32, #tpu.memory_space<vmem>>
        %dma_start3A_218 = arith.constant 0 : i32
        %dma_start3A_219 = arith.constant 0 : i32
        %dma_start3A_220 = tpu.memref_slice %arg2[%dma_start3A_218, %dma_start3A_219] : memref<10000x128xf32, #tpu.memory_space<hbm>> -> memref<10000x128xf32, #tpu.memory_space<hbm>>
        tpu.enqueue_indirect_dma source(%dma_start3A_220 : memref<10000x128xf32, #tpu.memory_space<hbm>>) target(%arg10 : memref<128x128xf32, #tpu.memory_space<vmem>>) offsets(%dma_start3A_217 : memref<128xi32, #tpu.memory_space<vmem>>) semaphore(%arg17 : memref<!tpu.dma_semaphore, #tpu.memory_space<semaphore_mem>>)
      } else {
      }
      %dma_wait3A_188 = arith.constant 0 : i32
      %dma_wait3A_189 = arith.constant 0 : i32
      %dma_wait3A_190 = tpu.memref_slice %arg9[%dma_wait3A_188, %dma_wait3A_189] : memref<2x128xi32, #tpu.memory_space<vmem>> -> memref<1x128xi32, #tpu.memory_space<vmem>>
      %dma_wait3A_191 = tpu.memref_squeeze %dma_wait3A_190 : memref<1x128xi32, #tpu.memory_space<vmem>> -> memref<128xi32, #tpu.memory_space<vmem>>
      %dma_wait3A_192 = arith.constant 0 : i32
      %dma_wait3A_193 = arith.constant 0 : i32
      %dma_wait3A_194 = tpu.memref_slice %arg2[%dma_wait3A_192, %dma_wait3A_193] : memref<10000x128xf32, #tpu.memory_space<hbm>> -> memref<10000x128xf32, #tpu.memory_space<hbm>>
      tpu.wait_indirect_dma semaphore(%arg18 : memref<!tpu.dma_semaphore, #tpu.memory_space<semaphore_mem>>) src(%dma_wait3A_194 : memref<10000x128xf32, #tpu.memory_space<hbm>>) dst(%arg11 : memref<128x128xf32, #tpu.memory_space<vmem>>)
      %run_scoped3A_195 = arith.constant 1 : i32
      "tpu.region"() ({
        %run_scoped3A_208 = tpu.sem_alloc : memref<!tpu.dma_semaphore, #tpu.memory_space<semaphore_mem>>
        %dma_start3A_209 = arith.constant 0 : i32
        %dma_start3A_210 = tpu.memref_slice %arg9[%run_scoped3A_195, %dma_start3A_209] : memref<2x128xi32, #tpu.memory_space<vmem>> -> memref<1x128xi32, #tpu.memory_space<vmem>>
        %dma_start3A_211 = tpu.memref_squeeze %dma_start3A_210 : memref<1x128xi32, #tpu.memory_space<vmem>> -> memref<128xi32, #tpu.memory_space<vmem>>
        %dma_start3A_212 = arith.constant 0 : i32
        %dma_start3A_213 = arith.constant 0 : i32
        %dma_start3A_214 = tpu.memref_slice %arg12[%dma_start3A_212, %dma_start3A_213] : memref<10000x128xf32, #tpu.memory_space<vmem_shared>> -> memref<10000x128xf32, #tpu.memory_space<vmem_shared>>
        tpu.enqueue_indirect_dma source(%arg11 : memref<128x128xf32, #tpu.memory_space<vmem>>) target(%dma_start3A_214 : memref<10000x128xf32, #tpu.memory_space<vmem_shared>>) offsets(%dma_start3A_211 : memref<128xi32, #tpu.memory_space<vmem>>) semaphore(%run_scoped3A_208 : memref<!tpu.dma_semaphore, #tpu.memory_space<semaphore_mem>>) {add = true}
        %dma_wait3A_215 = arith.constant 0 : i32
        %dma_wait3A_216 = tpu.memref_slice %arg9[%run_scoped3A_195, %dma_wait3A_215] : memref<2x128xi32, #tpu.memory_space<vmem>> -> memref<1x128xi32, #tpu.memory_space<vmem>>
        %dma_wait3A_217 = tpu.memref_squeeze %dma_wait3A_216 : memref<1x128xi32, #tpu.memory_space<vmem>> -> memref<128xi32, #tpu.memory_space<vmem>>
        %dma_wait3A_218 = arith.constant 0 : i32
        %dma_wait3A_219 = arith.constant 0 : i32
        %dma_wait3A_220 = tpu.memref_slice %arg12[%dma_wait3A_218, %dma_wait3A_219] : memref<10000x128xf32, #tpu.memory_space<vmem_shared>> -> memref<10000x128xf32, #tpu.memory_space<vmem_shared>>
        tpu.wait_indirect_dma semaphore(%run_scoped3A_208 : memref<!tpu.dma_semaphore, #tpu.memory_space<semaphore_mem>>) src(%arg11 : memref<128x128xf32, #tpu.memory_space<vmem>>) dst(%dma_wait3A_220 : memref<10000x128xf32, #tpu.memory_space<vmem_shared>>)
        tpu.yield
      }) : () -> ()
      %add3A_196 = arith.constant 7 : i32
      %add3A_197 = arith.addi %mul3A_114, %add3A_196 : i32
      %lt3A_198 = arith.cmpi slt, %add3A_197, %select_n3A : i32
      %convert_element_type3A_199 = arith.extui %lt3A_198 : i1 to i32
      %cond3A_200 = arith.constant 0 : i32
      %cond3A_201 = arith.cmpi ne, %convert_element_type3A_199, %cond3A_200 : i32
      scf.if %cond3A_201 {
        %add3A_208 = arith.addi %add3A_6, %add3A_197 : i32
        %mul3A_209 = arith.constant 128 : i32
        %mul3A_210 = arith.muli %add3A_208, %mul3A_209 : i32
        %dma_start3A_211 = arith.constant 0 : i32
        %dma_start3A_212 = tpu.memref_slice %arg3[%dma_start3A_211, %mul3A_210] : memref<2x320000xi32, #tpu.memory_space<hbm>> -> memref<2x128xi32, #tpu.memory_space<hbm>>
        %dma_start3A_213 = arith.constant 0 : i32
        %dma_start3A_214 = tpu.memref_slice %arg3[%dma_start3A_213, %mul3A_210] : memref<2x320000xi32, #tpu.memory_space<hbm>> -> memref<2x128xi32, #tpu.memory_space<hbm>>
        tpu.enqueue_dma source(%dma_start3A_214 : memref<2x128xi32, #tpu.memory_space<hbm>>) target(%arg9 : memref<2x128xi32, #tpu.memory_space<vmem>>) target_semaphore(%arg16 : memref<!tpu.dma_semaphore, #tpu.memory_space<semaphore_mem>>)
      } else {
      }
      %add3A_202 = arith.constant 5 : i32
      %add3A_203 = arith.addi %mul3A_114, %add3A_202 : i32
      %lt3A_204 = arith.cmpi slt, %add3A_203, %select_n3A : i32
      %convert_element_type3A_205 = arith.extui %lt3A_204 : i1 to i32
      %cond3A_206 = arith.constant 0 : i32
      %cond3A_207 = arith.cmpi ne, %convert_element_type3A_205, %cond3A_206 : i32
      scf.if %cond3A_207 {
        %dma_wait3A_208 = arith.constant 0 : i32
        %dma_wait3A_209 = arith.constant 0 : i32
        %dma_wait3A_210 = tpu.memref_slice %arg3[%dma_wait3A_208, %dma_wait3A_209] : memref<2x320000xi32, #tpu.memory_space<hbm>> -> memref<2x128xi32, #tpu.memory_space<hbm>>
        %dma_wait3A_211 = arith.constant 0 : i32
        %dma_wait3A_212 = arith.constant 0 : i32
        %dma_wait3A_213 = tpu.memref_slice %arg3[%dma_wait3A_211, %dma_wait3A_212] : memref<2x320000xi32, #tpu.memory_space<hbm>> -> memref<2x128xi32, #tpu.memory_space<hbm>>
        tpu.wait_dma2 semaphore(%arg14 : memref<!tpu.dma_semaphore, #tpu.memory_space<semaphore_mem>>) src(%dma_wait3A_213 : memref<2x128xi32, #tpu.memory_space<hbm>>) dst(%arg7 : memref<2x128xi32, #tpu.memory_space<vmem>>)
        %dma_start3A_214 = arith.constant 0 : i32
        %dma_start3A_215 = arith.constant 0 : i32
        %dma_start3A_216 = tpu.memref_slice %arg7[%dma_start3A_214, %dma_start3A_215] : memref<2x128xi32, #tpu.memory_space<vmem>> -> memref<1x128xi32, #tpu.memory_space<vmem>>
        %dma_start3A_217 = tpu.memref_squeeze %dma_start3A_216 : memref<1x128xi32, #tpu.memory_space<vmem>> -> memref<128xi32, #tpu.memory_space<vmem>>
        %dma_start3A_218 = arith.constant 0 : i32
        %dma_start3A_219 = arith.constant 0 : i32
        %dma_start3A_220 = tpu.memref_slice %arg2[%dma_start3A_218, %dma_start3A_219] : memref<10000x128xf32, #tpu.memory_space<hbm>> -> memref<10000x128xf32, #tpu.memory_space<hbm>>
        tpu.enqueue_indirect_dma source(%dma_start3A_220 : memref<10000x128xf32, #tpu.memory_space<hbm>>) target(%arg11 : memref<128x128xf32, #tpu.memory_space<vmem>>) offsets(%dma_start3A_217 : memref<128xi32, #tpu.memory_space<vmem>>) semaphore(%arg18 : memref<!tpu.dma_semaphore, #tpu.memory_space<semaphore_mem>>)
      } else {
      }
    }
    %barrier3A_104 = arith.constant 0 : index
    tpu.barrier barrier_id(%barrier3A_104)
    %lt3A_105 = arith.constant 10 : i32
    %lt3A_106 = arith.cmpi slt, %arg1, %lt3A_105 : i32
    %convert_element_type3A_107 = arith.extui %lt3A_106 : i1 to i32
    %cond3A_108 = arith.constant 0 : i32
    %cond3A_109 = arith.cmpi ne, %convert_element_type3A_107, %cond3A_108 : i32
    scf.if %cond3A_109 {
      %mul3A_110 = arith.constant 1000 : i32
      %mul3A_111 = arith.muli %arg1, %mul3A_110 : i32
      %mul3A_112 = arith.constant 1000 : i32
      %mul3A_113 = arith.muli %arg1, %mul3A_112 : i32
      "tpu.region"() ({
        %run_scoped3A = tpu.sem_alloc : memref<!tpu.dma_semaphore, #tpu.memory_space<semaphore_mem>>
        %dma_start3A_114 = arith.constant 0 : i32
        %dma_start3A_115 = arith.constant 0 : i32
        %dma_start3A_116 = tpu.memref_slice %arg5[%arg0, %dma_start3A_114, %dma_start3A_115] : memref<2x10000x128xf32, #tpu.memory_space<hbm>> -> memref<1x10000x128xf32, #tpu.memory_space<hbm>>
        %dma_start3A_117 = tpu.memref_squeeze %dma_start3A_116 : memref<1x10000x128xf32, #tpu.memory_space<hbm>> -> memref<10000x128xf32, #tpu.memory_space<hbm>>
        %dma_start3A_118 = arith.constant 0 : i32
        %dma_start3A_119 = tpu.memref_slice %dma_start3A_117[%mul3A_113, %dma_start3A_118] : memref<10000x128xf32, #tpu.memory_space<hbm>> -> memref<1000x128xf32, #tpu.memory_space<hbm>>
        %dma_start3A_120 = arith.constant 0 : i32
        %dma_start3A_121 = tpu.memref_slice %arg12[%mul3A_111, %dma_start3A_120] : memref<10000x128xf32, #tpu.memory_space<vmem_shared>> -> memref<1000x128xf32, #tpu.memory_space<vmem_shared>>
        tpu.enqueue_dma source(%dma_start3A_121 : memref<1000x128xf32, #tpu.memory_space<vmem_shared>>) target(%dma_start3A_119 : memref<1000x128xf32, #tpu.memory_space<hbm>>) target_semaphore(%run_scoped3A : memref<!tpu.dma_semaphore, #tpu.memory_space<semaphore_mem>>)
        %dma_wait3A_122 = arith.constant 0 : i32
        %dma_wait3A_123 = arith.constant 0 : i32
        %dma_wait3A_124 = tpu.memref_slice %arg5[%arg0, %dma_wait3A_122, %dma_wait3A_123] : memref<2x10000x128xf32, #tpu.memory_space<hbm>> -> memref<1x10000x128xf32, #tpu.memory_space<hbm>>
        %dma_wait3A_125 = tpu.memref_squeeze %dma_wait3A_124 : memref<1x10000x128xf32, #tpu.memory_space<hbm>> -> memref<10000x128xf32, #tpu.memory_space<hbm>>
        %dma_wait3A_126 = arith.constant 0 : i32
        %dma_wait3A_127 = tpu.memref_slice %dma_wait3A_125[%mul3A_113, %dma_wait3A_126] : memref<10000x128xf32, #tpu.memory_space<hbm>> -> memref<1000x128xf32, #tpu.memory_space<hbm>>
        %dma_wait3A_128 = arith.constant 0 : i32
        %dma_wait3A_129 = tpu.memref_slice %arg12[%mul3A_111, %dma_wait3A_128] : memref<10000x128xf32, #tpu.memory_space<vmem_shared>> -> memref<1000x128xf32, #tpu.memory_space<vmem_shared>>
        tpu.wait_dma2 semaphore(%run_scoped3A : memref<!tpu.dma_semaphore, #tpu.memory_space<semaphore_mem>>) src(%dma_wait3A_129 : memref<1000x128xf32, #tpu.memory_space<vmem_shared>>) dst(%dma_wait3A_127 : memref<1000x128xf32, #tpu.memory_space<hbm>>)
        tpu.yield
      }) : () -> ()
    } else {
    }
    return
  }
}

#map = affine_map<(d0, d1) -> (0, 0)>
#map1 = affine_map<(d0, d1) -> (0, 0, 0)>
module attributes {stable_mosaic.version = 14 : i64} {
  func.func @_sc_edge_agg(%arg0: i32, %arg1: i32, %arg2: memref<10000x128xf32, #tpu.memory_space<hbm>>, %arg3: memref<2x320000xi32, #tpu.memory_space<hbm>>, %arg4: memref<10000x128xf32, #tpu.memory_space<hbm>>, %arg5: memref<2x10000x128xf32, #tpu.memory_space<hbm>>, %arg6: memref<2x128xi32, #tpu.memory_space<vmem>>, %arg7: memref<2x128xi32, #tpu.memory_space<vmem>>, %arg8: memref<2x128xi32, #tpu.memory_space<vmem>>, %arg9: memref<2x128xi32, #tpu.memory_space<vmem>>, %arg10: memref<128x128xf32, #tpu.memory_space<vmem>>, %arg11: memref<128x128xf32, #tpu.memory_space<vmem>>, %arg12: memref<10000x128xf32, #tpu.memory_space<vmem_shared>>, %arg13: memref<!tpu.dma_semaphore, #tpu.memory_space<semaphore_mem>>, %arg14: memref<!tpu.dma_semaphore, #tpu.memory_space<semaphore_mem>>, %arg15: memref<!tpu.dma_semaphore, #tpu.memory_space<semaphore_mem>>, %arg16: memref<!tpu.dma_semaphore, #tpu.memory_space<semaphore_mem>>, %arg17: memref<!tpu.dma_semaphore, #tpu.memory_space<semaphore_mem>>, %arg18: memref<!tpu.dma_semaphore, #tpu.memory_space<semaphore_mem>>) attributes {dimension_semantics = [#tpu.dimension_semantics<core_parallel>, #tpu.dimension_semantics<subcore_parallel>], iteration_bounds = array<i64: 2, 16>, scalar_prefetch = 0 : i64, scratch_operands = 13 : i64, tpu.core_type = #tpu.core_type<sc_vector_subcore>, window_params = [{transform_indices = #map}, {transform_indices = #map}, {transform_indices = #map}, {transform_indices = #map1}]} {
    %mul3A = arith.constant 16 : i32
    %mul3A_0 = arith.muli %arg0, %mul3A : i32
    %add3A = arith.addi %mul3A_0, %arg1 : i32
    %mul3A_1 = arith.constant 76 : i32
    %mul3A_2 = arith.muli %mul3A_1, %add3A : i32
    %min3A = arith.constant 17 : i32
    %min3A_3 = arith.minsi %add3A, %min3A : i32
    %mul3A_4 = arith.constant 4 : i32
    %mul3A_5 = arith.muli %mul3A_4, %min3A_3 : i32
    %add3A_6 = arith.addi %mul3A_2, %mul3A_5 : i32
    %lt3A = arith.constant 17 : i32
    %lt3A_7 = arith.cmpi slt, %add3A, %lt3A : i32
    %jit3A = arith.constant 80 : i32
    %jit3A_8 = arith.constant 76 : i32
    %select_n3A = arith.select %lt3A_7, %jit3A, %jit3A_8 : i32
    %lt3A_9 = arith.constant 10 : i32
    %lt3A_10 = arith.cmpi slt, %arg1, %lt3A_9 : i32
    %convert_element_type3A = arith.extui %lt3A_10 : i1 to i32
    %cond3A = arith.constant 0 : i32
    %cond3A_11 = arith.cmpi ne, %convert_element_type3A, %cond3A : i32
    scf.if %cond3A_11 {
      %mul3A_110 = arith.constant 1000 : i32
      %mul3A_111 = arith.muli %arg1, %mul3A_110 : i32
      %mul3A_112 = arith.constant 1000 : i32
      %mul3A_113 = arith.muli %arg1, %mul3A_112 : i32
      "tpu.region"() ({
        %run_scoped3A = tpu.sem_alloc : memref<!tpu.dma_semaphore, #tpu.memory_space<semaphore_mem>>
        %dma_start3A_114 = arith.constant 0 : i32
        %dma_start3A_115 = tpu.memref_slice %arg12[%mul3A_113, %dma_start3A_114] : memref<10000x128xf32, #tpu.memory_space<vmem_shared>> -> memref<1000x128xf32, #tpu.memory_space<vmem_shared>>
        %dma_start3A_116 = arith.constant 0 : i32
        %dma_start3A_117 = tpu.memref_slice %arg4[%mul3A_111, %dma_start3A_116] : memref<10000x128xf32, #tpu.memory_space<hbm>> -> memref<1000x128xf32, #tpu.memory_space<hbm>>
        tpu.enqueue_dma source(%dma_start3A_117 : memref<1000x128xf32, #tpu.memory_space<hbm>>) target(%dma_start3A_115 : memref<1000x128xf32, #tpu.memory_space<vmem_shared>>) target_semaphore(%run_scoped3A : memref<!tpu.dma_semaphore, #tpu.memory_space<semaphore_mem>>)
        %dma_wait3A_118 = arith.constant 0 : i32
        %dma_wait3A_119 = tpu.memref_slice %arg12[%mul3A_113, %dma_wait3A_118] : memref<10000x128xf32, #tpu.memory_space<vmem_shared>> -> memref<1000x128xf32, #tpu.memory_space<vmem_shared>>
        %dma_wait3A_120 = arith.constant 0 : i32
        %dma_wait3A_121 = tpu.memref_slice %arg4[%mul3A_111, %dma_wait3A_120] : memref<10000x128xf32, #tpu.memory_space<hbm>> -> memref<1000x128xf32, #tpu.memory_space<hbm>>
        tpu.wait_dma2 semaphore(%run_scoped3A : memref<!tpu.dma_semaphore, #tpu.memory_space<semaphore_mem>>) src(%dma_wait3A_121 : memref<1000x128xf32, #tpu.memory_space<hbm>>) dst(%dma_wait3A_119 : memref<1000x128xf32, #tpu.memory_space<vmem_shared>>)
        tpu.yield
      }) : () -> ()
    } else {
    }
    %barrier3A = arith.constant 0 : index
    tpu.barrier barrier_id(%barrier3A)
    %add3A_12 = arith.constant 0 : i32
    %add3A_13 = arith.addi %add3A_6, %add3A_12 : i32
    %mul3A_14 = arith.constant 128 : i32
    %mul3A_15 = arith.muli %add3A_13, %mul3A_14 : i32
    %dma_start3A = arith.constant 0 : i32
    %dma_start3A_16 = tpu.memref_slice %arg3[%dma_start3A, %mul3A_15] : memref<2x320000xi32, #tpu.memory_space<hbm>> -> memref<2x128xi32, #tpu.memory_space<hbm>>
    %dma_start3A_17 = arith.constant 0 : i32
    %dma_start3A_18 = tpu.memref_slice %arg3[%dma_start3A_17, %mul3A_15] : memref<2x320000xi32, #tpu.memory_space<hbm>> -> memref<2x128xi32, #tpu.memory_space<hbm>>
    tpu.enqueue_dma source(%dma_start3A_18 : memref<2x128xi32, #tpu.memory_space<hbm>>) target(%arg6 : memref<2x128xi32, #tpu.memory_space<vmem>>) target_semaphore(%arg13 : memref<!tpu.dma_semaphore, #tpu.memory_space<semaphore_mem>>)
    %add3A_19 = arith.constant 1 : i32
    %add3A_20 = arith.addi %add3A_6, %add3A_19 : i32
    %mul3A_21 = arith.constant 128 : i32
    %mul3A_22 = arith.muli %add3A_20, %mul3A_21 : i32
    %dma_start3A_23 = arith.constant 0 : i32
    %dma_start3A_24 = tpu.memref_slice %arg3[%dma_start3A_23, %mul3A_22] : memref<2x320000xi32, #tpu.memory_space<hbm>> -> memref<2x128xi32, #tpu.memory_space<hbm>>
    %dma_start3A_25 = arith.constant 0 : i32
    %dma_start3A_26 = tpu.memref_slice %arg3[%dma_start3A_25, %mul3A_22] : memref<2x320000xi32, #tpu.memory_space<hbm>> -> memref<2x128xi32, #tpu.memory_space<hbm>>
    tpu.enqueue_dma source(%dma_start3A_26 : memref<2x128xi32, #tpu.memory_space<hbm>>) target(%arg7 : memref<2x128xi32, #tpu.memory_space<vmem>>) target_semaphore(%arg14 : memref<!tpu.dma_semaphore, #tpu.memory_space<semaphore_mem>>)
    %add3A_27 = arith.constant 2 : i32
    %add3A_28 = arith.addi %add3A_6, %add3A_27 : i32
    %mul3A_29 = arith.constant 128 : i32
    %mul3A_30 = arith.muli %add3A_28, %mul3A_29 : i32
    %dma_start3A_31 = arith.constant 0 : i32
    %dma_start3A_32 = tpu.memref_slice %arg3[%dma_start3A_31, %mul3A_30] : memref<2x320000xi32, #tpu.memory_space<hbm>> -> memref<2x128xi32, #tpu.memory_space<hbm>>
    %dma_start3A_33 = arith.constant 0 : i32
    %dma_start3A_34 = tpu.memref_slice %arg3[%dma_start3A_33, %mul3A_30] : memref<2x320000xi32, #tpu.memory_space<hbm>> -> memref<2x128xi32, #tpu.memory_space<hbm>>
    tpu.enqueue_dma source(%dma_start3A_34 : memref<2x128xi32, #tpu.memory_space<hbm>>) target(%arg8 : memref<2x128xi32, #tpu.memory_space<vmem>>) target_semaphore(%arg15 : memref<!tpu.dma_semaphore, #tpu.memory_space<semaphore_mem>>)
    %add3A_35 = arith.constant 3 : i32
    %add3A_36 = arith.addi %add3A_6, %add3A_35 : i32
    %mul3A_37 = arith.constant 128 : i32
    %mul3A_38 = arith.muli %add3A_36, %mul3A_37 : i32
    %dma_start3A_39 = arith.constant 0 : i32
    %dma_start3A_40 = tpu.memref_slice %arg3[%dma_start3A_39, %mul3A_38] : memref<2x320000xi32, #tpu.memory_space<hbm>> -> memref<2x128xi32, #tpu.memory_space<hbm>>
    %dma_start3A_41 = arith.constant 0 : i32
    %dma_start3A_42 = tpu.memref_slice %arg3[%dma_start3A_41, %mul3A_38] : memref<2x320000xi32, #tpu.memory_space<hbm>> -> memref<2x128xi32, #tpu.memory_space<hbm>>
    tpu.enqueue_dma source(%dma_start3A_42 : memref<2x128xi32, #tpu.memory_space<hbm>>) target(%arg9 : memref<2x128xi32, #tpu.memory_space<vmem>>) target_semaphore(%arg16 : memref<!tpu.dma_semaphore, #tpu.memory_space<semaphore_mem>>)
    %dma_wait3A = arith.constant 0 : i32
    %dma_wait3A_43 = arith.constant 0 : i32
    %dma_wait3A_44 = tpu.memref_slice %arg3[%dma_wait3A, %dma_wait3A_43] : memref<2x320000xi32, #tpu.memory_space<hbm>> -> memref<2x128xi32, #tpu.memory_space<hbm>>
    %dma_wait3A_45 = arith.constant 0 : i32
    %dma_wait3A_46 = arith.constant 0 : i32
    %dma_wait3A_47 = tpu.memref_slice %arg3[%dma_wait3A_45, %dma_wait3A_46] : memref<2x320000xi32, #tpu.memory_space<hbm>> -> memref<2x128xi32, #tpu.memory_space<hbm>>
    tpu.wait_dma2 semaphore(%arg13 : memref<!tpu.dma_semaphore, #tpu.memory_space<semaphore_mem>>) src(%dma_wait3A_47 : memref<2x128xi32, #tpu.memory_space<hbm>>) dst(%arg6 : memref<2x128xi32, #tpu.memory_space<vmem>>)
    %dma_start3A_48 = arith.constant 0 : i32
    %dma_start3A_49 = arith.constant 0 : i32
    %dma_start3A_50 = tpu.memref_slice %arg6[%dma_start3A_48, %dma_start3A_49] : memref<2x128xi32, #tpu.memory_space<vmem>> -> memref<1x128xi32, #tpu.memory_space<vmem>>
    %dma_start3A_51 = tpu.memref_squeeze %dma_start3A_50 : memref<1x128xi32, #tpu.memory_space<vmem>> -> memref<128xi32, #tpu.memory_space<vmem>>
    %dma_start3A_52 = arith.constant 0 : i32
    %dma_start3A_53 = arith.constant 0 : i32
    %dma_start3A_54 = tpu.memref_slice %arg2[%dma_start3A_52, %dma_start3A_53] : memref<10000x128xf32, #tpu.memory_space<hbm>> -> memref<10000x128xf32, #tpu.memory_space<hbm>>
    tpu.enqueue_indirect_dma source(%dma_start3A_54 : memref<10000x128xf32, #tpu.memory_space<hbm>>) target(%arg10 : memref<128x128xf32, #tpu.memory_space<vmem>>) offsets(%dma_start3A_51 : memref<128xi32, #tpu.memory_space<vmem>>) semaphore(%arg17 : memref<!tpu.dma_semaphore, #tpu.memory_space<semaphore_mem>>)
    %dma_wait3A_55 = arith.constant 0 : i32
    %dma_wait3A_56 = arith.constant 0 : i32
    %dma_wait3A_57 = tpu.memref_slice %arg3[%dma_wait3A_55, %dma_wait3A_56] : memref<2x320000xi32, #tpu.memory_space<hbm>> -> memref<2x128xi32, #tpu.memory_space<hbm>>
    %dma_wait3A_58 = arith.constant 0 : i32
    %dma_wait3A_59 = arith.constant 0 : i32
    %dma_wait3A_60 = tpu.memref_slice %arg3[%dma_wait3A_58, %dma_wait3A_59] : memref<2x320000xi32, #tpu.memory_space<hbm>> -> memref<2x128xi32, #tpu.memory_space<hbm>>
    tpu.wait_dma2 semaphore(%arg14 : memref<!tpu.dma_semaphore, #tpu.memory_space<semaphore_mem>>) src(%dma_wait3A_60 : memref<2x128xi32, #tpu.memory_space<hbm>>) dst(%arg7 : memref<2x128xi32, #tpu.memory_space<vmem>>)
    %dma_start3A_61 = arith.constant 0 : i32
    %dma_start3A_62 = arith.constant 0 : i32
    %dma_start3A_63 = tpu.memref_slice %arg7[%dma_start3A_61, %dma_start3A_62] : memref<2x128xi32, #tpu.memory_space<vmem>> -> memref<1x128xi32, #tpu.memory_space<vmem>>
    %dma_start3A_64 = tpu.memref_squeeze %dma_start3A_63 : memref<1x128xi32, #tpu.memory_space<vmem>> -> memref<128xi32, #tpu.memory_space<vmem>>
    %dma_start3A_65 = arith.constant 0 : i32
    %dma_start3A_66 = arith.constant 0 : i32
    %dma_start3A_67 = tpu.memref_slice %arg2[%dma_start3A_65, %dma_start3A_66] : memref<10000x128xf32, #tpu.memory_space<hbm>> -> memref<10000x128xf32, #tpu.memory_space<hbm>>
    tpu.enqueue_indirect_dma source(%dma_start3A_67 : memref<10000x128xf32, #tpu.memory_space<hbm>>) target(%arg11 : memref<128x128xf32, #tpu.memory_space<vmem>>) offsets(%dma_start3A_64 : memref<128xi32, #tpu.memory_space<vmem>>) semaphore(%arg18 : memref<!tpu.dma_semaphore, #tpu.memory_space<semaphore_mem>>)
    %jit3A_68 = arith.constant 4 : i32
    %div3A = arith.divsi %select_n3A, %jit3A_68 : i32
    %sign3A = arith.constant 0 : i32
    %sign3A_69 = arith.cmpi sgt, %select_n3A, %sign3A : i32
    %sign3A_70 = arith.extui %sign3A_69 : i1 to i32
    %sign3A_71 = arith.constant 0 : i32
    %sign3A_72 = arith.cmpi slt, %select_n3A, %sign3A_71 : i32
    %sign3A_73 = arith.extui %sign3A_72 : i1 to i32
    %sign3A_74 = arith.subi %sign3A_70, %sign3A_73 : i32
    %sign3A_75 = arith.constant 0 : i32
    %sign3A_76 = arith.cmpi sgt, %jit3A_68, %sign3A_75 : i32
    %sign3A_77 = arith.extui %sign3A_76 : i1 to i32
    %sign3A_78 = arith.constant 0 : i32
    %sign3A_79 = arith.cmpi slt, %jit3A_68, %sign3A_78 : i32
    %sign3A_80 = arith.extui %sign3A_79 : i1 to i32
    %sign3A_81 = arith.subi %sign3A_77, %sign3A_80 : i32
    %ne3A = arith.cmpi ne, %sign3A_74, %sign3A_81 : i32
    %rem3A = arith.remsi %select_n3A, %jit3A_68 : i32
    %ne3A_82 = arith.constant 0 : i32
    %ne3A_83 = arith.cmpi ne, %rem3A, %ne3A_82 : i32
    %and3A = arith.andi %ne3A, %ne3A_83 : i1
    %sub3A = arith.constant 1 : i32
    %sub3A_84 = arith.subi %div3A, %sub3A : i32
    %select_n3A_85 = arith.select %and3A, %sub3A_84, %div3A : i32
    %sub3A_86 = arith.constant 0 : i32
    %sub3A_87 = arith.subi %select_n3A_85, %sub3A_86 : i32
    %sub3A_88 = arith.constant 1 : i32
    %sub3A_89 = arith.constant 1 : i32
    %sub3A_90 = arith.subi %sub3A_88, %sub3A_89 : i32
    %add3A_91 = arith.addi %sub3A_87, %sub3A_90 : i32
    %div3A_92 = arith.constant 1 : i32
    %div3A_93 = arith.divsi %add3A_91, %div3A_92 : i32
    %while3A = arith.constant 1 : i32
    %while3A_94 = arith.constant 0 : i32
    %while3A_95 = arith.constant 0 : i32
    %while3A_96 = arith.subi %div3A_93, %while3A_95 : i32
    %while3A_97 = arith.addi %while3A_95, %while3A_96 : i32
    %while3A_98 = arith.constant 1 : i32
    %while3A_99 = arith.divsi %while3A_96, %while3A_98 : i32
    %while3A_100 = arith.muli %while3A_99, %while3A_98 : i32
    %while3A_101 = arith.addi %while3A_95, %while3A_100 : i32
    %while3A_102 = arith.constant 1 : i32
    scf.for %while3A_110 = %while3A_95 to %while3A_101 step %while3A_102  : i32 {
      %mul3A_111 = arith.muli %while3A_110, %while3A : i32
      %add3A_112 = arith.addi %while3A_94, %mul3A_111 : i32
      %mul3A_113 = arith.constant 4 : i32
      %mul3A_114 = arith.muli %mul3A_113, %add3A_112 : i32
      %dma_wait3A_115 = arith.constant 0 : i32
      %dma_wait3A_116 = arith.constant 0 : i32
      %dma_wait3A_117 = tpu.memref_slice %arg6[%dma_wait3A_115, %dma_wait3A_116] : memref<2x128xi32, #tpu.memory_space<vmem>> -> memref<1x128xi32, #tpu.memory_space<vmem>>
      %dma_wait3A_118 = tpu.memref_squeeze %dma_wait3A_117 : memref<1x128xi32, #tpu.memory_space<vmem>> -> memref<128xi32, #tpu.memory_space<vmem>>
      %dma_wait3A_119 = arith.constant 0 : i32
      %dma_wait3A_120 = arith.constant 0 : i32
      %dma_wait3A_121 = tpu.memref_slice %arg2[%dma_wait3A_119, %dma_wait3A_120] : memref<10000x128xf32, #tpu.memory_space<hbm>> -> memref<10000x128xf32, #tpu.memory_space<hbm>>
      tpu.wait_indirect_dma semaphore(%arg17 : memref<!tpu.dma_semaphore, #tpu.memory_space<semaphore_mem>>) src(%dma_wait3A_121 : memref<10000x128xf32, #tpu.memory_space<hbm>>) dst(%arg10 : memref<128x128xf32, #tpu.memory_space<vmem>>)
      %run_scoped3A = arith.constant 1 : i32
      "tpu.region"() ({
        %run_scoped3A_208 = tpu.sem_alloc : memref<!tpu.dma_semaphore, #tpu.memory_space<semaphore_mem>>
        %dma_start3A_209 = arith.constant 0 : i32
        %dma_start3A_210 = tpu.memref_slice %arg6[%run_scoped3A, %dma_start3A_209] : memref<2x128xi32, #tpu.memory_space<vmem>> -> memref<1x128xi32, #tpu.memory_space<vmem>>
        %dma_start3A_211 = tpu.memref_squeeze %dma_start3A_210 : memref<1x128xi32, #tpu.memory_space<vmem>> -> memref<128xi32, #tpu.memory_space<vmem>>
        %dma_start3A_212 = arith.constant 0 : i32
        %dma_start3A_213 = arith.constant 0 : i32
        %dma_start3A_214 = tpu.memref_slice %arg12[%dma_start3A_212, %dma_start3A_213] : memref<10000x128xf32, #tpu.memory_space<vmem_shared>> -> memref<10000x128xf32, #tpu.memory_space<vmem_shared>>
        tpu.enqueue_indirect_dma source(%arg10 : memref<128x128xf32, #tpu.memory_space<vmem>>) target(%dma_start3A_214 : memref<10000x128xf32, #tpu.memory_space<vmem_shared>>) offsets(%dma_start3A_211 : memref<128xi32, #tpu.memory_space<vmem>>) semaphore(%run_scoped3A_208 : memref<!tpu.dma_semaphore, #tpu.memory_space<semaphore_mem>>) {add = true}
        %dma_wait3A_215 = arith.constant 0 : i32
        %dma_wait3A_216 = tpu.memref_slice %arg6[%run_scoped3A, %dma_wait3A_215] : memref<2x128xi32, #tpu.memory_space<vmem>> -> memref<1x128xi32, #tpu.memory_space<vmem>>
        %dma_wait3A_217 = tpu.memref_squeeze %dma_wait3A_216 : memref<1x128xi32, #tpu.memory_space<vmem>> -> memref<128xi32, #tpu.memory_space<vmem>>
        %dma_wait3A_218 = arith.constant 0 : i32
        %dma_wait3A_219 = arith.constant 0 : i32
        %dma_wait3A_220 = tpu.memref_slice %arg12[%dma_wait3A_218, %dma_wait3A_219] : memref<10000x128xf32, #tpu.memory_space<vmem_shared>> -> memref<10000x128xf32, #tpu.memory_space<vmem_shared>>
        tpu.wait_indirect_dma semaphore(%run_scoped3A_208 : memref<!tpu.dma_semaphore, #tpu.memory_space<semaphore_mem>>) src(%arg10 : memref<128x128xf32, #tpu.memory_space<vmem>>) dst(%dma_wait3A_220 : memref<10000x128xf32, #tpu.memory_space<vmem_shared>>)
        tpu.yield
      }) : () -> ()
      %add3A_122 = arith.constant 4 : i32
      %add3A_123 = arith.addi %mul3A_114, %add3A_122 : i32
      %lt3A_124 = arith.cmpi slt, %add3A_123, %select_n3A : i32
      %convert_element_type3A_125 = arith.extui %lt3A_124 : i1 to i32
      %cond3A_126 = arith.constant 0 : i32
      %cond3A_127 = arith.cmpi ne, %convert_element_type3A_125, %cond3A_126 : i32
      scf.if %cond3A_127 {
        %add3A_208 = arith.addi %add3A_6, %add3A_123 : i32
        %mul3A_209 = arith.constant 128 : i32
        %mul3A_210 = arith.muli %add3A_208, %mul3A_209 : i32
        %dma_start3A_211 = arith.constant 0 : i32
        %dma_start3A_212 = tpu.memref_slice %arg3[%dma_start3A_211, %mul3A_210] : memref<2x320000xi32, #tpu.memory_space<hbm>> -> memref<2x128xi32, #tpu.memory_space<hbm>>
        %dma_start3A_213 = arith.constant 0 : i32
        %dma_start3A_214 = tpu.memref_slice %arg3[%dma_start3A_213, %mul3A_210] : memref<2x320000xi32, #tpu.memory_space<hbm>> -> memref<2x128xi32, #tpu.memory_space<hbm>>
        tpu.enqueue_dma source(%dma_start3A_214 : memref<2x128xi32, #tpu.memory_space<hbm>>) target(%arg6 : memref<2x128xi32, #tpu.memory_space<vmem>>) target_semaphore(%arg13 : memref<!tpu.dma_semaphore, #tpu.memory_space<semaphore_mem>>)
      } else {
      }
      %dma_wait3A_128 = arith.constant 0 : i32
      %dma_wait3A_129 = arith.constant 0 : i32
      %dma_wait3A_130 = tpu.memref_slice %arg3[%dma_wait3A_128, %dma_wait3A_129] : memref<2x320000xi32, #tpu.memory_space<hbm>> -> memref<2x128xi32, #tpu.memory_space<hbm>>
      %dma_wait3A_131 = arith.constant 0 : i32
      %dma_wait3A_132 = arith.constant 0 : i32
      %dma_wait3A_133 = tpu.memref_slice %arg3[%dma_wait3A_131, %dma_wait3A_132] : memref<2x320000xi32, #tpu.memory_space<hbm>> -> memref<2x128xi32, #tpu.memory_space<hbm>>
      tpu.wait_dma2 semaphore(%arg15 : memref<!tpu.dma_semaphore, #tpu.memory_space<semaphore_mem>>) src(%dma_wait3A_133 : memref<2x128xi32, #tpu.memory_space<hbm>>) dst(%arg8 : memref<2x128xi32, #tpu.memory_space<vmem>>)
      %dma_start3A_134 = arith.constant 0 : i32
      %dma_start3A_135 = arith.constant 0 : i32
      %dma_start3A_136 = tpu.memref_slice %arg8[%dma_start3A_134, %dma_start3A_135] : memref<2x128xi32, #tpu.memory_space<vmem>> -> memref<1x128xi32, #tpu.memory_space<vmem>>
      %dma_start3A_137 = tpu.memref_squeeze %dma_start3A_136 : memref<1x128xi32, #tpu.memory_space<vmem>> -> memref<128xi32, #tpu.memory_space<vmem>>
      %dma_start3A_138 = arith.constant 0 : i32
      %dma_start3A_139 = arith.constant 0 : i32
      %dma_start3A_140 = tpu.memref_slice %arg2[%dma_start3A_138, %dma_start3A_139] : memref<10000x128xf32, #tpu.memory_space<hbm>> -> memref<10000x128xf32, #tpu.memory_space<hbm>>
      tpu.enqueue_indirect_dma source(%dma_start3A_140 : memref<10000x128xf32, #tpu.memory_space<hbm>>) target(%arg10 : memref<128x128xf32, #tpu.memory_space<vmem>>) offsets(%dma_start3A_137 : memref<128xi32, #tpu.memory_space<vmem>>) semaphore(%arg17 : memref<!tpu.dma_semaphore, #tpu.memory_space<semaphore_mem>>)
      %dma_wait3A_141 = arith.constant 0 : i32
      %dma_wait3A_142 = arith.constant 0 : i32
      %dma_wait3A_143 = tpu.memref_slice %arg7[%dma_wait3A_141, %dma_wait3A_142] : memref<2x128xi32, #tpu.memory_space<vmem>> -> memref<1x128xi32, #tpu.memory_space<vmem>>
      %dma_wait3A_144 = tpu.memref_squeeze %dma_wait3A_143 : memref<1x128xi32, #tpu.memory_space<vmem>> -> memref<128xi32, #tpu.memory_space<vmem>>
      %dma_wait3A_145 = arith.constant 0 : i32
      %dma_wait3A_146 = arith.constant 0 : i32
      %dma_wait3A_147 = tpu.memref_slice %arg2[%dma_wait3A_145, %dma_wait3A_146] : memref<10000x128xf32, #tpu.memory_space<hbm>> -> memref<10000x128xf32, #tpu.memory_space<hbm>>
      tpu.wait_indirect_dma semaphore(%arg18 : memref<!tpu.dma_semaphore, #tpu.memory_space<semaphore_mem>>) src(%dma_wait3A_147 : memref<10000x128xf32, #tpu.memory_space<hbm>>) dst(%arg11 : memref<128x128xf32, #tpu.memory_space<vmem>>)
      %run_scoped3A_148 = arith.constant 1 : i32
      "tpu.region"() ({
        %run_scoped3A_208 = tpu.sem_alloc : memref<!tpu.dma_semaphore, #tpu.memory_space<semaphore_mem>>
        %dma_start3A_209 = arith.constant 0 : i32
        %dma_start3A_210 = tpu.memref_slice %arg7[%run_scoped3A_148, %dma_start3A_209] : memref<2x128xi32, #tpu.memory_space<vmem>> -> memref<1x128xi32, #tpu.memory_space<vmem>>
        %dma_start3A_211 = tpu.memref_squeeze %dma_start3A_210 : memref<1x128xi32, #tpu.memory_space<vmem>> -> memref<128xi32, #tpu.memory_space<vmem>>
        %dma_start3A_212 = arith.constant 0 : i32
        %dma_start3A_213 = arith.constant 0 : i32
        %dma_start3A_214 = tpu.memref_slice %arg12[%dma_start3A_212, %dma_start3A_213] : memref<10000x128xf32, #tpu.memory_space<vmem_shared>> -> memref<10000x128xf32, #tpu.memory_space<vmem_shared>>
        tpu.enqueue_indirect_dma source(%arg11 : memref<128x128xf32, #tpu.memory_space<vmem>>) target(%dma_start3A_214 : memref<10000x128xf32, #tpu.memory_space<vmem_shared>>) offsets(%dma_start3A_211 : memref<128xi32, #tpu.memory_space<vmem>>) semaphore(%run_scoped3A_208 : memref<!tpu.dma_semaphore, #tpu.memory_space<semaphore_mem>>) {add = true}
        %dma_wait3A_215 = arith.constant 0 : i32
        %dma_wait3A_216 = tpu.memref_slice %arg7[%run_scoped3A_148, %dma_wait3A_215] : memref<2x128xi32, #tpu.memory_space<vmem>> -> memref<1x128xi32, #tpu.memory_space<vmem>>
        %dma_wait3A_217 = tpu.memref_squeeze %dma_wait3A_216 : memref<1x128xi32, #tpu.memory_space<vmem>> -> memref<128xi32, #tpu.memory_space<vmem>>
        %dma_wait3A_218 = arith.constant 0 : i32
        %dma_wait3A_219 = arith.constant 0 : i32
        %dma_wait3A_220 = tpu.memref_slice %arg12[%dma_wait3A_218, %dma_wait3A_219] : memref<10000x128xf32, #tpu.memory_space<vmem_shared>> -> memref<10000x128xf32, #tpu.memory_space<vmem_shared>>
        tpu.wait_indirect_dma semaphore(%run_scoped3A_208 : memref<!tpu.dma_semaphore, #tpu.memory_space<semaphore_mem>>) src(%arg11 : memref<128x128xf32, #tpu.memory_space<vmem>>) dst(%dma_wait3A_220 : memref<10000x128xf32, #tpu.memory_space<vmem_shared>>)
        tpu.yield
      }) : () -> ()
      %add3A_149 = arith.constant 5 : i32
      %add3A_150 = arith.addi %mul3A_114, %add3A_149 : i32
      %lt3A_151 = arith.cmpi slt, %add3A_150, %select_n3A : i32
      %convert_element_type3A_152 = arith.extui %lt3A_151 : i1 to i32
      %cond3A_153 = arith.constant 0 : i32
      %cond3A_154 = arith.cmpi ne, %convert_element_type3A_152, %cond3A_153 : i32
      scf.if %cond3A_154 {
        %add3A_208 = arith.addi %add3A_6, %add3A_150 : i32
        %mul3A_209 = arith.constant 128 : i32
        %mul3A_210 = arith.muli %add3A_208, %mul3A_209 : i32
        %dma_start3A_211 = arith.constant 0 : i32
        %dma_start3A_212 = tpu.memref_slice %arg3[%dma_start3A_211, %mul3A_210] : memref<2x320000xi32, #tpu.memory_space<hbm>> -> memref<2x128xi32, #tpu.memory_space<hbm>>
        %dma_start3A_213 = arith.constant 0 : i32
        %dma_start3A_214 = tpu.memref_slice %arg3[%dma_start3A_213, %mul3A_210] : memref<2x320000xi32, #tpu.memory_space<hbm>> -> memref<2x128xi32, #tpu.memory_space<hbm>>
        tpu.enqueue_dma source(%dma_start3A_214 : memref<2x128xi32, #tpu.memory_space<hbm>>) target(%arg7 : memref<2x128xi32, #tpu.memory_space<vmem>>) target_semaphore(%arg14 : memref<!tpu.dma_semaphore, #tpu.memory_space<semaphore_mem>>)
      } else {
      }
      %dma_wait3A_155 = arith.constant 0 : i32
      %dma_wait3A_156 = arith.constant 0 : i32
      %dma_wait3A_157 = tpu.memref_slice %arg3[%dma_wait3A_155, %dma_wait3A_156] : memref<2x320000xi32, #tpu.memory_space<hbm>> -> memref<2x128xi32, #tpu.memory_space<hbm>>
      %dma_wait3A_158 = arith.constant 0 : i32
      %dma_wait3A_159 = arith.constant 0 : i32
      %dma_wait3A_160 = tpu.memref_slice %arg3[%dma_wait3A_158, %dma_wait3A_159] : memref<2x320000xi32, #tpu.memory_space<hbm>> -> memref<2x128xi32, #tpu.memory_space<hbm>>
      tpu.wait_dma2 semaphore(%arg16 : memref<!tpu.dma_semaphore, #tpu.memory_space<semaphore_mem>>) src(%dma_wait3A_160 : memref<2x128xi32, #tpu.memory_space<hbm>>) dst(%arg9 : memref<2x128xi32, #tpu.memory_space<vmem>>)
      %dma_start3A_161 = arith.constant 0 : i32
      %dma_start3A_162 = arith.constant 0 : i32
      %dma_start3A_163 = tpu.memref_slice %arg9[%dma_start3A_161, %dma_start3A_162] : memref<2x128xi32, #tpu.memory_space<vmem>> -> memref<1x128xi32, #tpu.memory_space<vmem>>
      %dma_start3A_164 = tpu.memref_squeeze %dma_start3A_163 : memref<1x128xi32, #tpu.memory_space<vmem>> -> memref<128xi32, #tpu.memory_space<vmem>>
      %dma_start3A_165 = arith.constant 0 : i32
      %dma_start3A_166 = arith.constant 0 : i32
      %dma_start3A_167 = tpu.memref_slice %arg2[%dma_start3A_165, %dma_start3A_166] : memref<10000x128xf32, #tpu.memory_space<hbm>> -> memref<10000x128xf32, #tpu.memory_space<hbm>>
      tpu.enqueue_indirect_dma source(%dma_start3A_167 : memref<10000x128xf32, #tpu.memory_space<hbm>>) target(%arg11 : memref<128x128xf32, #tpu.memory_space<vmem>>) offsets(%dma_start3A_164 : memref<128xi32, #tpu.memory_space<vmem>>) semaphore(%arg18 : memref<!tpu.dma_semaphore, #tpu.memory_space<semaphore_mem>>)
      %dma_wait3A_168 = arith.constant 0 : i32
      %dma_wait3A_169 = arith.constant 0 : i32
      %dma_wait3A_170 = tpu.memref_slice %arg8[%dma_wait3A_168, %dma_wait3A_169] : memref<2x128xi32, #tpu.memory_space<vmem>> -> memref<1x128xi32, #tpu.memory_space<vmem>>
      %dma_wait3A_171 = tpu.memref_squeeze %dma_wait3A_170 : memref<1x128xi32, #tpu.memory_space<vmem>> -> memref<128xi32, #tpu.memory_space<vmem>>
      %dma_wait3A_172 = arith.constant 0 : i32
      %dma_wait3A_173 = arith.constant 0 : i32
      %dma_wait3A_174 = tpu.memref_slice %arg2[%dma_wait3A_172, %dma_wait3A_173] : memref<10000x128xf32, #tpu.memory_space<hbm>> -> memref<10000x128xf32, #tpu.memory_space<hbm>>
      tpu.wait_indirect_dma semaphore(%arg17 : memref<!tpu.dma_semaphore, #tpu.memory_space<semaphore_mem>>) src(%dma_wait3A_174 : memref<10000x128xf32, #tpu.memory_space<hbm>>) dst(%arg10 : memref<128x128xf32, #tpu.memory_space<vmem>>)
      %run_scoped3A_175 = arith.constant 1 : i32
      "tpu.region"() ({
        %run_scoped3A_208 = tpu.sem_alloc : memref<!tpu.dma_semaphore, #tpu.memory_space<semaphore_mem>>
        %dma_start3A_209 = arith.constant 0 : i32
        %dma_start3A_210 = tpu.memref_slice %arg8[%run_scoped3A_175, %dma_start3A_209] : memref<2x128xi32, #tpu.memory_space<vmem>> -> memref<1x128xi32, #tpu.memory_space<vmem>>
        %dma_start3A_211 = tpu.memref_squeeze %dma_start3A_210 : memref<1x128xi32, #tpu.memory_space<vmem>> -> memref<128xi32, #tpu.memory_space<vmem>>
        %dma_start3A_212 = arith.constant 0 : i32
        %dma_start3A_213 = arith.constant 0 : i32
        %dma_start3A_214 = tpu.memref_slice %arg12[%dma_start3A_212, %dma_start3A_213] : memref<10000x128xf32, #tpu.memory_space<vmem_shared>> -> memref<10000x128xf32, #tpu.memory_space<vmem_shared>>
        tpu.enqueue_indirect_dma source(%arg10 : memref<128x128xf32, #tpu.memory_space<vmem>>) target(%dma_start3A_214 : memref<10000x128xf32, #tpu.memory_space<vmem_shared>>) offsets(%dma_start3A_211 : memref<128xi32, #tpu.memory_space<vmem>>) semaphore(%run_scoped3A_208 : memref<!tpu.dma_semaphore, #tpu.memory_space<semaphore_mem>>) {add = true}
        %dma_wait3A_215 = arith.constant 0 : i32
        %dma_wait3A_216 = tpu.memref_slice %arg8[%run_scoped3A_175, %dma_wait3A_215] : memref<2x128xi32, #tpu.memory_space<vmem>> -> memref<1x128xi32, #tpu.memory_space<vmem>>
        %dma_wait3A_217 = tpu.memref_squeeze %dma_wait3A_216 : memref<1x128xi32, #tpu.memory_space<vmem>> -> memref<128xi32, #tpu.memory_space<vmem>>
        %dma_wait3A_218 = arith.constant 0 : i32
        %dma_wait3A_219 = arith.constant 0 : i32
        %dma_wait3A_220 = tpu.memref_slice %arg12[%dma_wait3A_218, %dma_wait3A_219] : memref<10000x128xf32, #tpu.memory_space<vmem_shared>> -> memref<10000x128xf32, #tpu.memory_space<vmem_shared>>
        tpu.wait_indirect_dma semaphore(%run_scoped3A_208 : memref<!tpu.dma_semaphore, #tpu.memory_space<semaphore_mem>>) src(%arg10 : memref<128x128xf32, #tpu.memory_space<vmem>>) dst(%dma_wait3A_220 : memref<10000x128xf32, #tpu.memory_space<vmem_shared>>)
        tpu.yield
      }) : () -> ()
      %add3A_176 = arith.constant 6 : i32
      %add3A_177 = arith.addi %mul3A_114, %add3A_176 : i32
      %lt3A_178 = arith.cmpi slt, %add3A_177, %select_n3A : i32
      %convert_element_type3A_179 = arith.extui %lt3A_178 : i1 to i32
      %cond3A_180 = arith.constant 0 : i32
      %cond3A_181 = arith.cmpi ne, %convert_element_type3A_179, %cond3A_180 : i32
      scf.if %cond3A_181 {
        %add3A_208 = arith.addi %add3A_6, %add3A_177 : i32
        %mul3A_209 = arith.constant 128 : i32
        %mul3A_210 = arith.muli %add3A_208, %mul3A_209 : i32
        %dma_start3A_211 = arith.constant 0 : i32
        %dma_start3A_212 = tpu.memref_slice %arg3[%dma_start3A_211, %mul3A_210] : memref<2x320000xi32, #tpu.memory_space<hbm>> -> memref<2x128xi32, #tpu.memory_space<hbm>>
        %dma_start3A_213 = arith.constant 0 : i32
        %dma_start3A_214 = tpu.memref_slice %arg3[%dma_start3A_213, %mul3A_210] : memref<2x320000xi32, #tpu.memory_space<hbm>> -> memref<2x128xi32, #tpu.memory_space<hbm>>
        tpu.enqueue_dma source(%dma_start3A_214 : memref<2x128xi32, #tpu.memory_space<hbm>>) target(%arg8 : memref<2x128xi32, #tpu.memory_space<vmem>>) target_semaphore(%arg15 : memref<!tpu.dma_semaphore, #tpu.memory_space<semaphore_mem>>)
      } else {
      }
      %add3A_182 = arith.constant 4 : i32
      %add3A_183 = arith.addi %mul3A_114, %add3A_182 : i32
      %lt3A_184 = arith.cmpi slt, %add3A_183, %select_n3A : i32
      %convert_element_type3A_185 = arith.extui %lt3A_184 : i1 to i32
      %cond3A_186 = arith.constant 0 : i32
      %cond3A_187 = arith.cmpi ne, %convert_element_type3A_185, %cond3A_186 : i32
      scf.if %cond3A_187 {
        %dma_wait3A_208 = arith.constant 0 : i32
        %dma_wait3A_209 = arith.constant 0 : i32
        %dma_wait3A_210 = tpu.memref_slice %arg3[%dma_wait3A_208, %dma_wait3A_209] : memref<2x320000xi32, #tpu.memory_space<hbm>> -> memref<2x128xi32, #tpu.memory_space<hbm>>
        %dma_wait3A_211 = arith.constant 0 : i32
        %dma_wait3A_212 = arith.constant 0 : i32
        %dma_wait3A_213 = tpu.memref_slice %arg3[%dma_wait3A_211, %dma_wait3A_212] : memref<2x320000xi32, #tpu.memory_space<hbm>> -> memref<2x128xi32, #tpu.memory_space<hbm>>
        tpu.wait_dma2 semaphore(%arg13 : memref<!tpu.dma_semaphore, #tpu.memory_space<semaphore_mem>>) src(%dma_wait3A_213 : memref<2x128xi32, #tpu.memory_space<hbm>>) dst(%arg6 : memref<2x128xi32, #tpu.memory_space<vmem>>)
        %dma_start3A_214 = arith.constant 0 : i32
        %dma_start3A_215 = arith.constant 0 : i32
        %dma_start3A_216 = tpu.memref_slice %arg6[%dma_start3A_214, %dma_start3A_215] : memref<2x128xi32, #tpu.memory_space<vmem>> -> memref<1x128xi32, #tpu.memory_space<vmem>>
        %dma_start3A_217 = tpu.memref_squeeze %dma_start3A_216 : memref<1x128xi32, #tpu.memory_space<vmem>> -> memref<128xi32, #tpu.memory_space<vmem>>
        %dma_start3A_218 = arith.constant 0 : i32
        %dma_start3A_219 = arith.constant 0 : i32
        %dma_start3A_220 = tpu.memref_slice %arg2[%dma_start3A_218, %dma_start3A_219] : memref<10000x128xf32, #tpu.memory_space<hbm>> -> memref<10000x128xf32, #tpu.memory_space<hbm>>
        tpu.enqueue_indirect_dma source(%dma_start3A_220 : memref<10000x128xf32, #tpu.memory_space<hbm>>) target(%arg10 : memref<128x128xf32, #tpu.memory_space<vmem>>) offsets(%dma_start3A_217 : memref<128xi32, #tpu.memory_space<vmem>>) semaphore(%arg17 : memref<!tpu.dma_semaphore, #tpu.memory_space<semaphore_mem>>)
      } else {
      }
      %dma_wait3A_188 = arith.constant 0 : i32
      %dma_wait3A_189 = arith.constant 0 : i32
      %dma_wait3A_190 = tpu.memref_slice %arg9[%dma_wait3A_188, %dma_wait3A_189] : memref<2x128xi32, #tpu.memory_space<vmem>> -> memref<1x128xi32, #tpu.memory_space<vmem>>
      %dma_wait3A_191 = tpu.memref_squeeze %dma_wait3A_190 : memref<1x128xi32, #tpu.memory_space<vmem>> -> memref<128xi32, #tpu.memory_space<vmem>>
      %dma_wait3A_192 = arith.constant 0 : i32
      %dma_wait3A_193 = arith.constant 0 : i32
      %dma_wait3A_194 = tpu.memref_slice %arg2[%dma_wait3A_192, %dma_wait3A_193] : memref<10000x128xf32, #tpu.memory_space<hbm>> -> memref<10000x128xf32, #tpu.memory_space<hbm>>
      tpu.wait_indirect_dma semaphore(%arg18 : memref<!tpu.dma_semaphore, #tpu.memory_space<semaphore_mem>>) src(%dma_wait3A_194 : memref<10000x128xf32, #tpu.memory_space<hbm>>) dst(%arg11 : memref<128x128xf32, #tpu.memory_space<vmem>>)
      %run_scoped3A_195 = arith.constant 1 : i32
      "tpu.region"() ({
        %run_scoped3A_208 = tpu.sem_alloc : memref<!tpu.dma_semaphore, #tpu.memory_space<semaphore_mem>>
        %dma_start3A_209 = arith.constant 0 : i32
        %dma_start3A_210 = tpu.memref_slice %arg9[%run_scoped3A_195, %dma_start3A_209] : memref<2x128xi32, #tpu.memory_space<vmem>> -> memref<1x128xi32, #tpu.memory_space<vmem>>
        %dma_start3A_211 = tpu.memref_squeeze %dma_start3A_210 : memref<1x128xi32, #tpu.memory_space<vmem>> -> memref<128xi32, #tpu.memory_space<vmem>>
        %dma_start3A_212 = arith.constant 0 : i32
        %dma_start3A_213 = arith.constant 0 : i32
        %dma_start3A_214 = tpu.memref_slice %arg12[%dma_start3A_212, %dma_start3A_213] : memref<10000x128xf32, #tpu.memory_space<vmem_shared>> -> memref<10000x128xf32, #tpu.memory_space<vmem_shared>>
        tpu.enqueue_indirect_dma source(%arg11 : memref<128x128xf32, #tpu.memory_space<vmem>>) target(%dma_start3A_214 : memref<10000x128xf32, #tpu.memory_space<vmem_shared>>) offsets(%dma_start3A_211 : memref<128xi32, #tpu.memory_space<vmem>>) semaphore(%run_scoped3A_208 : memref<!tpu.dma_semaphore, #tpu.memory_space<semaphore_mem>>) {add = true}
        %dma_wait3A_215 = arith.constant 0 : i32
        %dma_wait3A_216 = tpu.memref_slice %arg9[%run_scoped3A_195, %dma_wait3A_215] : memref<2x128xi32, #tpu.memory_space<vmem>> -> memref<1x128xi32, #tpu.memory_space<vmem>>
        %dma_wait3A_217 = tpu.memref_squeeze %dma_wait3A_216 : memref<1x128xi32, #tpu.memory_space<vmem>> -> memref<128xi32, #tpu.memory_space<vmem>>
        %dma_wait3A_218 = arith.constant 0 : i32
        %dma_wait3A_219 = arith.constant 0 : i32
        %dma_wait3A_220 = tpu.memref_slice %arg12[%dma_wait3A_218, %dma_wait3A_219] : memref<10000x128xf32, #tpu.memory_space<vmem_shared>> -> memref<10000x128xf32, #tpu.memory_space<vmem_shared>>
        tpu.wait_indirect_dma semaphore(%run_scoped3A_208 : memref<!tpu.dma_semaphore, #tpu.memory_space<semaphore_mem>>) src(%arg11 : memref<128x128xf32, #tpu.memory_space<vmem>>) dst(%dma_wait3A_220 : memref<10000x128xf32, #tpu.memory_space<vmem_shared>>)
        tpu.yield
      }) : () -> ()
      %add3A_196 = arith.constant 7 : i32
      %add3A_197 = arith.addi %mul3A_114, %add3A_196 : i32
      %lt3A_198 = arith.cmpi slt, %add3A_197, %select_n3A : i32
      %convert_element_type3A_199 = arith.extui %lt3A_198 : i1 to i32
      %cond3A_200 = arith.constant 0 : i32
      %cond3A_201 = arith.cmpi ne, %convert_element_type3A_199, %cond3A_200 : i32
      scf.if %cond3A_201 {
        %add3A_208 = arith.addi %add3A_6, %add3A_197 : i32
        %mul3A_209 = arith.constant 128 : i32
        %mul3A_210 = arith.muli %add3A_208, %mul3A_209 : i32
        %dma_start3A_211 = arith.constant 0 : i32
        %dma_start3A_212 = tpu.memref_slice %arg3[%dma_start3A_211, %mul3A_210] : memref<2x320000xi32, #tpu.memory_space<hbm>> -> memref<2x128xi32, #tpu.memory_space<hbm>>
        %dma_start3A_213 = arith.constant 0 : i32
        %dma_start3A_214 = tpu.memref_slice %arg3[%dma_start3A_213, %mul3A_210] : memref<2x320000xi32, #tpu.memory_space<hbm>> -> memref<2x128xi32, #tpu.memory_space<hbm>>
        tpu.enqueue_dma source(%dma_start3A_214 : memref<2x128xi32, #tpu.memory_space<hbm>>) target(%arg9 : memref<2x128xi32, #tpu.memory_space<vmem>>) target_semaphore(%arg16 : memref<!tpu.dma_semaphore, #tpu.memory_space<semaphore_mem>>)
      } else {
      }
      %add3A_202 = arith.constant 5 : i32
      %add3A_203 = arith.addi %mul3A_114, %add3A_202 : i32
      %lt3A_204 = arith.cmpi slt, %add3A_203, %select_n3A : i32
      %convert_element_type3A_205 = arith.extui %lt3A_204 : i1 to i32
      %cond3A_206 = arith.constant 0 : i32
      %cond3A_207 = arith.cmpi ne, %convert_element_type3A_205, %cond3A_206 : i32
      scf.if %cond3A_207 {
        %dma_wait3A_208 = arith.constant 0 : i32
        %dma_wait3A_209 = arith.constant 0 : i32
        %dma_wait3A_210 = tpu.memref_slice %arg3[%dma_wait3A_208, %dma_wait3A_209] : memref<2x320000xi32, #tpu.memory_space<hbm>> -> memref<2x128xi32, #tpu.memory_space<hbm>>
        %dma_wait3A_211 = arith.constant 0 : i32
        %dma_wait3A_212 = arith.constant 0 : i32
        %dma_wait3A_213 = tpu.memref_slice %arg3[%dma_wait3A_211, %dma_wait3A_212] : memref<2x320000xi32, #tpu.memory_space<hbm>> -> memref<2x128xi32, #tpu.memory_space<hbm>>
        tpu.wait_dma2 semaphore(%arg14 : memref<!tpu.dma_semaphore, #tpu.memory_space<semaphore_mem>>) src(%dma_wait3A_213 : memref<2x128xi32, #tpu.memory_space<hbm>>) dst(%arg7 : memref<2x128xi32, #tpu.memory_space<vmem>>)
        %dma_start3A_214 = arith.constant 0 : i32
        %dma_start3A_215 = arith.constant 0 : i32
        %dma_start3A_216 = tpu.memref_slice %arg7[%dma_start3A_214, %dma_start3A_215] : memref<2x128xi32, #tpu.memory_space<vmem>> -> memref<1x128xi32, #tpu.memory_space<vmem>>
        %dma_start3A_217 = tpu.memref_squeeze %dma_start3A_216 : memref<1x128xi32, #tpu.memory_space<vmem>> -> memref<128xi32, #tpu.memory_space<vmem>>
        %dma_start3A_218 = arith.constant 0 : i32
        %dma_start3A_219 = arith.constant 0 : i32
        %dma_start3A_220 = tpu.memref_slice %arg2[%dma_start3A_218, %dma_start3A_219] : memref<10000x128xf32, #tpu.memory_space<hbm>> -> memref<10000x128xf32, #tpu.memory_space<hbm>>
        tpu.enqueue_indirect_dma source(%dma_start3A_220 : memref<10000x128xf32, #tpu.memory_space<hbm>>) target(%arg11 : memref<128x128xf32, #tpu.memory_space<vmem>>) offsets(%dma_start3A_217 : memref<128xi32, #tpu.memory_space<vmem>>) semaphore(%arg18 : memref<!tpu.dma_semaphore, #tpu.memory_space<semaphore_mem>>)
      } else {
      }
    }
    %while3A_103 = arith.constant 1 : i32
    scf.for %while3A_110 = %while3A_101 to %while3A_97 step %while3A_103  : i32 {
      %mul3A_111 = arith.muli %while3A_110, %while3A : i32
      %add3A_112 = arith.addi %while3A_94, %mul3A_111 : i32
      %mul3A_113 = arith.constant 4 : i32
      %mul3A_114 = arith.muli %mul3A_113, %add3A_112 : i32
      %dma_wait3A_115 = arith.constant 0 : i32
      %dma_wait3A_116 = arith.constant 0 : i32
      %dma_wait3A_117 = tpu.memref_slice %arg6[%dma_wait3A_115, %dma_wait3A_116] : memref<2x128xi32, #tpu.memory_space<vmem>> -> memref<1x128xi32, #tpu.memory_space<vmem>>
      %dma_wait3A_118 = tpu.memref_squeeze %dma_wait3A_117 : memref<1x128xi32, #tpu.memory_space<vmem>> -> memref<128xi32, #tpu.memory_space<vmem>>
      %dma_wait3A_119 = arith.constant 0 : i32
      %dma_wait3A_120 = arith.constant 0 : i32
      %dma_wait3A_121 = tpu.memref_slice %arg2[%dma_wait3A_119, %dma_wait3A_120] : memref<10000x128xf32, #tpu.memory_space<hbm>> -> memref<10000x128xf32, #tpu.memory_space<hbm>>
      tpu.wait_indirect_dma semaphore(%arg17 : memref<!tpu.dma_semaphore, #tpu.memory_space<semaphore_mem>>) src(%dma_wait3A_121 : memref<10000x128xf32, #tpu.memory_space<hbm>>) dst(%arg10 : memref<128x128xf32, #tpu.memory_space<vmem>>)
      %run_scoped3A = arith.constant 1 : i32
      "tpu.region"() ({
        %run_scoped3A_208 = tpu.sem_alloc : memref<!tpu.dma_semaphore, #tpu.memory_space<semaphore_mem>>
        %dma_start3A_209 = arith.constant 0 : i32
        %dma_start3A_210 = tpu.memref_slice %arg6[%run_scoped3A, %dma_start3A_209] : memref<2x128xi32, #tpu.memory_space<vmem>> -> memref<1x128xi32, #tpu.memory_space<vmem>>
        %dma_start3A_211 = tpu.memref_squeeze %dma_start3A_210 : memref<1x128xi32, #tpu.memory_space<vmem>> -> memref<128xi32, #tpu.memory_space<vmem>>
        %dma_start3A_212 = arith.constant 0 : i32
        %dma_start3A_213 = arith.constant 0 : i32
        %dma_start3A_214 = tpu.memref_slice %arg12[%dma_start3A_212, %dma_start3A_213] : memref<10000x128xf32, #tpu.memory_space<vmem_shared>> -> memref<10000x128xf32, #tpu.memory_space<vmem_shared>>
        tpu.enqueue_indirect_dma source(%arg10 : memref<128x128xf32, #tpu.memory_space<vmem>>) target(%dma_start3A_214 : memref<10000x128xf32, #tpu.memory_space<vmem_shared>>) offsets(%dma_start3A_211 : memref<128xi32, #tpu.memory_space<vmem>>) semaphore(%run_scoped3A_208 : memref<!tpu.dma_semaphore, #tpu.memory_space<semaphore_mem>>) {add = true}
        %dma_wait3A_215 = arith.constant 0 : i32
        %dma_wait3A_216 = tpu.memref_slice %arg6[%run_scoped3A, %dma_wait3A_215] : memref<2x128xi32, #tpu.memory_space<vmem>> -> memref<1x128xi32, #tpu.memory_space<vmem>>
        %dma_wait3A_217 = tpu.memref_squeeze %dma_wait3A_216 : memref<1x128xi32, #tpu.memory_space<vmem>> -> memref<128xi32, #tpu.memory_space<vmem>>
        %dma_wait3A_218 = arith.constant 0 : i32
        %dma_wait3A_219 = arith.constant 0 : i32
        %dma_wait3A_220 = tpu.memref_slice %arg12[%dma_wait3A_218, %dma_wait3A_219] : memref<10000x128xf32, #tpu.memory_space<vmem_shared>> -> memref<10000x128xf32, #tpu.memory_space<vmem_shared>>
        tpu.wait_indirect_dma semaphore(%run_scoped3A_208 : memref<!tpu.dma_semaphore, #tpu.memory_space<semaphore_mem>>) src(%arg10 : memref<128x128xf32, #tpu.memory_space<vmem>>) dst(%dma_wait3A_220 : memref<10000x128xf32, #tpu.memory_space<vmem_shared>>)
        tpu.yield
      }) : () -> ()
      %add3A_122 = arith.constant 4 : i32
      %add3A_123 = arith.addi %mul3A_114, %add3A_122 : i32
      %lt3A_124 = arith.cmpi slt, %add3A_123, %select_n3A : i32
      %convert_element_type3A_125 = arith.extui %lt3A_124 : i1 to i32
      %cond3A_126 = arith.constant 0 : i32
      %cond3A_127 = arith.cmpi ne, %convert_element_type3A_125, %cond3A_126 : i32
      scf.if %cond3A_127 {
        %add3A_208 = arith.addi %add3A_6, %add3A_123 : i32
        %mul3A_209 = arith.constant 128 : i32
        %mul3A_210 = arith.muli %add3A_208, %mul3A_209 : i32
        %dma_start3A_211 = arith.constant 0 : i32
        %dma_start3A_212 = tpu.memref_slice %arg3[%dma_start3A_211, %mul3A_210] : memref<2x320000xi32, #tpu.memory_space<hbm>> -> memref<2x128xi32, #tpu.memory_space<hbm>>
        %dma_start3A_213 = arith.constant 0 : i32
        %dma_start3A_214 = tpu.memref_slice %arg3[%dma_start3A_213, %mul3A_210] : memref<2x320000xi32, #tpu.memory_space<hbm>> -> memref<2x128xi32, #tpu.memory_space<hbm>>
        tpu.enqueue_dma source(%dma_start3A_214 : memref<2x128xi32, #tpu.memory_space<hbm>>) target(%arg6 : memref<2x128xi32, #tpu.memory_space<vmem>>) target_semaphore(%arg13 : memref<!tpu.dma_semaphore, #tpu.memory_space<semaphore_mem>>)
      } else {
      }
      %dma_wait3A_128 = arith.constant 0 : i32
      %dma_wait3A_129 = arith.constant 0 : i32
      %dma_wait3A_130 = tpu.memref_slice %arg3[%dma_wait3A_128, %dma_wait3A_129] : memref<2x320000xi32, #tpu.memory_space<hbm>> -> memref<2x128xi32, #tpu.memory_space<hbm>>
      %dma_wait3A_131 = arith.constant 0 : i32
      %dma_wait3A_132 = arith.constant 0 : i32
      %dma_wait3A_133 = tpu.memref_slice %arg3[%dma_wait3A_131, %dma_wait3A_132] : memref<2x320000xi32, #tpu.memory_space<hbm>> -> memref<2x128xi32, #tpu.memory_space<hbm>>
      tpu.wait_dma2 semaphore(%arg15 : memref<!tpu.dma_semaphore, #tpu.memory_space<semaphore_mem>>) src(%dma_wait3A_133 : memref<2x128xi32, #tpu.memory_space<hbm>>) dst(%arg8 : memref<2x128xi32, #tpu.memory_space<vmem>>)
      %dma_start3A_134 = arith.constant 0 : i32
      %dma_start3A_135 = arith.constant 0 : i32
      %dma_start3A_136 = tpu.memref_slice %arg8[%dma_start3A_134, %dma_start3A_135] : memref<2x128xi32, #tpu.memory_space<vmem>> -> memref<1x128xi32, #tpu.memory_space<vmem>>
      %dma_start3A_137 = tpu.memref_squeeze %dma_start3A_136 : memref<1x128xi32, #tpu.memory_space<vmem>> -> memref<128xi32, #tpu.memory_space<vmem>>
      %dma_start3A_138 = arith.constant 0 : i32
      %dma_start3A_139 = arith.constant 0 : i32
      %dma_start3A_140 = tpu.memref_slice %arg2[%dma_start3A_138, %dma_start3A_139] : memref<10000x128xf32, #tpu.memory_space<hbm>> -> memref<10000x128xf32, #tpu.memory_space<hbm>>
      tpu.enqueue_indirect_dma source(%dma_start3A_140 : memref<10000x128xf32, #tpu.memory_space<hbm>>) target(%arg10 : memref<128x128xf32, #tpu.memory_space<vmem>>) offsets(%dma_start3A_137 : memref<128xi32, #tpu.memory_space<vmem>>) semaphore(%arg17 : memref<!tpu.dma_semaphore, #tpu.memory_space<semaphore_mem>>)
      %dma_wait3A_141 = arith.constant 0 : i32
      %dma_wait3A_142 = arith.constant 0 : i32
      %dma_wait3A_143 = tpu.memref_slice %arg7[%dma_wait3A_141, %dma_wait3A_142] : memref<2x128xi32, #tpu.memory_space<vmem>> -> memref<1x128xi32, #tpu.memory_space<vmem>>
      %dma_wait3A_144 = tpu.memref_squeeze %dma_wait3A_143 : memref<1x128xi32, #tpu.memory_space<vmem>> -> memref<128xi32, #tpu.memory_space<vmem>>
      %dma_wait3A_145 = arith.constant 0 : i32
      %dma_wait3A_146 = arith.constant 0 : i32
      %dma_wait3A_147 = tpu.memref_slice %arg2[%dma_wait3A_145, %dma_wait3A_146] : memref<10000x128xf32, #tpu.memory_space<hbm>> -> memref<10000x128xf32, #tpu.memory_space<hbm>>
      tpu.wait_indirect_dma semaphore(%arg18 : memref<!tpu.dma_semaphore, #tpu.memory_space<semaphore_mem>>) src(%dma_wait3A_147 : memref<10000x128xf32, #tpu.memory_space<hbm>>) dst(%arg11 : memref<128x128xf32, #tpu.memory_space<vmem>>)
      %run_scoped3A_148 = arith.constant 1 : i32
      "tpu.region"() ({
        %run_scoped3A_208 = tpu.sem_alloc : memref<!tpu.dma_semaphore, #tpu.memory_space<semaphore_mem>>
        %dma_start3A_209 = arith.constant 0 : i32
        %dma_start3A_210 = tpu.memref_slice %arg7[%run_scoped3A_148, %dma_start3A_209] : memref<2x128xi32, #tpu.memory_space<vmem>> -> memref<1x128xi32, #tpu.memory_space<vmem>>
        %dma_start3A_211 = tpu.memref_squeeze %dma_start3A_210 : memref<1x128xi32, #tpu.memory_space<vmem>> -> memref<128xi32, #tpu.memory_space<vmem>>
        %dma_start3A_212 = arith.constant 0 : i32
        %dma_start3A_213 = arith.constant 0 : i32
        %dma_start3A_214 = tpu.memref_slice %arg12[%dma_start3A_212, %dma_start3A_213] : memref<10000x128xf32, #tpu.memory_space<vmem_shared>> -> memref<10000x128xf32, #tpu.memory_space<vmem_shared>>
        tpu.enqueue_indirect_dma source(%arg11 : memref<128x128xf32, #tpu.memory_space<vmem>>) target(%dma_start3A_214 : memref<10000x128xf32, #tpu.memory_space<vmem_shared>>) offsets(%dma_start3A_211 : memref<128xi32, #tpu.memory_space<vmem>>) semaphore(%run_scoped3A_208 : memref<!tpu.dma_semaphore, #tpu.memory_space<semaphore_mem>>) {add = true}
        %dma_wait3A_215 = arith.constant 0 : i32
        %dma_wait3A_216 = tpu.memref_slice %arg7[%run_scoped3A_148, %dma_wait3A_215] : memref<2x128xi32, #tpu.memory_space<vmem>> -> memref<1x128xi32, #tpu.memory_space<vmem>>
        %dma_wait3A_217 = tpu.memref_squeeze %dma_wait3A_216 : memref<1x128xi32, #tpu.memory_space<vmem>> -> memref<128xi32, #tpu.memory_space<vmem>>
        %dma_wait3A_218 = arith.constant 0 : i32
        %dma_wait3A_219 = arith.constant 0 : i32
        %dma_wait3A_220 = tpu.memref_slice %arg12[%dma_wait3A_218, %dma_wait3A_219] : memref<10000x128xf32, #tpu.memory_space<vmem_shared>> -> memref<10000x128xf32, #tpu.memory_space<vmem_shared>>
        tpu.wait_indirect_dma semaphore(%run_scoped3A_208 : memref<!tpu.dma_semaphore, #tpu.memory_space<semaphore_mem>>) src(%arg11 : memref<128x128xf32, #tpu.memory_space<vmem>>) dst(%dma_wait3A_220 : memref<10000x128xf32, #tpu.memory_space<vmem_shared>>)
        tpu.yield
      }) : () -> ()
      %add3A_149 = arith.constant 5 : i32
      %add3A_150 = arith.addi %mul3A_114, %add3A_149 : i32
      %lt3A_151 = arith.cmpi slt, %add3A_150, %select_n3A : i32
      %convert_element_type3A_152 = arith.extui %lt3A_151 : i1 to i32
      %cond3A_153 = arith.constant 0 : i32
      %cond3A_154 = arith.cmpi ne, %convert_element_type3A_152, %cond3A_153 : i32
      scf.if %cond3A_154 {
        %add3A_208 = arith.addi %add3A_6, %add3A_150 : i32
        %mul3A_209 = arith.constant 128 : i32
        %mul3A_210 = arith.muli %add3A_208, %mul3A_209 : i32
        %dma_start3A_211 = arith.constant 0 : i32
        %dma_start3A_212 = tpu.memref_slice %arg3[%dma_start3A_211, %mul3A_210] : memref<2x320000xi32, #tpu.memory_space<hbm>> -> memref<2x128xi32, #tpu.memory_space<hbm>>
        %dma_start3A_213 = arith.constant 0 : i32
        %dma_start3A_214 = tpu.memref_slice %arg3[%dma_start3A_213, %mul3A_210] : memref<2x320000xi32, #tpu.memory_space<hbm>> -> memref<2x128xi32, #tpu.memory_space<hbm>>
        tpu.enqueue_dma source(%dma_start3A_214 : memref<2x128xi32, #tpu.memory_space<hbm>>) target(%arg7 : memref<2x128xi32, #tpu.memory_space<vmem>>) target_semaphore(%arg14 : memref<!tpu.dma_semaphore, #tpu.memory_space<semaphore_mem>>)
      } else {
      }
      %dma_wait3A_155 = arith.constant 0 : i32
      %dma_wait3A_156 = arith.constant 0 : i32
      %dma_wait3A_157 = tpu.memref_slice %arg3[%dma_wait3A_155, %dma_wait3A_156] : memref<2x320000xi32, #tpu.memory_space<hbm>> -> memref<2x128xi32, #tpu.memory_space<hbm>>
      %dma_wait3A_158 = arith.constant 0 : i32
      %dma_wait3A_159 = arith.constant 0 : i32
      %dma_wait3A_160 = tpu.memref_slice %arg3[%dma_wait3A_158, %dma_wait3A_159] : memref<2x320000xi32, #tpu.memory_space<hbm>> -> memref<2x128xi32, #tpu.memory_space<hbm>>
      tpu.wait_dma2 semaphore(%arg16 : memref<!tpu.dma_semaphore, #tpu.memory_space<semaphore_mem>>) src(%dma_wait3A_160 : memref<2x128xi32, #tpu.memory_space<hbm>>) dst(%arg9 : memref<2x128xi32, #tpu.memory_space<vmem>>)
      %dma_start3A_161 = arith.constant 0 : i32
      %dma_start3A_162 = arith.constant 0 : i32
      %dma_start3A_163 = tpu.memref_slice %arg9[%dma_start3A_161, %dma_start3A_162] : memref<2x128xi32, #tpu.memory_space<vmem>> -> memref<1x128xi32, #tpu.memory_space<vmem>>
      %dma_start3A_164 = tpu.memref_squeeze %dma_start3A_163 : memref<1x128xi32, #tpu.memory_space<vmem>> -> memref<128xi32, #tpu.memory_space<vmem>>
      %dma_start3A_165 = arith.constant 0 : i32
      %dma_start3A_166 = arith.constant 0 : i32
      %dma_start3A_167 = tpu.memref_slice %arg2[%dma_start3A_165, %dma_start3A_166] : memref<10000x128xf32, #tpu.memory_space<hbm>> -> memref<10000x128xf32, #tpu.memory_space<hbm>>
      tpu.enqueue_indirect_dma source(%dma_start3A_167 : memref<10000x128xf32, #tpu.memory_space<hbm>>) target(%arg11 : memref<128x128xf32, #tpu.memory_space<vmem>>) offsets(%dma_start3A_164 : memref<128xi32, #tpu.memory_space<vmem>>) semaphore(%arg18 : memref<!tpu.dma_semaphore, #tpu.memory_space<semaphore_mem>>)
      %dma_wait3A_168 = arith.constant 0 : i32
      %dma_wait3A_169 = arith.constant 0 : i32
      %dma_wait3A_170 = tpu.memref_slice %arg8[%dma_wait3A_168, %dma_wait3A_169] : memref<2x128xi32, #tpu.memory_space<vmem>> -> memref<1x128xi32, #tpu.memory_space<vmem>>
      %dma_wait3A_171 = tpu.memref_squeeze %dma_wait3A_170 : memref<1x128xi32, #tpu.memory_space<vmem>> -> memref<128xi32, #tpu.memory_space<vmem>>
      %dma_wait3A_172 = arith.constant 0 : i32
      %dma_wait3A_173 = arith.constant 0 : i32
      %dma_wait3A_174 = tpu.memref_slice %arg2[%dma_wait3A_172, %dma_wait3A_173] : memref<10000x128xf32, #tpu.memory_space<hbm>> -> memref<10000x128xf32, #tpu.memory_space<hbm>>
      tpu.wait_indirect_dma semaphore(%arg17 : memref<!tpu.dma_semaphore, #tpu.memory_space<semaphore_mem>>) src(%dma_wait3A_174 : memref<10000x128xf32, #tpu.memory_space<hbm>>) dst(%arg10 : memref<128x128xf32, #tpu.memory_space<vmem>>)
      %run_scoped3A_175 = arith.constant 1 : i32
      "tpu.region"() ({
        %run_scoped3A_208 = tpu.sem_alloc : memref<!tpu.dma_semaphore, #tpu.memory_space<semaphore_mem>>
        %dma_start3A_209 = arith.constant 0 : i32
        %dma_start3A_210 = tpu.memref_slice %arg8[%run_scoped3A_175, %dma_start3A_209] : memref<2x128xi32, #tpu.memory_space<vmem>> -> memref<1x128xi32, #tpu.memory_space<vmem>>
        %dma_start3A_211 = tpu.memref_squeeze %dma_start3A_210 : memref<1x128xi32, #tpu.memory_space<vmem>> -> memref<128xi32, #tpu.memory_space<vmem>>
        %dma_start3A_212 = arith.constant 0 : i32
        %dma_start3A_213 = arith.constant 0 : i32
        %dma_start3A_214 = tpu.memref_slice %arg12[%dma_start3A_212, %dma_start3A_213] : memref<10000x128xf32, #tpu.memory_space<vmem_shared>> -> memref<10000x128xf32, #tpu.memory_space<vmem_shared>>
        tpu.enqueue_indirect_dma source(%arg10 : memref<128x128xf32, #tpu.memory_space<vmem>>) target(%dma_start3A_214 : memref<10000x128xf32, #tpu.memory_space<vmem_shared>>) offsets(%dma_start3A_211 : memref<128xi32, #tpu.memory_space<vmem>>) semaphore(%run_scoped3A_208 : memref<!tpu.dma_semaphore, #tpu.memory_space<semaphore_mem>>) {add = true}
        %dma_wait3A_215 = arith.constant 0 : i32
        %dma_wait3A_216 = tpu.memref_slice %arg8[%run_scoped3A_175, %dma_wait3A_215] : memref<2x128xi32, #tpu.memory_space<vmem>> -> memref<1x128xi32, #tpu.memory_space<vmem>>
        %dma_wait3A_217 = tpu.memref_squeeze %dma_wait3A_216 : memref<1x128xi32, #tpu.memory_space<vmem>> -> memref<128xi32, #tpu.memory_space<vmem>>
        %dma_wait3A_218 = arith.constant 0 : i32
        %dma_wait3A_219 = arith.constant 0 : i32
        %dma_wait3A_220 = tpu.memref_slice %arg12[%dma_wait3A_218, %dma_wait3A_219] : memref<10000x128xf32, #tpu.memory_space<vmem_shared>> -> memref<10000x128xf32, #tpu.memory_space<vmem_shared>>
        tpu.wait_indirect_dma semaphore(%run_scoped3A_208 : memref<!tpu.dma_semaphore, #tpu.memory_space<semaphore_mem>>) src(%arg10 : memref<128x128xf32, #tpu.memory_space<vmem>>) dst(%dma_wait3A_220 : memref<10000x128xf32, #tpu.memory_space<vmem_shared>>)
        tpu.yield
      }) : () -> ()
      %add3A_176 = arith.constant 6 : i32
      %add3A_177 = arith.addi %mul3A_114, %add3A_176 : i32
      %lt3A_178 = arith.cmpi slt, %add3A_177, %select_n3A : i32
      %convert_element_type3A_179 = arith.extui %lt3A_178 : i1 to i32
      %cond3A_180 = arith.constant 0 : i32
      %cond3A_181 = arith.cmpi ne, %convert_element_type3A_179, %cond3A_180 : i32
      scf.if %cond3A_181 {
        %add3A_208 = arith.addi %add3A_6, %add3A_177 : i32
        %mul3A_209 = arith.constant 128 : i32
        %mul3A_210 = arith.muli %add3A_208, %mul3A_209 : i32
        %dma_start3A_211 = arith.constant 0 : i32
        %dma_start3A_212 = tpu.memref_slice %arg3[%dma_start3A_211, %mul3A_210] : memref<2x320000xi32, #tpu.memory_space<hbm>> -> memref<2x128xi32, #tpu.memory_space<hbm>>
        %dma_start3A_213 = arith.constant 0 : i32
        %dma_start3A_214 = tpu.memref_slice %arg3[%dma_start3A_213, %mul3A_210] : memref<2x320000xi32, #tpu.memory_space<hbm>> -> memref<2x128xi32, #tpu.memory_space<hbm>>
        tpu.enqueue_dma source(%dma_start3A_214 : memref<2x128xi32, #tpu.memory_space<hbm>>) target(%arg8 : memref<2x128xi32, #tpu.memory_space<vmem>>) target_semaphore(%arg15 : memref<!tpu.dma_semaphore, #tpu.memory_space<semaphore_mem>>)
      } else {
      }
      %add3A_182 = arith.constant 4 : i32
      %add3A_183 = arith.addi %mul3A_114, %add3A_182 : i32
      %lt3A_184 = arith.cmpi slt, %add3A_183, %select_n3A : i32
      %convert_element_type3A_185 = arith.extui %lt3A_184 : i1 to i32
      %cond3A_186 = arith.constant 0 : i32
      %cond3A_187 = arith.cmpi ne, %convert_element_type3A_185, %cond3A_186 : i32
      scf.if %cond3A_187 {
        %dma_wait3A_208 = arith.constant 0 : i32
        %dma_wait3A_209 = arith.constant 0 : i32
        %dma_wait3A_210 = tpu.memref_slice %arg3[%dma_wait3A_208, %dma_wait3A_209] : memref<2x320000xi32, #tpu.memory_space<hbm>> -> memref<2x128xi32, #tpu.memory_space<hbm>>
        %dma_wait3A_211 = arith.constant 0 : i32
        %dma_wait3A_212 = arith.constant 0 : i32
        %dma_wait3A_213 = tpu.memref_slice %arg3[%dma_wait3A_211, %dma_wait3A_212] : memref<2x320000xi32, #tpu.memory_space<hbm>> -> memref<2x128xi32, #tpu.memory_space<hbm>>
        tpu.wait_dma2 semaphore(%arg13 : memref<!tpu.dma_semaphore, #tpu.memory_space<semaphore_mem>>) src(%dma_wait3A_213 : memref<2x128xi32, #tpu.memory_space<hbm>>) dst(%arg6 : memref<2x128xi32, #tpu.memory_space<vmem>>)
        %dma_start3A_214 = arith.constant 0 : i32
        %dma_start3A_215 = arith.constant 0 : i32
        %dma_start3A_216 = tpu.memref_slice %arg6[%dma_start3A_214, %dma_start3A_215] : memref<2x128xi32, #tpu.memory_space<vmem>> -> memref<1x128xi32, #tpu.memory_space<vmem>>
        %dma_start3A_217 = tpu.memref_squeeze %dma_start3A_216 : memref<1x128xi32, #tpu.memory_space<vmem>> -> memref<128xi32, #tpu.memory_space<vmem>>
        %dma_start3A_218 = arith.constant 0 : i32
        %dma_start3A_219 = arith.constant 0 : i32
        %dma_start3A_220 = tpu.memref_slice %arg2[%dma_start3A_218, %dma_start3A_219] : memref<10000x128xf32, #tpu.memory_space<hbm>> -> memref<10000x128xf32, #tpu.memory_space<hbm>>
        tpu.enqueue_indirect_dma source(%dma_start3A_220 : memref<10000x128xf32, #tpu.memory_space<hbm>>) target(%arg10 : memref<128x128xf32, #tpu.memory_space<vmem>>) offsets(%dma_start3A_217 : memref<128xi32, #tpu.memory_space<vmem>>) semaphore(%arg17 : memref<!tpu.dma_semaphore, #tpu.memory_space<semaphore_mem>>)
      } else {
      }
      %dma_wait3A_188 = arith.constant 0 : i32
      %dma_wait3A_189 = arith.constant 0 : i32
      %dma_wait3A_190 = tpu.memref_slice %arg9[%dma_wait3A_188, %dma_wait3A_189] : memref<2x128xi32, #tpu.memory_space<vmem>> -> memref<1x128xi32, #tpu.memory_space<vmem>>
      %dma_wait3A_191 = tpu.memref_squeeze %dma_wait3A_190 : memref<1x128xi32, #tpu.memory_space<vmem>> -> memref<128xi32, #tpu.memory_space<vmem>>
      %dma_wait3A_192 = arith.constant 0 : i32
      %dma_wait3A_193 = arith.constant 0 : i32
      %dma_wait3A_194 = tpu.memref_slice %arg2[%dma_wait3A_192, %dma_wait3A_193] : memref<10000x128xf32, #tpu.memory_space<hbm>> -> memref<10000x128xf32, #tpu.memory_space<hbm>>
      tpu.wait_indirect_dma semaphore(%arg18 : memref<!tpu.dma_semaphore, #tpu.memory_space<semaphore_mem>>) src(%dma_wait3A_194 : memref<10000x128xf32, #tpu.memory_space<hbm>>) dst(%arg11 : memref<128x128xf32, #tpu.memory_space<vmem>>)
      %run_scoped3A_195 = arith.constant 1 : i32
      "tpu.region"() ({
        %run_scoped3A_208 = tpu.sem_alloc : memref<!tpu.dma_semaphore, #tpu.memory_space<semaphore_mem>>
        %dma_start3A_209 = arith.constant 0 : i32
        %dma_start3A_210 = tpu.memref_slice %arg9[%run_scoped3A_195, %dma_start3A_209] : memref<2x128xi32, #tpu.memory_space<vmem>> -> memref<1x128xi32, #tpu.memory_space<vmem>>
        %dma_start3A_211 = tpu.memref_squeeze %dma_start3A_210 : memref<1x128xi32, #tpu.memory_space<vmem>> -> memref<128xi32, #tpu.memory_space<vmem>>
        %dma_start3A_212 = arith.constant 0 : i32
        %dma_start3A_213 = arith.constant 0 : i32
        %dma_start3A_214 = tpu.memref_slice %arg12[%dma_start3A_212, %dma_start3A_213] : memref<10000x128xf32, #tpu.memory_space<vmem_shared>> -> memref<10000x128xf32, #tpu.memory_space<vmem_shared>>
        tpu.enqueue_indirect_dma source(%arg11 : memref<128x128xf32, #tpu.memory_space<vmem>>) target(%dma_start3A_214 : memref<10000x128xf32, #tpu.memory_space<vmem_shared>>) offsets(%dma_start3A_211 : memref<128xi32, #tpu.memory_space<vmem>>) semaphore(%run_scoped3A_208 : memref<!tpu.dma_semaphore, #tpu.memory_space<semaphore_mem>>) {add = true}
        %dma_wait3A_215 = arith.constant 0 : i32
        %dma_wait3A_216 = tpu.memref_slice %arg9[%run_scoped3A_195, %dma_wait3A_215] : memref<2x128xi32, #tpu.memory_space<vmem>> -> memref<1x128xi32, #tpu.memory_space<vmem>>
        %dma_wait3A_217 = tpu.memref_squeeze %dma_wait3A_216 : memref<1x128xi32, #tpu.memory_space<vmem>> -> memref<128xi32, #tpu.memory_space<vmem>>
        %dma_wait3A_218 = arith.constant 0 : i32
        %dma_wait3A_219 = arith.constant 0 : i32
        %dma_wait3A_220 = tpu.memref_slice %arg12[%dma_wait3A_218, %dma_wait3A_219] : memref<10000x128xf32, #tpu.memory_space<vmem_shared>> -> memref<10000x128xf32, #tpu.memory_space<vmem_shared>>
        tpu.wait_indirect_dma semaphore(%run_scoped3A_208 : memref<!tpu.dma_semaphore, #tpu.memory_space<semaphore_mem>>) src(%arg11 : memref<128x128xf32, #tpu.memory_space<vmem>>) dst(%dma_wait3A_220 : memref<10000x128xf32, #tpu.memory_space<vmem_shared>>)
        tpu.yield
      }) : () -> ()
      %add3A_196 = arith.constant 7 : i32
      %add3A_197 = arith.addi %mul3A_114, %add3A_196 : i32
      %lt3A_198 = arith.cmpi slt, %add3A_197, %select_n3A : i32
      %convert_element_type3A_199 = arith.extui %lt3A_198 : i1 to i32
      %cond3A_200 = arith.constant 0 : i32
      %cond3A_201 = arith.cmpi ne, %convert_element_type3A_199, %cond3A_200 : i32
      scf.if %cond3A_201 {
        %add3A_208 = arith.addi %add3A_6, %add3A_197 : i32
        %mul3A_209 = arith.constant 128 : i32
        %mul3A_210 = arith.muli %add3A_208, %mul3A_209 : i32
        %dma_start3A_211 = arith.constant 0 : i32
        %dma_start3A_212 = tpu.memref_slice %arg3[%dma_start3A_211, %mul3A_210] : memref<2x320000xi32, #tpu.memory_space<hbm>> -> memref<2x128xi32, #tpu.memory_space<hbm>>
        %dma_start3A_213 = arith.constant 0 : i32
        %dma_start3A_214 = tpu.memref_slice %arg3[%dma_start3A_213, %mul3A_210] : memref<2x320000xi32, #tpu.memory_space<hbm>> -> memref<2x128xi32, #tpu.memory_space<hbm>>
        tpu.enqueue_dma source(%dma_start3A_214 : memref<2x128xi32, #tpu.memory_space<hbm>>) target(%arg9 : memref<2x128xi32, #tpu.memory_space<vmem>>) target_semaphore(%arg16 : memref<!tpu.dma_semaphore, #tpu.memory_space<semaphore_mem>>)
      } else {
      }
      %add3A_202 = arith.constant 5 : i32
      %add3A_203 = arith.addi %mul3A_114, %add3A_202 : i32
      %lt3A_204 = arith.cmpi slt, %add3A_203, %select_n3A : i32
      %convert_element_type3A_205 = arith.extui %lt3A_204 : i1 to i32
      %cond3A_206 = arith.constant 0 : i32
      %cond3A_207 = arith.cmpi ne, %convert_element_type3A_205, %cond3A_206 : i32
      scf.if %cond3A_207 {
        %dma_wait3A_208 = arith.constant 0 : i32
        %dma_wait3A_209 = arith.constant 0 : i32
        %dma_wait3A_210 = tpu.memref_slice %arg3[%dma_wait3A_208, %dma_wait3A_209] : memref<2x320000xi32, #tpu.memory_space<hbm>> -> memref<2x128xi32, #tpu.memory_space<hbm>>
        %dma_wait3A_211 = arith.constant 0 : i32
        %dma_wait3A_212 = arith.constant 0 : i32
        %dma_wait3A_213 = tpu.memref_slice %arg3[%dma_wait3A_211, %dma_wait3A_212] : memref<2x320000xi32, #tpu.memory_space<hbm>> -> memref<2x128xi32, #tpu.memory_space<hbm>>
        tpu.wait_dma2 semaphore(%arg14 : memref<!tpu.dma_semaphore, #tpu.memory_space<semaphore_mem>>) src(%dma_wait3A_213 : memref<2x128xi32, #tpu.memory_space<hbm>>) dst(%arg7 : memref<2x128xi32, #tpu.memory_space<vmem>>)
        %dma_start3A_214 = arith.constant 0 : i32
        %dma_start3A_215 = arith.constant 0 : i32
        %dma_start3A_216 = tpu.memref_slice %arg7[%dma_start3A_214, %dma_start3A_215] : memref<2x128xi32, #tpu.memory_space<vmem>> -> memref<1x128xi32, #tpu.memory_space<vmem>>
        %dma_start3A_217 = tpu.memref_squeeze %dma_start3A_216 : memref<1x128xi32, #tpu.memory_space<vmem>> -> memref<128xi32, #tpu.memory_space<vmem>>
        %dma_start3A_218 = arith.constant 0 : i32
        %dma_start3A_219 = arith.constant 0 : i32
        %dma_start3A_220 = tpu.memref_slice %arg2[%dma_start3A_218, %dma_start3A_219] : memref<10000x128xf32, #tpu.memory_space<hbm>> -> memref<10000x128xf32, #tpu.memory_space<hbm>>
        tpu.enqueue_indirect_dma source(%dma_start3A_220 : memref<10000x128xf32, #tpu.memory_space<hbm>>) target(%arg11 : memref<128x128xf32, #tpu.memory_space<vmem>>) offsets(%dma_start3A_217 : memref<128xi32, #tpu.memory_space<vmem>>) semaphore(%arg18 : memref<!tpu.dma_semaphore, #tpu.memory_space<semaphore_mem>>)
      } else {
      }
    }
    %barrier3A_104 = arith.constant 0 : index
    tpu.barrier barrier_id(%barrier3A_104)
    %lt3A_105 = arith.constant 10 : i32
    %lt3A_106 = arith.cmpi slt, %arg1, %lt3A_105 : i32
    %convert_element_type3A_107 = arith.extui %lt3A_106 : i1 to i32
    %cond3A_108 = arith.constant 0 : i32
    %cond3A_109 = arith.cmpi ne, %convert_element_type3A_107, %cond3A_108 : i32
    scf.if %cond3A_109 {
      %mul3A_110 = arith.constant 1000 : i32
      %mul3A_111 = arith.muli %arg1, %mul3A_110 : i32
      %mul3A_112 = arith.constant 1000 : i32
      %mul3A_113 = arith.muli %arg1, %mul3A_112 : i32
      "tpu.region"() ({
        %run_scoped3A = tpu.sem_alloc : memref<!tpu.dma_semaphore, #tpu.memory_space<semaphore_mem>>
        %dma_start3A_114 = arith.constant 0 : i32
        %dma_start3A_115 = arith.constant 0 : i32
        %dma_start3A_116 = tpu.memref_slice %arg5[%arg0, %dma_start3A_114, %dma_start3A_115] : memref<2x10000x128xf32, #tpu.memory_space<hbm>> -> memref<1x10000x128xf32, #tpu.memory_space<hbm>>
        %dma_start3A_117 = tpu.memref_squeeze %dma_start3A_116 : memref<1x10000x128xf32, #tpu.memory_space<hbm>> -> memref<10000x128xf32, #tpu.memory_space<hbm>>
        %dma_start3A_118 = arith.constant 0 : i32
        %dma_start3A_119 = tpu.memref_slice %dma_start3A_117[%mul3A_113, %dma_start3A_118] : memref<10000x128xf32, #tpu.memory_space<hbm>> -> memref<1000x128xf32, #tpu.memory_space<hbm>>
        %dma_start3A_120 = arith.constant 0 : i32
        %dma_start3A_121 = tpu.memref_slice %arg12[%mul3A_111, %dma_start3A_120] : memref<10000x128xf32, #tpu.memory_space<vmem_shared>> -> memref<1000x128xf32, #tpu.memory_space<vmem_shared>>
        tpu.enqueue_dma source(%dma_start3A_121 : memref<1000x128xf32, #tpu.memory_space<vmem_shared>>) target(%dma_start3A_119 : memref<1000x128xf32, #tpu.memory_space<hbm>>) target_semaphore(%run_scoped3A : memref<!tpu.dma_semaphore, #tpu.memory_space<semaphore_mem>>)
        %dma_wait3A_122 = arith.constant 0 : i32
        %dma_wait3A_123 = arith.constant 0 : i32
        %dma_wait3A_124 = tpu.memref_slice %arg5[%arg0, %dma_wait3A_122, %dma_wait3A_123] : memref<2x10000x128xf32, #tpu.memory_space<hbm>> -> memref<1x10000x128xf32, #tpu.memory_space<hbm>>
        %dma_wait3A_125 = tpu.memref_squeeze %dma_wait3A_124 : memref<1x10000x128xf32, #tpu.memory_space<hbm>> -> memref<10000x128xf32, #tpu.memory_space<hbm>>
        %dma_wait3A_126 = arith.constant 0 : i32
        %dma_wait3A_127 = tpu.memref_slice %dma_wait3A_125[%mul3A_113, %dma_wait3A_126] : memref<10000x128xf32, #tpu.memory_space<hbm>> -> memref<1000x128xf32, #tpu.memory_space<hbm>>
        %dma_wait3A_128 = arith.constant 0 : i32
        %dma_wait3A_129 = tpu.memref_slice %arg12[%mul3A_111, %dma_wait3A_128] : memref<10000x128xf32, #tpu.memory_space<vmem_shared>> -> memref<1000x128xf32, #tpu.memory_space<vmem_shared>>
        tpu.wait_dma2 semaphore(%run_scoped3A : memref<!tpu.dma_semaphore, #tpu.memory_space<semaphore_mem>>) src(%dma_wait3A_129 : memref<1000x128xf32, #tpu.memory_space<vmem_shared>>) dst(%dma_wait3A_127 : memref<1000x128xf32, #tpu.memory_space<hbm>>)
        tpu.yield
      }) : () -> ()
    } else {
    }
    return
  }
}

module attributes {stable_mosaic.version = 14 : i64} {
  func.func @_tc_proj_body(%arg0: memref<10000x128xf32, #tpu.memory_space<vmem>>, %arg1: memref<10000x1xi32, #tpu.memory_space<vmem>>, %arg2: memref<128x128xf32, #tpu.memory_space<vmem>>, %arg3: memref<1x128xf32, #tpu.memory_space<vmem>>, %arg4: memref<128x128xf32, #tpu.memory_space<vmem>>, %arg5: memref<1x128xf32, #tpu.memory_space<vmem>>, %arg6: memref<10000x128xf32, #tpu.memory_space<vmem>>) attributes {dimension_semantics = [], scalar_prefetch = 0 : i64, scratch_operands = 0 : i64, tpu.core_type = #tpu.core_type<tc>} {
    %get3A = arith.constant 0 : index
    %get3A_0 = arith.constant 0 : index
    %get3A_1 = vector.load %arg0[%get3A, %get3A_0] : memref<10000x128xf32, #tpu.memory_space<vmem>>, vector<10000x128xf32>
    %get3A_2 = arith.constant 0 : index
    %get3A_3 = arith.constant 0 : index
    %get3A_4 = vector.load %arg2[%get3A_2, %get3A_3] : memref<128x128xf32, #tpu.memory_space<vmem>>, vector<128x128xf32>
    %dot_general3A = arith.constant dense<0.000000e+00> : vector<10000x128xf32>
    %dot_general3A_5 = tpu.matmul %get3A_1, %get3A_4, %dot_general3A {dimension_numbers = #tpu.dot_dimension_numbers<[1], [0], [0], [1], [0, 0, 1, 1], [], []>, transpose_lhs_hint = false} : vector<10000x128xf32>, vector<128x128xf32>, vector<10000x128xf32> -> vector<10000x128xf32>
    %get3A_6 = arith.constant 0 : index
    %get3A_7 = arith.constant 0 : index
    %get3A_8 = vector.load %arg3[%get3A_6, %get3A_7] : memref<1x128xf32, #tpu.memory_space<vmem>>, vector<1x128xf32>
    %add3A = vector.broadcast %get3A_8 : vector<1x128xf32> to vector<10000x128xf32>
    %add3A_9 = arith.addf %dot_general3A_5, %add3A : vector<10000x128xf32>
    %get3A_10 = arith.constant 0 : index
    %get3A_11 = arith.constant 0 : index
    %get3A_12 = vector.load %arg4[%get3A_10, %get3A_11] : memref<128x128xf32, #tpu.memory_space<vmem>>, vector<128x128xf32>
    %dot_general3A_13 = arith.constant dense<0.000000e+00> : vector<10000x128xf32>
    %dot_general3A_14 = tpu.matmul %get3A_1, %get3A_12, %dot_general3A_13 {dimension_numbers = #tpu.dot_dimension_numbers<[1], [0], [0], [1], [0, 0, 1, 1], [], []>, transpose_lhs_hint = false} : vector<10000x128xf32>, vector<128x128xf32>, vector<10000x128xf32> -> vector<10000x128xf32>
    %get3A_15 = arith.constant 0 : index
    %get3A_16 = arith.constant 0 : index
    %get3A_17 = vector.load %arg5[%get3A_15, %get3A_16] : memref<1x128xf32, #tpu.memory_space<vmem>>, vector<1x128xf32>
    %add3A_18 = vector.broadcast %get3A_17 : vector<1x128xf32> to vector<10000x128xf32>
    %add3A_19 = arith.addf %dot_general3A_14, %add3A_18 : vector<10000x128xf32>
    %get3A_20 = arith.constant 0 : index
    %get3A_21 = arith.constant 0 : index
    %get3A_22 = vector.load %arg1[%get3A_20, %get3A_21] : memref<10000x1xi32, #tpu.memory_space<vmem>>, vector<10000x1xi32>
    %eq3A = arith.constant 0 : i32
    %eq3A_23 = vector.broadcast %eq3A : i32 to vector<10000x1xi32>
    %eq3A_24 = arith.cmpi eq, %get3A_22, %eq3A_23 : vector<10000x1xi32>
    %broadcast_in_dim3A = vector.shape_cast %eq3A_24 : vector<10000x1xi1> to vector<10000x1xi1>
    %broadcast_in_dim3A_25 = vector.broadcast %broadcast_in_dim3A : vector<10000x1xi1> to vector<10000x128xi1>
    %select_n3A = arith.select %broadcast_in_dim3A_25, %add3A_9, %add3A_19 : vector<10000x128xi1>, vector<10000x128xf32>
    %swap3A = arith.constant 0 : index
    %swap3A_26 = arith.constant 0 : index
    %swap3A_27 = vector.load %arg6[%swap3A, %swap3A_26] : memref<10000x128xf32, #tpu.memory_space<vmem>>, vector<10000x128xf32>
    tpu.vector_store %arg6[%swap3A, %swap3A_26], %select_n3A {strides = array<i32>} : memref<10000x128xf32, #tpu.memory_space<vmem>>, vector<10000x128xf32>,
    return
  }
}

module attributes {stable_mosaic.version = 14 : i64} {
  func.func @_tc_scale_body(%arg0: memref<10000x128xf32, #tpu.memory_space<vmem>>, %arg1: memref<10000x2xf32, #tpu.memory_space<vmem>>, %arg2: memref<10000x128xf32, #tpu.memory_space<vmem>>, %arg3: memref<10000x1xf32, #tpu.memory_space<vmem>>) attributes {dimension_semantics = [], scalar_prefetch = 0 : i64, scratch_operands = 0 : i64, tpu.core_type = #tpu.core_type<tc>} {
    %get3A = arith.constant 0 : index
    %get3A_0 = arith.constant 0 : index
    %get3A_1 = vector.load %arg1[%get3A, %get3A_0] : memref<10000x2xf32, #tpu.memory_space<vmem>>, vector<10000x1xf32>
    %get3A_2 = arith.constant 0 : index
    %get3A_3 = arith.constant 1 : index
    %get3A_4 = vector.load %arg1[%get3A_2, %get3A_3] : memref<10000x2xf32, #tpu.memory_space<vmem>>, vector<10000x1xf32>
    %add3A = arith.addf %get3A_1, %get3A_4 : vector<10000x1xf32>
    %max3A = arith.constant 1.000000e+00 : f32
    %max3A_5 = vector.broadcast %max3A : f32 to vector<10000x1xf32>
    %max3A_6 = arith.maximumf %add3A, %max3A_5 : vector<10000x1xf32>
    %rsqrt3A = math.rsqrt %max3A_6 : vector<10000x1xf32>
    %get3A_7 = arith.constant 0 : index
    %get3A_8 = arith.constant 0 : index
    %get3A_9 = vector.load %arg0[%get3A_7, %get3A_8] : memref<10000x128xf32, #tpu.memory_space<vmem>>, vector<10000x128xf32>
    %mul3A = vector.broadcast %rsqrt3A : vector<10000x1xf32> to vector<10000x128xf32>
    %mul3A_10 = arith.mulf %get3A_9, %mul3A : vector<10000x128xf32>
    %swap3A = arith.constant 0 : index
    %swap3A_11 = arith.constant 0 : index
    %swap3A_12 = vector.load %arg2[%swap3A, %swap3A_11] : memref<10000x128xf32, #tpu.memory_space<vmem>>, vector<10000x128xf32>
    tpu.vector_store %arg2[%swap3A, %swap3A_11], %mul3A_10 {strides = array<i32>} : memref<10000x128xf32, #tpu.memory_space<vmem>>, vector<10000x128xf32>,
    %swap3A_13 = arith.constant 0 : index
    %swap3A_14 = arith.constant 0 : index
    %swap3A_15 = vector.load %arg3[%swap3A_13, %swap3A_14] : memref<10000x1xf32, #tpu.memory_space<vmem>>, vector<10000x1xf32>
    tpu.vector_store %arg3[%swap3A_13, %swap3A_14], %rsqrt3A {strides = array<i32>} : memref<10000x1xf32, #tpu.memory_space<vmem>>, vector<10000x1xf32>,
    return
  }
}

module attributes {stable_mosaic.version = 14 : i64} {
  func.func @_tc_layer_body(%arg0: memref<2x10000x128xf32, #tpu.memory_space<vmem>>, %arg1: memref<10000x1xf32, #tpu.memory_space<vmem>>, %arg2: memref<128x128xf32, #tpu.memory_space<vmem>>, %arg3: memref<1x128xf32, #tpu.memory_space<vmem>>, %arg4: memref<10000x128xf32, #tpu.memory_space<vmem>>) attributes {dimension_semantics = [], scalar_prefetch = 0 : i64, scratch_operands = 0 : i64, tpu.core_type = #tpu.core_type<tc>} {
    %get3A = arith.constant 0 : index
    %get3A_0 = arith.constant 0 : index
    %get3A_1 = vector.load %arg1[%get3A, %get3A_0] : memref<10000x1xf32, #tpu.memory_space<vmem>>, vector<10000x1xf32>
    %get3A_2 = arith.constant 0 : index
    %get3A_3 = arith.constant 0 : index
    %get3A_4 = arith.constant 0 : index
    %get3A_5 = vector.load %arg0[%get3A_2, %get3A_3, %get3A_4] : memref<2x10000x128xf32, #tpu.memory_space<vmem>>, vector<1x10000x128xf32>
    %get3A_6 = vector.shape_cast %get3A_5 : vector<1x10000x128xf32> to vector<10000x128xf32>
    %get3A_7 = arith.constant 1 : index
    %get3A_8 = arith.constant 0 : index
    %get3A_9 = arith.constant 0 : index
    %get3A_10 = vector.load %arg0[%get3A_7, %get3A_8, %get3A_9] : memref<2x10000x128xf32, #tpu.memory_space<vmem>>, vector<1x10000x128xf32>
    %get3A_11 = vector.shape_cast %get3A_10 : vector<1x10000x128xf32> to vector<10000x128xf32>
    %add3A = arith.addf %get3A_6, %get3A_11 : vector<10000x128xf32>
    %mul3A = vector.broadcast %get3A_1 : vector<10000x1xf32> to vector<10000x128xf32>
    %mul3A_12 = arith.mulf %add3A, %mul3A : vector<10000x128xf32>
    %get3A_13 = arith.constant 0 : index
    %get3A_14 = arith.constant 0 : index
    %get3A_15 = vector.load %arg2[%get3A_13, %get3A_14] : memref<128x128xf32, #tpu.memory_space<vmem>>, vector<128x128xf32>
    %dot_general3A = arith.constant dense<0.000000e+00> : vector<10000x128xf32>
    %dot_general3A_16 = tpu.matmul %mul3A_12, %get3A_15, %dot_general3A {dimension_numbers = #tpu.dot_dimension_numbers<[1], [0], [0], [1], [0, 0, 1, 1], [], []>, transpose_lhs_hint = false} : vector<10000x128xf32>, vector<128x128xf32>, vector<10000x128xf32> -> vector<10000x128xf32>
    %get3A_17 = arith.constant 0 : index
    %get3A_18 = arith.constant 0 : index
    %get3A_19 = vector.load %arg3[%get3A_17, %get3A_18] : memref<1x128xf32, #tpu.memory_space<vmem>>, vector<1x128xf32>
    %add3A_20 = vector.broadcast %get3A_19 : vector<1x128xf32> to vector<10000x128xf32>
    %add3A_21 = arith.addf %dot_general3A_16, %add3A_20 : vector<10000x128xf32>
    %max3A = arith.constant 0.000000e+00 : f32
    %max3A_22 = vector.broadcast %max3A : f32 to vector<10000x128xf32>
    %max3A_23 = arith.maximumf %add3A_21, %max3A_22 : vector<10000x128xf32>
    %mul3A_24 = vector.broadcast %get3A_1 : vector<10000x1xf32> to vector<10000x128xf32>
    %mul3A_25 = arith.mulf %max3A_23, %mul3A_24 : vector<10000x128xf32>
    %swap3A = arith.constant 0 : index
    %swap3A_26 = arith.constant 0 : index
    %swap3A_27 = vector.load %arg4[%swap3A, %swap3A_26] : memref<10000x128xf32, #tpu.memory_space<vmem>>, vector<10000x128xf32>
    tpu.vector_store %arg4[%swap3A, %swap3A_26], %mul3A_25 {strides = array<i32>} : memref<10000x128xf32, #tpu.memory_space<vmem>>, vector<10000x128xf32>,
    return
  }
}

module attributes {stable_mosaic.version = 14 : i64} {
  func.func @_tc_layer_body(%arg0: memref<2x10000x128xf32, #tpu.memory_space<vmem>>, %arg1: memref<10000x1xf32, #tpu.memory_space<vmem>>, %arg2: memref<128x128xf32, #tpu.memory_space<vmem>>, %arg3: memref<1x128xf32, #tpu.memory_space<vmem>>, %arg4: memref<10000x128xf32, #tpu.memory_space<vmem>>) attributes {dimension_semantics = [], scalar_prefetch = 0 : i64, scratch_operands = 0 : i64, tpu.core_type = #tpu.core_type<tc>} {
    %get3A = arith.constant 0 : index
    %get3A_0 = arith.constant 0 : index
    %get3A_1 = vector.load %arg1[%get3A, %get3A_0] : memref<10000x1xf32, #tpu.memory_space<vmem>>, vector<10000x1xf32>
    %get3A_2 = arith.constant 0 : index
    %get3A_3 = arith.constant 0 : index
    %get3A_4 = arith.constant 0 : index
    %get3A_5 = vector.load %arg0[%get3A_2, %get3A_3, %get3A_4] : memref<2x10000x128xf32, #tpu.memory_space<vmem>>, vector<1x10000x128xf32>
    %get3A_6 = vector.shape_cast %get3A_5 : vector<1x10000x128xf32> to vector<10000x128xf32>
    %get3A_7 = arith.constant 1 : index
    %get3A_8 = arith.constant 0 : index
    %get3A_9 = arith.constant 0 : index
    %get3A_10 = vector.load %arg0[%get3A_7, %get3A_8, %get3A_9] : memref<2x10000x128xf32, #tpu.memory_space<vmem>>, vector<1x10000x128xf32>
    %get3A_11 = vector.shape_cast %get3A_10 : vector<1x10000x128xf32> to vector<10000x128xf32>
    %add3A = arith.addf %get3A_6, %get3A_11 : vector<10000x128xf32>
    %mul3A = vector.broadcast %get3A_1 : vector<10000x1xf32> to vector<10000x128xf32>
    %mul3A_12 = arith.mulf %add3A, %mul3A : vector<10000x128xf32>
    %get3A_13 = arith.constant 0 : index
    %get3A_14 = arith.constant 0 : index
    %get3A_15 = vector.load %arg2[%get3A_13, %get3A_14] : memref<128x128xf32, #tpu.memory_space<vmem>>, vector<128x128xf32>
    %dot_general3A = arith.constant dense<0.000000e+00> : vector<10000x128xf32>
    %dot_general3A_16 = tpu.matmul %mul3A_12, %get3A_15, %dot_general3A {dimension_numbers = #tpu.dot_dimension_numbers<[1], [0], [0], [1], [0, 0, 1, 1], [], []>, transpose_lhs_hint = false} : vector<10000x128xf32>, vector<128x128xf32>, vector<10000x128xf32> -> vector<10000x128xf32>
    %get3A_17 = arith.constant 0 : index
    %get3A_18 = arith.constant 0 : index
    %get3A_19 = vector.load %arg3[%get3A_17, %get3A_18] : memref<1x128xf32, #tpu.memory_space<vmem>>, vector<1x128xf32>
    %add3A_20 = vector.broadcast %get3A_19 : vector<1x128xf32> to vector<10000x128xf32>
    %add3A_21 = arith.addf %dot_general3A_16, %add3A_20 : vector<10000x128xf32>
    %swap3A = arith.constant 0 : index
    %swap3A_22 = arith.constant 0 : index
    %swap3A_23 = vector.load %arg4[%swap3A, %swap3A_22] : memref<10000x128xf32, #tpu.memory_space<vmem>>, vector<10000x128xf32>
    tpu.vector_store %arg4[%swap3A, %swap3A_22], %add3A_21 {strides = array<i32>} : memref<10000x128xf32, #tpu.memory_space<vmem>>, vector<10000x128xf32>,
    return
  }
}

</mosaic_0001>

<sc_bundles>
// kernel: kernel.12.cloned.1.call-start
scs
__scs_entry_jumppad:
0x0: {  	(pc) =	sbr.rel $0x88, $3  }
0x1: {  	(tag) =	ssettag $0x0;
	lr =	simm.s32 $0x1  }
0x2: {  	[smem:$0x3F96] =	sst lr;
	_ =	strace $0xD0000000  }
0x3: {  	_ = 	snop  }
0x4: {  	_ = 	snop  }
0x5: {  	_ = 	snop  }
0x6: {  	_ = 	snop  }
0x7: {  	_ = 	snop  }
__scs_overlays_trampoline_lowered:
0x8: {  	[smem:$0x3FA5] =	sst s0  }
0x9: {  	[smem:$0x3FA6] =	sst s1  }
0xa: {  	[smem:$0x3FA7] =	sst s2  }
0xb: {  	[smem:$0x3FA8] =	sst s3  }
0xc: {  	[smem:$0x3FA9] =	sst s4  }
0xd: {  	[smem:$0x3FAA] =	sst s5  }
0xe: {  	[smem:$0x3FAB] =	sst s6  }
0xf: {  	[smem:$0x3FAC] =	sst s7  }
0x10: {  	[smem:$0x3FAD] =	sst s8  }
0x11: {  	[smem:$0x3FAE] =	sst s9;
	s0 =	simm.s32 @!p0 $0x0  }
0x12: {  	s1 =	sld [smem:$0x3F94];
	s0 =	simm.s32 @p0 $0x1  }
0x13: {  	[smem:$0x3FAF] =	sst s0;
	s0 =	simm.s32 @!p1 $0x0  }
0x14: {  	s2 =	sld [smem:$0x3F93];
	s0 =	simm.s32 @p1 $0x1  }
0x15: {  	[smem:$0x3FB0] =	sst s0;
	s0 =	simm.s32 @!p2 $0x0  }
0x16: {  	s3 =	sld [smem:$0x3FDB];
	s0 =	simm.s32 @p2 $0x1  }
0x17: {  	s4 =	simm.s32 $0x1BF5;
	[smem:$0x3FB2] =	sst s0  }
0x18: {  	s0 =	sld [smem:$0x3F95];
	_ =	swait.ge [sflag:s4], $0x0  }
0x19: {  	s7 =	sld [smem:$0x3F96]  }
0x1a: {  	s8 =	sadd.s32 $0xFFFFE003, lr  }
0x1b: {  	s9 =	sadd.s32 $0xFFFFFEF7, lr;
	s5 =	simm.s32 $0xFFFFFFFF;
	p2 =	slt.u32 s8, $0xFFFFF086  }
0x1c: {  	p1 =	slt.u32 s9, $0xF7A;
	s5 =	simm.s32 @!p2 $0x0  }
0x1d: {  	s5 =	simm.s32 @p1 $0x1;
	p0 =	seq.s32 s7, s2  }
0x1e: {  	s7 =	smul.u32 @!p0 $0xF7A, s2;
	p2 =	seq.s32 @!p0 s5, $0x0  }
0x1f: {  	s9 =	smul.u32 $0xF7A, s1;
	s8 =	simm.s32 @!p0 $0x1BF5;
	p2 =	por !p2, p0  }
0x20: {  	[sflag:s8] =	ssyncset.s32 @!p0 $0xFFFFF086;
	s6 =	sadd.s32 @!p0 s3, s7;
	s7 =	simm.s32 @!p0 $0x108  }
0x21: {  	s3 =	sadd.s32 s3, s9;
	s6 =	sadd.s32 @!p0 $0x88, s6;
	s7 =	simm.s32 @p2 $0x1082  }
0x22: {  	[simem:s7], [sflag:s8] =	dma.local @!p0 [hbm:s6], $0xF7A  }
0x23: {  	s9 =	sor.u32 $0xD0000000, s2;
	s6 =	simm.s32 $0x108;
	_ =	swait.ge @!p0 [sflag:s8], $0x0  }
0x24: {  	s3 =	sadd.s32 $0x88, s3;
	s6 =	simm.s32 @!p1 $0x1082;
	[sflag:s4] =	ssyncset.s32 $0xFFFFF086  }
0x25: {  	[simem:s6], [sflag:s4] =	dma.local [hbm:s3], $0xF7A  }
0x26: {  	[smem:$0x3F96] =	sst s1;
	(tag) =	ssettag s2;
	_ =	strace s9  }
0x27: {  	s1 =	sld [smem:$0x3FA6]  }
0x28: {  	s2 =	sld [smem:$0x3FA7]  }
0x29: {  	s4 =	sld [smem:$0x3FA9]  }
0x2a: {  	p0 =	seq.s32 s5, $0x0;
	s5 =	sld [smem:$0x3FAA]  }
0x2b: {  	s6 =	sld [smem:$0x3FAB]  }
0x2c: {  	s7 =	sld [smem:$0x3FAC]  }
0x2d: {  	s3 =	simm.s32 $0x108;
	s8 =	sld [smem:$0x3FAD]  }
0x2e: {  	s3 =	simm.s32 @!p0 $0x1082;
	s9 =	sld [smem:$0x3FAE]  }
0x2f: {  	lr =	sadd.s32 s0, s3;
	s0 =	sld [smem:$0x3FA5]  }
0x30: {  	s3 =	sld [smem:$0x3FA8]  }
0x31: {  	[smem:$0x3FB1] =	sst s10  }
0x32: {  	s10 =	sld [smem:$0x3FAF];
	_ =	sdelay $0x3  }
0x33: {  	p0 =	seq.s32 s10, $0x1;
	s10 =	sld [smem:$0x3FB1];
	_ =	sdelay $0x3  }
0x34: {  	[smem:$0x3FB1] =	sst s10  }
0x35: {  	s10 =	sld [smem:$0x3FB0];
	_ =	sdelay $0x3  }
0x36: {  	p1 =	seq.s32 s10, $0x1;
	s10 =	sld [smem:$0x3FB1];
	_ =	sdelay $0x3  }
0x37: {  	[smem:$0x3FB1] =	sst s10  }
0x38: {  	s10 =	sld [smem:$0x3FB2]  }
0x39: {  	_ = 	snop;
	(pc) =	sbr.ind lr, $3  }
0x3a: {  	_ = 	snop  }
0x3b: {  	_ = 	snop  }
0x3c: {  	p2 =	seq.s32 s10, $0x1;
	s10 =	sld [smem:$0x3FB1]  }
0x3d: {  	_ =	shalt  }
0x3e: {  	_ =	shalt  }
0x3f: {  	_ =	shalt  }
0x40: {  	_ =	shalt  }
0x41: {  	_ =	shalt  }
0x42: {  	_ =	shalt  }
0x43: {  	_ =	shalt  }
0x44: {  	_ =	shalt  }
0x45: {  	_ =	shalt  }
0x46: {  	_ =	shalt  }
0x47: {  	_ =	shalt  }
0x48: {  	_ =	shalt  }
0x49: {  	_ =	shalt  }
0x4a: {  	_ =	shalt  }
0x4b: {  	_ =	shalt  }
0x4c: {  	_ =	shalt  }
0x4d: {  	_ =	shalt  }
0x4e: {  	_ =	shalt  }
0x4f: {  	_ =	shalt  }
0x50: {  	_ =	shalt  }
0x51: {  	_ =	shalt  }
0x52: {  	_ =	shalt  }
0x53: {  	_ =	shalt  }
0x54: {  	_ =	shalt  }
0x55: {  	_ =	shalt  }
0x56: {  	_ =	shalt  }
0x57: {  	_ =	shalt  }
0x58: {  	_ =	shalt  }
0x59: {  	_ =	shalt  }
0x5a: {  	_ =	shalt  }
0x5b: {  	_ =	shalt  }
0x5c: {  	_ =	shalt  }
0x5d: {  	_ =	shalt  }
0x5e: {  	_ =	shalt  }
0x5f: {  	_ =	shalt  }
0x60: {  	_ =	shalt  }
0x61: {  	_ =	shalt  }
0x62: {  	_ =	shalt  }
0x63: {  	_ =	shalt  }
0x64: {  	_ =	shalt  }
0x65: {  	_ =	shalt  }
0x66: {  	_ =	shalt  }
0x67: {  	_ =	shalt  }
0x68: {  	_ =	shalt  }
0x69: {  	_ =	shalt  }
0x6a: {  	_ =	shalt  }
0x6b: {  	_ =	shalt  }
0x6c: {  	_ =	shalt  }
0x6d: {  	_ =	shalt  }
0x6e: {  	_ =	shalt  }
0x6f: {  	_ =	shalt  }
0x70: {  	_ =	shalt  }
0x71: {  	_ =	shalt  }
0x72: {  	_ =	shalt  }
0x73: {  	_ =	shalt  }
0x74: {  	_ =	shalt  }
0x75: {  	_ =	shalt  }
0x76: {  	_ =	shalt  }
0x77: {  	_ =	shalt  }
0x78: {  	_ =	shalt  }
0x79: {  	_ =	shalt  }
0x7a: {  	_ =	shalt  }
0x7b: {  	_ =	shalt  }
0x7c: {  	_ =	shalt  }
0x7d: {  	_ =	shalt  }
0x7e: {  	_ =	shalt  }
0x7f: {  	_ =	shalt  }
0x80: {  	_ =	shalt  }
0x81: {  	_ =	shalt  }
0x82: {  	_ =	shalt  }
0x83: {  	_ =	shalt  }
0x84: {  	_ =	shalt  }
0x85: {  	_ =	shalt  }
0x86: {  	_ =	shalt  }
0x87: {  	_ =	shalt  }
.Lfunc_end0:
.L_simem_size_0:
called_computation.1_lowered:
.L_overlay_start_0:
0x88: {  	s2 =	sld [smem:$0x3FD9]  }
0x89: {  	s3 =	sld [smem:$0x3FFE];
	_ =	sdelay $0x1  }
0x8a: {  	s1 =	srdreg.scid  }
0x8b: {  	s0 =	sand.u32 $0x1, s1  }
0x8c: {  	s17 =	sshll.u32 s0, $0xA;
	s2 =	sadd.s32 s3, s2  }
0x8d: {  	s2 =	sadd.s32 s2, s17  }
0x8e: {  	[smem:$0x3FBD] =	sst s2  }
0x8f: {  	_ = 	snop  }
0x90: {  	s2 =	sld [smem:$0x3FC8]  }
0x91: {  	s18 =	sld [smem:$0x3FD0];
	(tm) =	ssettm $0x1  }
0x92: {  	s4 =	sld [smem:$0x3FFB];
	_ =	sdelay $0x3  }
0x93: {  	_ =	strace s4  }
0x94: {  	s4 =	sld [smem:$0x3FFC];
	_ =	sdelay $0x3  }
0x95: {  	_ =	strace s4  }
0x96: {  	s4 =	sld [smem:$0x3FFD];
	_ =	sdelay $0x3  }
0x97: {  	_ =	strace s4  }
0x98: {  	_ =	strace $0x8FFFFFFF  }
0x99: {  	s19 =	sld [smem:$0x3FDB];
	_ =	sdelay $0x1  }
0x9a: {  	s5 =	simm.s32 $_scs_section_size  }
0x9b: {  	s6 =	simm.s32 $_size__tile_overlayer_lowered;
	s7 =	simm.s32 $_tile_overlayer_lowered  }
0x9c: {  	s22 =	simm.s32 $0x1BFF;
	s21 =	sshll.u32 s7, $0x1;
	s4 =	sadd.s32 s5, s19  }
0x9d: {  	s8 =	simm.s32 $0x0;
	s20 =	sshll.u32 s6, $0x1;
	s6 =	sadd.s32 s21, s4  }
0x9e: {  	[timem:s8], [sflag:s22] =	dma.local [hbm:s6], s20  }
0x9f: {  	_ =	swait.ge [sflag:s22], s20  }
0xa0: {  	s5 =	ssub.s32 $0x0, s20;
	[sflag:s22] =	ssyncset.done $0x0  }
0xa1: {  	[sflag:s22] =	ssyncadd.s32 s5;
	_ =	sdelay $0x1  }
0xa2: {  	s23 =	simm.s32 $0x1B8B  }
0xa3: {  	_ =	swait.ge [sflag:s23], $0x1  }
0xa4: {  	[sflag:s23] =	ssyncset.done $0x0  }
0xa5: {  	s25 =	simm.s32 $0x1B8E;
	s24 =	sld [smem:$0x3FFE];
	[sflag:s23] =	ssyncadd.s32 $0xFFFFFFFF  }
0xa6: {  	s26 =	simm.s32 $execute0_lowered;
	[smem:$0x3FD2] =	sst s25  }
0xa7: {  	s6 =	sshll.u32 s26, $0x1;
	_ =	strace $0x80000049;
	[dreg:$0x1] =	wrdreg $0xFFFFFFFF  }
0xa8: {  	s28 =	simm.s32 $_size_execute0_lowered;
	s4 =	sadd.s32 s4, s6;
	[dreg:$0x0] =	wrdreg $0x0  }
0xa9: {  	s6 =	sshll.u32 s28, $0x1;
	[dreg:$0x2] =	wrdreg s4  }
0xaa: {  	[dreg:$0x3] =	wrdreg s6  }
0xab: {  	[dreg:$0x4] =	wrdreg $0xC0  }
0xac: {  	_ =	task [dreg:s8], $0x5FFFF  }
0xad: {  	[dreg:$0x1] =	wrdreg $0xFFFFFFFF  }
0xae: {  	[dreg:$0x0] =	wrdreg $0x60  }
0xaf: {  	[dreg:$0x2] =	wrdreg s18  }
0xb0: {  	[dreg:$0x3] =	wrdreg s2  }
0xb1: {  	[dreg:$0x4] =	wrdreg s24  }
0xb2: {  	[dreg:$0x5] =	wrdreg $0x84000  }
0xb3: {  	[dreg:$0x6] =	wrdreg $0x9  }
0xb4: {  	_ =	task.clear_ibuf [dreg:s8], $0x7FFFF;
	_ =	strace $0x90000049  }
0xb5: {  	s29 =	simm.s32 $0x9;
	_ =	strace $0x8000004B  }
0xb6: {  	_ =	swait.ge [sflag:s29], $0x1  }
0xb7: {  	[sflag:s29] =	ssyncadd.s32 $0xFFFFFFFF  }
0xb8: {  	_ =	strace $0x9000004B  }
0xb9: {  	_ =	sfence  }
0xba: {  	s30 =	sld [smem:$0x0];
	_ =	sdelay $0x2  }
0xbb: {  	s31 =	sshll.u32 s1, $0xD;
	s1 =	sshrl.u32 s1, $0x2  }
0xbc: {  	s3 =	sand.u32 $0x4000, s31;
	s1 =	sadd.s32 s1, s30  }
0xbd: {  	s0 =	sor.u32 s3, s0;
	s1 =	sshll.u32 s1, $0x11  }
0xbe: {  	s0 =	sor.u32 s1, s0  }
0xbf: {  	s0 =	sadd.s32 $0x8F2B, s0  }
0xc0: {  	[sflag:s0] =	ssyncadd.remote.s32 $0x1  }
0xc1: {  	_ =	sfence.sel $0xFFFF  }
0xc2: {  	[dreg:$0x0] =	wrdreg $0xFFFFFFFF;
	(pc) =	sbr.abs _section_cstart, $3  }
0xc3: {  	[dreg:$0x1] =	wrdreg $0xFFFFFFFF  }
0xc4: {  	_ =	task.clear_ibuf [dreg:s8], $0x2FFFF;
	_ =	strace $0x9FFFFFFF  }
0xc5: {  	(tm) =	ssettm $0x7FFFFFFF  }
tec
execute0_lowered:
.L_overlay_start_1:
0x0: {  	(tag) =	ssettag $0x1  }
0x1: {  	s1 =	rddreg [dreg:$0x0]  }
0x2: {  	s0 =	rddreg [dreg:$0x1]  }
0x3: {  	s5 =	rddreg [dreg:$0x2]  }
0x4: {  	s3 =	rddreg [dreg:$0x3];
	s2 =	stileid.u32  }
0x5: {  	s4 =	simm.s32 $0x0;
	s6 =	srdreg.scid;
	s24 =	smul.u32 $0x3E80, s2  }
0x6: {  	s28 =	simm.s32 $0x6;
	s29 =	simm.s32 $0x4;
	s25 =	smul.u32 $0x7D000, s2  }
0x7: {  	[smem:$0x7FF] =	sst s4;
	s6 =	sand.u32 $0x1, s6;
	s14 =	smul.u32 $0x4C, s2  }
0x8: {  	s30 =	simm.s32 $0x0;
	_ =	strace $0x8000004A;
	s7 =	smul.u32 $0x27100, s6  }
0x9: {  	s8 =	sshll.u32 s6, $0x4;
	s10 =	ssub.s32 $0x2, s6;
	s31 =	smul.u32 $0x4C0, s6  }
0xa: {  	s9 =	sadd.s32 s24, s5;
	s8 =	sor.u32 s2, s8;
	s21 =	sshrl.u32 s10, $0x1  }
0xb: {  	s16 =	sshrl.u32 s25, $0x2;
	s11 =	sadd.s32 s7, s5;
	s22 =	smin.u32 s8, $0x11  }
0xc: {  	s12 =	ssub.s32 s10, s21;
	s23 =	smul.u32 $0x4C, s8;
	p0 =	slt.u32 s8, $0x11  }
0xd: {  	s5 =	simm.s32 $0x50;
	s15 =	sadd.s32 s16, s3;
	s18 =	sadd.s32 $0x3000, s9  }
0xe: {  	s14 =	sadd.s32 s14, s31;
	s16 =	simm.s32 $0x200;
	s31 =	simm.s32 $0x380  }
0xf: {  	s13 =	sshll.u32 s22, $0x2;
	s5 =	simm.s32 @!p0 $0x4C;
	[dreg:$0xa] =	wrdreg s18  }
0x10: {  	s25 =	sadd.s32 $0x2A200, s11;
	s11 =	smax.u32 s12, $0x1;
	p0 =	sgt.u32 s2, $0x9  }
0x11: {  	s18 =	simm.s32 $0x1;
	[dreg:$0x9] =	wrdreg s31;
	s26 =	sadd.s32 s23, s13  }
0x12: {  	s13 =	sadd.s32 s13, s14;
	s22 =	sshll.u32 s5, $0x5;
	s14 =	sshrl.u32 @!p0 s15, $0x3  }
0x13: {  	s15 =	simm.s32 $0x100;
	s23 =	simm.s32 $0x180;
	s24 =	sadd.s32 @!p0 s24, s25  }
0x14: {  	s25 =	simm.s32 $0x7;
	s17 =	sshll.u32 s26, $0x5;
	[dreg:$0x5] =	wrdreg s22  }
0x15: {  	s13 =	sshll.u32 s13, $0x5;
	[dreg:$0x7] =	wrdreg s23;
	s26 =	simm.s32 $0x280  }
0x16: {  	s22 =	simm.s32 $0x4400;
	s23 =	simm.s32 $0x5;
	s7 =	sadd.s32 s0, s17  }
0x17: {  	s0 =	sadd.s32 s0, s13;
	[dreg:$0x8] =	wrdreg s26;
	s19 =	sadd.s32 $0x20, s7  }
0x18: {  	s13 =	sshll.u32 @!p0 s2, $0x6;
	s20 =	sadd.s32 $0x40, s7;
	[dreg:$0xb] =	wrdreg s19  }
0x19: {  	s17 =	simm.s32 $0x300;
	s21 =	sadd.s32 $0x60, s7;
	[dreg:$0xc] =	wrdreg s20  }
0x1a: {  	s12 =	sadd.s32 $0x80, s0;
	s0 =	sadd.s32 $0xC0, s0;
	[dreg:$0xd] =	wrdreg s21  }
0x1b: {  	s26 =	simm.s32 $0x3;
	s13 =	sor.u32 @!p0 $0x1C07, s13;
	[dreg:$0x6] =	wrdreg s0  }
0x1c: {  	s19 =	simm.s32 $0x80;
	s20 =	simm.s32 $0x400;
	s21 =	simm.s32 $0x2  }
.LBB2_1:
0x1d: {  	s0 =	rddreg [dreg:$0xa]  }
0x1e: {  	[spmem:s14], [sflag:s13] =	dma.local @!p0 [hbm:s0], $0x3E80  }
0x1f: {  	s0 =	simm.s32 @!p0 $0x7  }
0x20: {  	_ =	swait.ge @!p0 [sflag:s0], $0x3E80  }
0x21: {  	[sflag:s0] =	ssyncset.done @!p0 $0x0  }
0x22: {  	[sflag:s0] =	ssyncadd.s32 @!p0 $0xFFFFC180  }
0x23: {  	[bflag:$0x0] =	sbarrier.arrive $0xFFFF  }
0x24: {  	[tilespmem:s4], [sflag:$0x1] =	stream.linear.gather [hbm4b:s7+s4], $0x100, $0x38;
	[tilespmem:$0x1BC80] =	vst v63  }
0x25: {  	s8 =	rddreg [dreg:$0xb]  }
0x26: {  	[tilespmem:s15], [sflag:$0x2] =	stream.linear.gather [hbm4b:s8+s4], $0x100, $0x38;
	[tilespmem:$0x1BC80] =	vst v63  }
0x27: {  	s9 =	rddreg [dreg:$0xc]  }
0x28: {  	[tilespmem:s16], [sflag:$0x3] =	stream.linear.gather [hbm4b:s9+s4], $0x100, $0x38;
	[tilespmem:$0x1BC80] =	vst v63  }
0x29: {  	s10 =	rddreg [dreg:$0xd]  }
0x2a: {  	[tilespmem:s17], [sflag:$0x4] =	stream.linear.gather [hbm4b:s10+s4], $0x100, $0x38;
	[tilespmem:$0x1BC80] =	vst v63  }
0x2b: {  	_ =	swait.ge [sflag:s18], $0x100  }
0x2c: {  	[sflag:s18] =	ssyncset.done $0x0  }
0x2d: {  	[sflag:s18] =	ssyncadd.s32 $0xFFFFFF00  }
0x2e: {  	[tilespmem:s20], [sflag:$0x5] =	stream.indirect.gather [hbm4b:s1+s19], $0x80, s4, s19, $0xb8;
	[tilespmem:$0x1BC80] =	vst v63  }
0x2f: {  	_ =	swait.ge [sflag:s21], $0x100  }
0x30: {  	[sflag:s21] =	ssyncset.done $0x0  }
0x31: {  	s31 =	simm.s32 $0x4;
	s0 =	simm.s32 $0x0;
	[sflag:s21] =	ssyncadd.s32 $0xFFFFFF00  }
0x32: {  	[tilespmem:s22], [sflag:$0x6] =	stream.indirect.gather [hbm4b:s1+s19], $0x80, s15, s19, $0xb8;
	[tilespmem:$0x1BC80] =	vst v63  }
.LBB2_2:
0x33: {  	_ =	swait.ge [sflag:s23], $0x4000  }
0x34: {  	[sflag:s23] =	ssyncset.done $0x0  }
0x35: {  	[sflag:s23] =	ssyncadd.s32 $0xFFFFC000  }
0x36: {  	[spmem:s3] =	stream.indirect.scatter.add.f32 [tilespmem:s20], [sflag:$0x7], $0x80, s19, s19, $0xb8;
	[tilespmem:$0x1BC80] =	vst v63  }
0x37: {  	_ =	swait.ge [sflag:s25], $0x4000  }
0x38: {  	p2 =	sge.u32 s31, s5;
	[sflag:s25] =	ssyncset.done $0x0  }
0x39: {  	s2 =	sadd.s32 @!p2 s0, s12;
	s6 =	simm.s32 @!p2 $0x0;
	[sflag:s25] =	ssyncadd.s32 $0xFFFFC000  }
0x3a: {  	[tilespmem:s6], [sflag:$0x1] =	stream.linear.gather @!p2 [hbm4b:s2+s6], $0x100, $0x38;
	[tilespmem:$0x1BC80] =	vst v63  }
0x3b: {  	_ =	swait.ge [sflag:s26], $0x100  }
0x3c: {  	[sflag:s26] =	ssyncset.done $0x0  }
0x3d: {  	[sflag:s26] =	ssyncadd.s32 $0xFFFFFF00  }
0x3e: {  	[tilespmem:s20], [sflag:$0x5] =	stream.indirect.gather [hbm4b:s1+s19], $0x80, s16, s19, $0xb8;
	[tilespmem:$0x1BC80] =	vst v63  }
0x3f: {  	_ =	swait.ge [sflag:s28], $0x4000  }
0x40: {  	[sflag:s28] =	ssyncset.done $0x0  }
0x41: {  	s10 =	sadd.s32 $0x1, s31;
	s9 =	rddreg [dreg:$0x7];
	[sflag:s28] =	ssyncadd.s32 $0xFFFFC000  }
0x42: {  	[spmem:s3] =	stream.indirect.scatter.add.f32 [tilespmem:s22], [sflag:$0x7], $0x80, s9, s19, $0xb8;
	[tilespmem:$0x1BC80] =	vst v63  }
0x43: {  	p1 =	sge.u32 s10, s5;
	_ =	swait.ge [sflag:s25], $0x4000  }
0x44: {  	s8 =	simm.s32 @!p1 $0x0;
	s2 =	sadd.s32 @!p1 s0, s12;
	[sflag:s25] =	ssyncset.done $0x0  }
0x45: {  	s2 =	sadd.s32 @!p1 $0x20, s2;
	s9 =	simm.s32 @!p1 $0x100;
	[sflag:s25] =	ssyncadd.s32 $0xFFFFC000  }
0x46: {  	[tilespmem:s9], [sflag:$0x2] =	stream.linear.gather @!p1 [hbm4b:s2+s8], $0x100, $0x38;
	[tilespmem:$0x1BC80] =	vst v63  }
0x47: {  	_ =	swait.ge [sflag:s29], $0x100  }
0x48: {  	[sflag:s29] =	ssyncset.done $0x0  }
0x49: {  	[sflag:s29] =	ssyncadd.s32 $0xFFFFFF00  }
0x4a: {  	[tilespmem:s22], [sflag:$0x6] =	stream.indirect.gather [hbm4b:s1+s19], $0x80, s17, s19, $0xb8;
	[tilespmem:$0x1BC80] =	vst v63  }
0x4b: {  	_ =	swait.ge [sflag:s23], $0x4000  }
0x4c: {  	[sflag:s23] =	ssyncset.done $0x0  }
0x4d: {  	s10 =	sadd.s32 $0x2, s31;
	s8 =	rddreg [dreg:$0x8];
	[sflag:s23] =	ssyncadd.s32 $0xFFFFC000  }
0x4e: {  	[spmem:s3] =	stream.indirect.scatter.add.f32 [tilespmem:s20], [sflag:$0x7], $0x80, s8, s19, $0xb8;
	[tilespmem:$0x1BC80] =	vst v63  }
0x4f: {  	p3 =	sge.u32 s10, s5;
	_ =	swait.ge [sflag:s25], $0x4000  }
0x50: {  	s10 =	simm.s32 @!p3 $0x200;
	s2 =	rddreg [dreg:$0x6];
	[sflag:s25] =	ssyncset.done $0x0  }
0x51: {  	s8 =	simm.s32 @!p3 $0x0;
	[sflag:s25] =	ssyncadd.s32 $0xFFFFC000;
	s2 =	sadd.s32 @!p3 s0, s2  }
0x52: {  	[tilespmem:s10], [sflag:$0x3] =	stream.linear.gather @!p3 [hbm4b:s2+s8], $0x100, $0x38;
	[tilespmem:$0x1BC80] =	vst v63  }
0x53: {  	s2 =	simm.s32 @!p2 $0x1  }
0x54: {  	_ =	swait.ge @!p2 [sflag:s2], $0x100  }
0x55: {  	[sflag:s2] =	ssyncset.done @!p2 $0x0  }
0x56: {  	s8 =	simm.s32 @!p2 $0x400;
	[sflag:s2] =	ssyncadd.s32 @!p2 $0xFFFFFF00;
	s2 =	simm.s32 @!p2 $0x80  }
0x57: {  	[tilespmem:s8], [sflag:$0x5] =	stream.indirect.gather @!p2 [hbm4b:s1+s2], $0x80, s6, s2, $0xb8;
	[tilespmem:$0x1BC80] =	vst v63  }
0x58: {  	_ =	swait.ge [sflag:s28], $0x4000  }
0x59: {  	[sflag:s28] =	ssyncset.done $0x0  }
0x5a: {  	s8 =	sadd.s32 $0x3, s31;
	s6 =	rddreg [dreg:$0x9];
	[sflag:s28] =	ssyncadd.s32 $0xFFFFC000  }
0x5b: {  	[spmem:s3] =	stream.indirect.scatter.add.f32 [tilespmem:s22], [sflag:$0x7], $0x80, s6, s19, $0xb8;
	[tilespmem:$0x1BC80] =	vst v63  }
0x5c: {  	p2 =	sge.u32 s8, s5;
	_ =	swait.ge [sflag:s25], $0x4000  }
0x5d: {  	s2 =	sadd.s32 @!p2 s0, s12;
	s8 =	simm.s32 @!p2 $0x300;
	[sflag:s25] =	ssyncset.done $0x0  }
0x5e: {  	s2 =	sadd.s32 @!p2 $0x60, s2;
	s6 =	simm.s32 @!p2 $0x0;
	[sflag:s25] =	ssyncadd.s32 $0xFFFFC000  }
0x5f: {  	[tilespmem:s8], [sflag:$0x4] =	stream.linear.gather @!p2 [hbm4b:s2+s6], $0x100, $0x38;
	[tilespmem:$0x1BC80] =	vst v63  }
0x60: {  	s2 =	simm.s32 @!p1 $0x2  }
0x61: {  	_ =	swait.ge @!p1 [sflag:s2], $0x100  }
0x62: {  	s0 =	sadd.s32 $0x80, s0;
	s6 =	simm.s32 @!p1 $0x4400;
	[sflag:s2] =	ssyncset.done @!p1 $0x0  }
0x63: {  	s10 =	rddreg [dreg:$0x5];
	[sflag:s2] =	ssyncadd.s32 @!p1 $0xFFFFFF00;
	s2 =	simm.s32 @!p1 $0x80  }
0x64: {  	[tilespmem:s6], [sflag:$0x6] =	stream.indirect.gather @!p1 [hbm4b:s1+s2], $0x80, s9, s2, $0xb8;
	[tilespmem:$0x1BC80] =	vst v63  }
0x65: {  	p1 =	sne.s32 s10, s0  }
.Ltmp0:
0x66: {  	_ = 	snop;
	(pc) =	sbr.rel @p1 .LBB2_2-.Ltmp0, $2  }
0x67: {  	_ =	sdelay $0x2  }
0x68: {  	s31 =	sadd.s32 $0x4, s31  }
0x69: {  	s30 =	sadd.s32 $0x1, s30  }
0x6a: {  	p1 =	sne.s32 s30, s11  }
.Ltmp1:
0x6b: {  	[bflag:$0x0] =	sbarrier.arrive $0xFFFF;
	s0 =	simm.s32 @!p0 $0x7;
	(pc) =	sbr.rel @p1 .LBB2_1-.Ltmp1, $4  }
0x6c: {  	[hbm:s24], [sflag:s13] =	dma.local @!p0 [spmem:s14], $0x3E80  }
0x6d: {  	_ =	swait.ge @!p0 [sflag:s0], $0x3E80  }
0x6e: {  	[sflag:s0] =	ssyncset.done @!p0 $0x0  }
0x6f: {  	[sflag:s0] =	ssyncadd.s32 @!p0 $0xFFFFC180  }
0x70: {  	_ =	sfence.sel $0x180000  }
0x71: {  	[bflag:$0x0] =	sbarrier.arrive $0xFFFF  }
0x72: {  	_ =	strace $0x9000004A  }
0x73: {  	s0 =	stileid.u32;
	[bflag:$0x2] =	sbarrier.arrive $0xFFFF  }
0x74: {  	p0 =	sne.s32 s0, $0x0;
	s0 =	rddreg [dreg:$0x4]  }
0x75: {  	s0 =	sadd.s32 @!p0 $0x100000, s0  }
0x76: {  	[sflag:s0] =	ssyncadd.tile.s32 @!p0 $0x1;
	_ =	shalt  }
.Lfunc_end2:
_tile_overlayer_lowered:
.L_overlay_start_2:
0x77: {  	(tag) =	ssettag $0x2  }
0x78: {  	s0 =	rddreg [dreg:$0x0];
	s2 =	stileid.u32  }
0x79: {  	s1 =	rddreg [dreg:$0x1];
	p0 =	sne.s32 s2, $0x0  }
0x7a: {  	s3 =	rddreg [dreg:$0x2];
	[bflag:$0x3] =	sbarrier.arrive $0xFFFF;
	s2 =	simm.s32 @!p0 $0x1C07  }
0x7b: {  	[timem:s3], [sflag:s2] =	dma.local @!p0 [hbm:s0], s1  }
0x7c: {  	s0 =	simm.s32 @!p0 $0x7  }
0x7d: {  	_ =	swait.ge @!p0 [sflag:s0], s1  }
0x7e: {  	s1 =	ssub.s32 @!p0 $0x0, s1;
	[sflag:s0] =	ssyncset.done @!p0 $0x0  }
0x7f: {  	[sflag:s0] =	ssyncadd.s32 @!p0 s1  }
0x80: {  	[bflag:$0x3] =	sbarrier.arrive $0xFFFF  }
0x81: {  	_ =	shalt  }

// kernel: kernel.15.cloned.1.call-start
scs
__scs_entry_jumppad:
0x0: {  	(pc) =	sbr.rel $0x88, $3  }
0x1: {  	(tag) =	ssettag $0x0;
	lr =	simm.s32 $0x1  }
0x2: {  	[smem:$0x3F96] =	sst lr;
	_ =	strace $0xD0000000  }
0x3: {  	_ = 	snop  }
0x4: {  	_ = 	snop  }
0x5: {  	_ = 	snop  }
0x6: {  	_ = 	snop  }
0x7: {  	_ = 	snop  }
__scs_overlays_trampoline_lowered:
0x8: {  	[smem:$0x3FA5] =	sst s0  }
0x9: {  	[smem:$0x3FA6] =	sst s1  }
0xa: {  	[smem:$0x3FA7] =	sst s2  }
0xb: {  	[smem:$0x3FA8] =	sst s3  }
0xc: {  	[smem:$0x3FA9] =	sst s4  }
0xd: {  	[smem:$0x3FAA] =	sst s5  }
0xe: {  	[smem:$0x3FAB] =	sst s6  }
0xf: {  	[smem:$0x3FAC] =	sst s7  }
0x10: {  	[smem:$0x3FAD] =	sst s8  }
0x11: {  	[smem:$0x3FAE] =	sst s9;
	s0 =	simm.s32 @!p0 $0x0  }
0x12: {  	s1 =	sld [smem:$0x3F94];
	s0 =	simm.s32 @p0 $0x1  }
0x13: {  	[smem:$0x3FAF] =	sst s0;
	s0 =	simm.s32 @!p1 $0x0  }
0x14: {  	s2 =	sld [smem:$0x3F93];
	s0 =	simm.s32 @p1 $0x1  }
0x15: {  	[smem:$0x3FB0] =	sst s0;
	s0 =	simm.s32 @!p2 $0x0  }
0x16: {  	s3 =	sld [smem:$0x3FDB];
	s0 =	simm.s32 @p2 $0x1  }
0x17: {  	s4 =	simm.s32 $0x1BF5;
	[smem:$0x3FB2] =	sst s0  }
0x18: {  	s0 =	sld [smem:$0x3F95];
	_ =	swait.ge [sflag:s4], $0x0  }
0x19: {  	s7 =	sld [smem:$0x3F96]  }
0x1a: {  	s8 =	sadd.s32 $0xFFFFE003, lr  }
0x1b: {  	s9 =	sadd.s32 $0xFFFFFEF7, lr;
	s5 =	simm.s32 $0xFFFFFFFF;
	p2 =	slt.u32 s8, $0xFFFFF086  }
0x1c: {  	p1 =	slt.u32 s9, $0xF7A;
	s5 =	simm.s32 @!p2 $0x0  }
0x1d: {  	s5 =	simm.s32 @p1 $0x1;
	p0 =	seq.s32 s7, s2  }
0x1e: {  	s7 =	smul.u32 @!p0 $0xF7A, s2;
	p2 =	seq.s32 @!p0 s5, $0x0  }
0x1f: {  	s9 =	smul.u32 $0xF7A, s1;
	s8 =	simm.s32 @!p0 $0x1BF5;
	p2 =	por !p2, p0  }
0x20: {  	[sflag:s8] =	ssyncset.s32 @!p0 $0xFFFFF086;
	s6 =	sadd.s32 @!p0 s3, s7;
	s7 =	simm.s32 @!p0 $0x108  }
0x21: {  	s3 =	sadd.s32 s3, s9;
	s6 =	sadd.s32 @!p0 $0x88, s6;
	s7 =	simm.s32 @p2 $0x1082  }
0x22: {  	[simem:s7], [sflag:s8] =	dma.local @!p0 [hbm:s6], $0xF7A  }
0x23: {  	s9 =	sor.u32 $0xD0000000, s2;
	s6 =	simm.s32 $0x108;
	_ =	swait.ge @!p0 [sflag:s8], $0x0  }
0x24: {  	s3 =	sadd.s32 $0x88, s3;
	s6 =	simm.s32 @!p1 $0x1082;
	[sflag:s4] =	ssyncset.s32 $0xFFFFF086  }
0x25: {  	[simem:s6], [sflag:s4] =	dma.local [hbm:s3], $0xF7A  }
0x26: {  	[smem:$0x3F96] =	sst s1;
	(tag) =	ssettag s2;
	_ =	strace s9  }
0x27: {  	s1 =	sld [smem:$0x3FA6]  }
0x28: {  	s2 =	sld [smem:$0x3FA7]  }
0x29: {  	s4 =	sld [smem:$0x3FA9]  }
0x2a: {  	p0 =	seq.s32 s5, $0x0;
	s5 =	sld [smem:$0x3FAA]  }
0x2b: {  	s6 =	sld [smem:$0x3FAB]  }
0x2c: {  	s7 =	sld [smem:$0x3FAC]  }
0x2d: {  	s3 =	simm.s32 $0x108;
	s8 =	sld [smem:$0x3FAD]  }
0x2e: {  	s3 =	simm.s32 @!p0 $0x1082;
	s9 =	sld [smem:$0x3FAE]  }
0x2f: {  	lr =	sadd.s32 s0, s3;
	s0 =	sld [smem:$0x3FA5]  }
0x30: {  	s3 =	sld [smem:$0x3FA8]  }
0x31: {  	[smem:$0x3FB1] =	sst s10  }
0x32: {  	s10 =	sld [smem:$0x3FAF];
	_ =	sdelay $0x3  }
0x33: {  	p0 =	seq.s32 s10, $0x1;
	s10 =	sld [smem:$0x3FB1];
	_ =	sdelay $0x3  }
0x34: {  	[smem:$0x3FB1] =	sst s10  }
0x35: {  	s10 =	sld [smem:$0x3FB0];
	_ =	sdelay $0x3  }
0x36: {  	p1 =	seq.s32 s10, $0x1;
	s10 =	sld [smem:$0x3FB1];
	_ =	sdelay $0x3  }
0x37: {  	[smem:$0x3FB1] =	sst s10  }
0x38: {  	s10 =	sld [smem:$0x3FB2]  }
0x39: {  	_ = 	snop;
	(pc) =	sbr.ind lr, $3  }
0x3a: {  	_ = 	snop  }
0x3b: {  	_ = 	snop  }
0x3c: {  	p2 =	seq.s32 s10, $0x1;
	s10 =	sld [smem:$0x3FB1]  }
0x3d: {  	_ =	shalt  }
0x3e: {  	_ =	shalt  }
0x3f: {  	_ =	shalt  }
0x40: {  	_ =	shalt  }
0x41: {  	_ =	shalt  }
0x42: {  	_ =	shalt  }
0x43: {  	_ =	shalt  }
0x44: {  	_ =	shalt  }
0x45: {  	_ =	shalt  }
0x46: {  	_ =	shalt  }
0x47: {  	_ =	shalt  }
0x48: {  	_ =	shalt  }
0x49: {  	_ =	shalt  }
0x4a: {  	_ =	shalt  }
0x4b: {  	_ =	shalt  }
0x4c: {  	_ =	shalt  }
0x4d: {  	_ =	shalt  }
0x4e: {  	_ =	shalt  }
0x4f: {  	_ =	shalt  }
0x50: {  	_ =	shalt  }
0x51: {  	_ =	shalt  }
0x52: {  	_ =	shalt  }
0x53: {  	_ =	shalt  }
0x54: {  	_ =	shalt  }
0x55: {  	_ =	shalt  }
0x56: {  	_ =	shalt  }
0x57: {  	_ =	shalt  }
0x58: {  	_ =	shalt  }
0x59: {  	_ =	shalt  }
0x5a: {  	_ =	shalt  }
0x5b: {  	_ =	shalt  }
0x5c: {  	_ =	shalt  }
0x5d: {  	_ =	shalt  }
0x5e: {  	_ =	shalt  }
0x5f: {  	_ =	shalt  }
0x60: {  	_ =	shalt  }
0x61: {  	_ =	shalt  }
0x62: {  	_ =	shalt  }
0x63: {  	_ =	shalt  }
0x64: {  	_ =	shalt  }
0x65: {  	_ =	shalt  }
0x66: {  	_ =	shalt  }
0x67: {  	_ =	shalt  }
0x68: {  	_ =	shalt  }
0x69: {  	_ =	shalt  }
0x6a: {  	_ =	shalt  }
0x6b: {  	_ =	shalt  }
0x6c: {  	_ =	shalt  }
0x6d: {  	_ =	shalt  }
0x6e: {  	_ =	shalt  }
0x6f: {  	_ =	shalt  }
0x70: {  	_ =	shalt  }
0x71: {  	_ =	shalt  }
0x72: {  	_ =	shalt  }
0x73: {  	_ =	shalt  }
0x74: {  	_ =	shalt  }
0x75: {  	_ =	shalt  }
0x76: {  	_ =	shalt  }
0x77: {  	_ =	shalt  }
0x78: {  	_ =	shalt  }
0x79: {  	_ =	shalt  }
0x7a: {  	_ =	shalt  }
0x7b: {  	_ =	shalt  }
0x7c: {  	_ =	shalt  }
0x7d: {  	_ =	shalt  }
0x7e: {  	_ =	shalt  }
0x7f: {  	_ =	shalt  }
0x80: {  	_ =	shalt  }
0x81: {  	_ =	shalt  }
0x82: {  	_ =	shalt  }
0x83: {  	_ =	shalt  }
0x84: {  	_ =	shalt  }
0x85: {  	_ =	shalt  }
0x86: {  	_ =	shalt  }
0x87: {  	_ =	shalt  }
.Lfunc_end0:
.L_simem_size_0:
called_computation.2_lowered:
.L_overlay_start_0:
0x88: {  	s2 =	sld [smem:$0x3FD9]  }
0x89: {  	s3 =	sld [smem:$0x3FFE];
	_ =	sdelay $0x1  }
0x8a: {  	s1 =	srdreg.scid  }
0x8b: {  	s0 =	sand.u32 $0x1, s1  }
0x8c: {  	s17 =	sshll.u32 s0, $0xA;
	s2 =	sadd.s32 s3, s2  }
0x8d: {  	s2 =	sadd.s32 s2, s17  }
0x8e: {  	[smem:$0x3FBD] =	sst s2  }
0x8f: {  	_ = 	snop  }
0x90: {  	s2 =	sld [smem:$0x3FC8]  }
0x91: {  	s18 =	sld [smem:$0x3FD0];
	(tm) =	ssettm $0x1  }
0x92: {  	s4 =	sld [smem:$0x3FFB];
	_ =	sdelay $0x3  }
0x93: {  	_ =	strace s4  }
0x94: {  	s4 =	sld [smem:$0x3FFC];
	_ =	sdelay $0x3  }
0x95: {  	_ =	strace s4  }
0x96: {  	s4 =	sld [smem:$0x3FFD];
	_ =	sdelay $0x3  }
0x97: {  	_ =	strace s4  }
0x98: {  	_ =	strace $0x8FFFFFFF  }
0x99: {  	s19 =	sld [smem:$0x3FDB];
	_ =	sdelay $0x1  }
0x9a: {  	s5 =	simm.s32 $_scs_section_size  }
0x9b: {  	s6 =	simm.s32 $_size__tile_overlayer_lowered;
	s7 =	simm.s32 $_tile_overlayer_lowered  }
0x9c: {  	s22 =	simm.s32 $0x1BFF;
	s21 =	sshll.u32 s7, $0x1;
	s4 =	sadd.s32 s5, s19  }
0x9d: {  	s8 =	simm.s32 $0x0;
	s20 =	sshll.u32 s6, $0x1;
	s6 =	sadd.s32 s21, s4  }
0x9e: {  	[timem:s8], [sflag:s22] =	dma.local [hbm:s6], s20  }
0x9f: {  	_ =	swait.ge [sflag:s22], s20  }
0xa0: {  	s5 =	ssub.s32 $0x0, s20;
	[sflag:s22] =	ssyncset.done $0x0  }
0xa1: {  	[sflag:s22] =	ssyncadd.s32 s5;
	_ =	sdelay $0x1  }
0xa2: {  	s23 =	simm.s32 $0x1B8B  }
0xa3: {  	_ =	swait.ge [sflag:s23], $0x1  }
0xa4: {  	[sflag:s23] =	ssyncset.done $0x0  }
0xa5: {  	s25 =	simm.s32 $0x1B8E;
	s24 =	sld [smem:$0x3FFE];
	[sflag:s23] =	ssyncadd.s32 $0xFFFFFFFF  }
0xa6: {  	s26 =	simm.s32 $execute0_lowered;
	[smem:$0x3FD2] =	sst s25  }
0xa7: {  	s6 =	sshll.u32 s26, $0x1;
	_ =	strace $0x8000004C;
	[dreg:$0x1] =	wrdreg $0xFFFFFFFF  }
0xa8: {  	s28 =	simm.s32 $_size_execute0_lowered;
	s4 =	sadd.s32 s4, s6;
	[dreg:$0x0] =	wrdreg $0x0  }
0xa9: {  	s6 =	sshll.u32 s28, $0x1;
	[dreg:$0x2] =	wrdreg s4  }
0xaa: {  	[dreg:$0x3] =	wrdreg s6  }
0xab: {  	[dreg:$0x4] =	wrdreg $0xC0  }
0xac: {  	_ =	task [dreg:s8], $0x5FFFF  }
0xad: {  	[dreg:$0x1] =	wrdreg $0xFFFFFFFF  }
0xae: {  	[dreg:$0x0] =	wrdreg $0x60  }
0xaf: {  	[dreg:$0x2] =	wrdreg s18  }
0xb0: {  	[dreg:$0x3] =	wrdreg s2  }
0xb1: {  	[dreg:$0x4] =	wrdreg s24  }
0xb2: {  	[dreg:$0x5] =	wrdreg $0x84000  }
0xb3: {  	[dreg:$0x6] =	wrdreg $0x9  }
0xb4: {  	_ =	task.clear_ibuf [dreg:s8], $0x7FFFF;
	_ =	strace $0x9000004C  }
0xb5: {  	s29 =	simm.s32 $0x9;
	_ =	strace $0x8000004E  }
0xb6: {  	_ =	swait.ge [sflag:s29], $0x1  }
0xb7: {  	[sflag:s29] =	ssyncadd.s32 $0xFFFFFFFF  }
0xb8: {  	_ =	strace $0x9000004E  }
0xb9: {  	_ =	sfence  }
0xba: {  	s30 =	sld [smem:$0x0];
	_ =	sdelay $0x2  }
0xbb: {  	s31 =	sshll.u32 s1, $0xD;
	s1 =	sshrl.u32 s1, $0x2  }
0xbc: {  	s3 =	sand.u32 $0x4000, s31;
	s1 =	sadd.s32 s1, s30  }
0xbd: {  	s0 =	sor.u32 s3, s0;
	s1 =	sshll.u32 s1, $0x11  }
0xbe: {  	s0 =	sor.u32 s1, s0  }
0xbf: {  	s0 =	sadd.s32 $0x8F2B, s0  }
0xc0: {  	[sflag:s0] =	ssyncadd.remote.s32 $0x1  }
0xc1: {  	_ =	sfence.sel $0xFFFF  }
0xc2: {  	[dreg:$0x0] =	wrdreg $0xFFFFFFFF;
	(pc) =	sbr.abs _section_cstart, $3  }
0xc3: {  	[dreg:$0x1] =	wrdreg $0xFFFFFFFF  }
0xc4: {  	_ =	task.clear_ibuf [dreg:s8], $0x2FFFF;
	_ =	strace $0x9FFFFFFF  }
0xc5: {  	(tm) =	ssettm $0x7FFFFFFF  }
tec
execute0_lowered:
.L_overlay_start_1:
0x0: {  	(tag) =	ssettag $0x1  }
0x1: {  	s1 =	rddreg [dreg:$0x0]  }
0x2: {  	s0 =	rddreg [dreg:$0x1]  }
0x3: {  	s5 =	rddreg [dreg:$0x2]  }
0x4: {  	s3 =	rddreg [dreg:$0x3];
	s2 =	stileid.u32  }
0x5: {  	s4 =	simm.s32 $0x0;
	s6 =	srdreg.scid;
	s24 =	smul.u32 $0x3E80, s2  }
0x6: {  	s28 =	simm.s32 $0x6;
	s29 =	simm.s32 $0x4;
	s25 =	smul.u32 $0x7D000, s2  }
0x7: {  	[smem:$0x7FF] =	sst s4;
	s6 =	sand.u32 $0x1, s6;
	s14 =	smul.u32 $0x4C, s2  }
0x8: {  	s30 =	simm.s32 $0x0;
	_ =	strace $0x8000004D;
	s7 =	smul.u32 $0x27100, s6  }
0x9: {  	s8 =	sshll.u32 s6, $0x4;
	s10 =	ssub.s32 $0x2, s6;
	s31 =	smul.u32 $0x4C0, s6  }
0xa: {  	s9 =	sadd.s32 s24, s5;
	s8 =	sor.u32 s2, s8;
	s21 =	sshrl.u32 s10, $0x1  }
0xb: {  	s16 =	sshrl.u32 s25, $0x2;
	s11 =	sadd.s32 s7, s5;
	s22 =	smin.u32 s8, $0x11  }
0xc: {  	s12 =	ssub.s32 s10, s21;
	s23 =	smul.u32 $0x4C, s8;
	p0 =	slt.u32 s8, $0x11  }
0xd: {  	s5 =	simm.s32 $0x50;
	s15 =	sadd.s32 s16, s3;
	s18 =	sadd.s32 $0x3000, s9  }
0xe: {  	s14 =	sadd.s32 s14, s31;
	s16 =	simm.s32 $0x200;
	s31 =	simm.s32 $0x380  }
0xf: {  	s13 =	sshll.u32 s22, $0x2;
	s5 =	simm.s32 @!p0 $0x4C;
	[dreg:$0xa] =	wrdreg s18  }
0x10: {  	s25 =	sadd.s32 $0x2A200, s11;
	s11 =	smax.u32 s12, $0x1;
	p0 =	sgt.u32 s2, $0x9  }
0x11: {  	s18 =	simm.s32 $0x1;
	[dreg:$0x9] =	wrdreg s31;
	s26 =	sadd.s32 s23, s13  }
0x12: {  	s13 =	sadd.s32 s13, s14;
	s22 =	sshll.u32 s5, $0x5;
	s14 =	sshrl.u32 @!p0 s15, $0x3  }
0x13: {  	s15 =	simm.s32 $0x100;
	s23 =	simm.s32 $0x180;
	s24 =	sadd.s32 @!p0 s24, s25  }
0x14: {  	s25 =	simm.s32 $0x7;
	s17 =	sshll.u32 s26, $0x5;
	[dreg:$0x5] =	wrdreg s22  }
0x15: {  	s13 =	sshll.u32 s13, $0x5;
	[dreg:$0x7] =	wrdreg s23;
	s26 =	simm.s32 $0x280  }
0x16: {  	s22 =	simm.s32 $0x4400;
	s23 =	simm.s32 $0x5;
	s7 =	sadd.s32 s0, s17  }
0x17: {  	s0 =	sadd.s32 s0, s13;
	[dreg:$0x8] =	wrdreg s26;
	s19 =	sadd.s32 $0x20, s7  }
0x18: {  	s13 =	sshll.u32 @!p0 s2, $0x6;
	s20 =	sadd.s32 $0x40, s7;
	[dreg:$0xb] =	wrdreg s19  }
0x19: {  	s17 =	simm.s32 $0x300;
	s21 =	sadd.s32 $0x60, s7;
	[dreg:$0xc] =	wrdreg s20  }
0x1a: {  	s12 =	sadd.s32 $0x80, s0;
	s0 =	sadd.s32 $0xC0, s0;
	[dreg:$0xd] =	wrdreg s21  }
0x1b: {  	s26 =	simm.s32 $0x3;
	s13 =	sor.u32 @!p0 $0x1C07, s13;
	[dreg:$0x6] =	wrdreg s0  }
0x1c: {  	s19 =	simm.s32 $0x80;
	s20 =	simm.s32 $0x400;
	s21 =	simm.s32 $0x2  }
.LBB2_1:
0x1d: {  	s0 =	rddreg [dreg:$0xa]  }
0x1e: {  	[spmem:s14], [sflag:s13] =	dma.local @!p0 [hbm:s0], $0x3E80  }
0x1f: {  	s0 =	simm.s32 @!p0 $0x7  }
0x20: {  	_ =	swait.ge @!p0 [sflag:s0], $0x3E80  }
0x21: {  	[sflag:s0] =	ssyncset.done @!p0 $0x0  }
0x22: {  	[sflag:s0] =	ssyncadd.s32 @!p0 $0xFFFFC180  }
0x23: {  	[bflag:$0x0] =	sbarrier.arrive $0xFFFF  }
0x24: {  	[tilespmem:s4], [sflag:$0x1] =	stream.linear.gather [hbm4b:s7+s4], $0x100, $0x38;
	[tilespmem:$0x1BC80] =	vst v63  }
0x25: {  	s8 =	rddreg [dreg:$0xb]  }
0x26: {  	[tilespmem:s15], [sflag:$0x2] =	stream.linear.gather [hbm4b:s8+s4], $0x100, $0x38;
	[tilespmem:$0x1BC80] =	vst v63  }
0x27: {  	s9 =	rddreg [dreg:$0xc]  }
0x28: {  	[tilespmem:s16], [sflag:$0x3] =	stream.linear.gather [hbm4b:s9+s4], $0x100, $0x38;
	[tilespmem:$0x1BC80] =	vst v63  }
0x29: {  	s10 =	rddreg [dreg:$0xd]  }
0x2a: {  	[tilespmem:s17], [sflag:$0x4] =	stream.linear.gather [hbm4b:s10+s4], $0x100, $0x38;
	[tilespmem:$0x1BC80] =	vst v63  }
0x2b: {  	_ =	swait.ge [sflag:s18], $0x100  }
0x2c: {  	[sflag:s18] =	ssyncset.done $0x0  }
0x2d: {  	[sflag:s18] =	ssyncadd.s32 $0xFFFFFF00  }
0x2e: {  	[tilespmem:s20], [sflag:$0x5] =	stream.indirect.gather [hbm4b:s1+s19], $0x80, s4, s19, $0xb8;
	[tilespmem:$0x1BC80] =	vst v63  }
0x2f: {  	_ =	swait.ge [sflag:s21], $0x100  }
0x30: {  	[sflag:s21] =	ssyncset.done $0x0  }
0x31: {  	s31 =	simm.s32 $0x4;
	s0 =	simm.s32 $0x0;
	[sflag:s21] =	ssyncadd.s32 $0xFFFFFF00  }
0x32: {  	[tilespmem:s22], [sflag:$0x6] =	stream.indirect.gather [hbm4b:s1+s19], $0x80, s15, s19, $0xb8;
	[tilespmem:$0x1BC80] =	vst v63  }
.LBB2_2:
0x33: {  	_ =	swait.ge [sflag:s23], $0x4000  }
0x34: {  	[sflag:s23] =	ssyncset.done $0x0  }
0x35: {  	[sflag:s23] =	ssyncadd.s32 $0xFFFFC000  }
0x36: {  	[spmem:s3] =	stream.indirect.scatter.add.f32 [tilespmem:s20], [sflag:$0x7], $0x80, s19, s19, $0xb8;
	[tilespmem:$0x1BC80] =	vst v63  }
0x37: {  	_ =	swait.ge [sflag:s25], $0x4000  }
0x38: {  	p2 =	sge.u32 s31, s5;
	[sflag:s25] =	ssyncset.done $0x0  }
0x39: {  	s2 =	sadd.s32 @!p2 s0, s12;
	s6 =	simm.s32 @!p2 $0x0;
	[sflag:s25] =	ssyncadd.s32 $0xFFFFC000  }
0x3a: {  	[tilespmem:s6], [sflag:$0x1] =	stream.linear.gather @!p2 [hbm4b:s2+s6], $0x100, $0x38;
	[tilespmem:$0x1BC80] =	vst v63  }
0x3b: {  	_ =	swait.ge [sflag:s26], $0x100  }
0x3c: {  	[sflag:s26] =	ssyncset.done $0x0  }
0x3d: {  	[sflag:s26] =	ssyncadd.s32 $0xFFFFFF00  }
0x3e: {  	[tilespmem:s20], [sflag:$0x5] =	stream.indirect.gather [hbm4b:s1+s19], $0x80, s16, s19, $0xb8;
	[tilespmem:$0x1BC80] =	vst v63  }
0x3f: {  	_ =	swait.ge [sflag:s28], $0x4000  }
0x40: {  	[sflag:s28] =	ssyncset.done $0x0  }
0x41: {  	s10 =	sadd.s32 $0x1, s31;
	s9 =	rddreg [dreg:$0x7];
	[sflag:s28] =	ssyncadd.s32 $0xFFFFC000  }
0x42: {  	[spmem:s3] =	stream.indirect.scatter.add.f32 [tilespmem:s22], [sflag:$0x7], $0x80, s9, s19, $0xb8;
	[tilespmem:$0x1BC80] =	vst v63  }
0x43: {  	p1 =	sge.u32 s10, s5;
	_ =	swait.ge [sflag:s25], $0x4000  }
0x44: {  	s8 =	simm.s32 @!p1 $0x0;
	s2 =	sadd.s32 @!p1 s0, s12;
	[sflag:s25] =	ssyncset.done $0x0  }
0x45: {  	s2 =	sadd.s32 @!p1 $0x20, s2;
	s9 =	simm.s32 @!p1 $0x100;
	[sflag:s25] =	ssyncadd.s32 $0xFFFFC000  }
0x46: {  	[tilespmem:s9], [sflag:$0x2] =	stream.linear.gather @!p1 [hbm4b:s2+s8], $0x100, $0x38;
	[tilespmem:$0x1BC80] =	vst v63  }
0x47: {  	_ =	swait.ge [sflag:s29], $0x100  }
0x48: {  	[sflag:s29] =	ssyncset.done $0x0  }
0x49: {  	[sflag:s29] =	ssyncadd.s32 $0xFFFFFF00  }
0x4a: {  	[tilespmem:s22], [sflag:$0x6] =	stream.indirect.gather [hbm4b:s1+s19], $0x80, s17, s19, $0xb8;
	[tilespmem:$0x1BC80] =	vst v63  }
0x4b: {  	_ =	swait.ge [sflag:s23], $0x4000  }
0x4c: {  	[sflag:s23] =	ssyncset.done $0x0  }
0x4d: {  	s10 =	sadd.s32 $0x2, s31;
	s8 =	rddreg [dreg:$0x8];
	[sflag:s23] =	ssyncadd.s32 $0xFFFFC000  }
0x4e: {  	[spmem:s3] =	stream.indirect.scatter.add.f32 [tilespmem:s20], [sflag:$0x7], $0x80, s8, s19, $0xb8;
	[tilespmem:$0x1BC80] =	vst v63  }
0x4f: {  	p3 =	sge.u32 s10, s5;
	_ =	swait.ge [sflag:s25], $0x4000  }
0x50: {  	s10 =	simm.s32 @!p3 $0x200;
	s2 =	rddreg [dreg:$0x6];
	[sflag:s25] =	ssyncset.done $0x0  }
0x51: {  	s8 =	simm.s32 @!p3 $0x0;
	[sflag:s25] =	ssyncadd.s32 $0xFFFFC000;
	s2 =	sadd.s32 @!p3 s0, s2  }
0x52: {  	[tilespmem:s10], [sflag:$0x3] =	stream.linear.gather @!p3 [hbm4b:s2+s8], $0x100, $0x38;
	[tilespmem:$0x1BC80] =	vst v63  }
0x53: {  	s2 =	simm.s32 @!p2 $0x1  }
0x54: {  	_ =	swait.ge @!p2 [sflag:s2], $0x100  }
0x55: {  	[sflag:s2] =	ssyncset.done @!p2 $0x0  }
0x56: {  	s8 =	simm.s32 @!p2 $0x400;
	[sflag:s2] =	ssyncadd.s32 @!p2 $0xFFFFFF00;
	s2 =	simm.s32 @!p2 $0x80  }
0x57: {  	[tilespmem:s8], [sflag:$0x5] =	stream.indirect.gather @!p2 [hbm4b:s1+s2], $0x80, s6, s2, $0xb8;
	[tilespmem:$0x1BC80] =	vst v63  }
0x58: {  	_ =	swait.ge [sflag:s28], $0x4000  }
0x59: {  	[sflag:s28] =	ssyncset.done $0x0  }
0x5a: {  	s8 =	sadd.s32 $0x3, s31;
	s6 =	rddreg [dreg:$0x9];
	[sflag:s28] =	ssyncadd.s32 $0xFFFFC000  }
0x5b: {  	[spmem:s3] =	stream.indirect.scatter.add.f32 [tilespmem:s22], [sflag:$0x7], $0x80, s6, s19, $0xb8;
	[tilespmem:$0x1BC80] =	vst v63  }
0x5c: {  	p2 =	sge.u32 s8, s5;
	_ =	swait.ge [sflag:s25], $0x4000  }
0x5d: {  	s2 =	sadd.s32 @!p2 s0, s12;
	s8 =	simm.s32 @!p2 $0x300;
	[sflag:s25] =	ssyncset.done $0x0  }
0x5e: {  	s2 =	sadd.s32 @!p2 $0x60, s2;
	s6 =	simm.s32 @!p2 $0x0;
	[sflag:s25] =	ssyncadd.s32 $0xFFFFC000  }
0x5f: {  	[tilespmem:s8], [sflag:$0x4] =	stream.linear.gather @!p2 [hbm4b:s2+s6], $0x100, $0x38;
	[tilespmem:$0x1BC80] =	vst v63  }
0x60: {  	s2 =	simm.s32 @!p1 $0x2  }
0x61: {  	_ =	swait.ge @!p1 [sflag:s2], $0x100  }
0x62: {  	s0 =	sadd.s32 $0x80, s0;
	s6 =	simm.s32 @!p1 $0x4400;
	[sflag:s2] =	ssyncset.done @!p1 $0x0  }
0x63: {  	s10 =	rddreg [dreg:$0x5];
	[sflag:s2] =	ssyncadd.s32 @!p1 $0xFFFFFF00;
	s2 =	simm.s32 @!p1 $0x80  }
0x64: {  	[tilespmem:s6], [sflag:$0x6] =	stream.indirect.gather @!p1 [hbm4b:s1+s2], $0x80, s9, s2, $0xb8;
	[tilespmem:$0x1BC80] =	vst v63  }
0x65: {  	p1 =	sne.s32 s10, s0  }
.Ltmp0:
0x66: {  	_ = 	snop;
	(pc) =	sbr.rel @p1 .LBB2_2-.Ltmp0, $2  }
0x67: {  	_ =	sdelay $0x2  }
0x68: {  	s31 =	sadd.s32 $0x4, s31  }
0x69: {  	s30 =	sadd.s32 $0x1, s30  }
0x6a: {  	p1 =	sne.s32 s30, s11  }
.Ltmp1:
0x6b: {  	[bflag:$0x0] =	sbarrier.arrive $0xFFFF;
	s0 =	simm.s32 @!p0 $0x7;
	(pc) =	sbr.rel @p1 .LBB2_1-.Ltmp1, $4  }
0x6c: {  	[hbm:s24], [sflag:s13] =	dma.local @!p0 [spmem:s14], $0x3E80  }
0x6d: {  	_ =	swait.ge @!p0 [sflag:s0], $0x3E80  }
0x6e: {  	[sflag:s0] =	ssyncset.done @!p0 $0x0  }
0x6f: {  	[sflag:s0] =	ssyncadd.s32 @!p0 $0xFFFFC180  }
0x70: {  	_ =	sfence.sel $0x180000  }
0x71: {  	[bflag:$0x0] =	sbarrier.arrive $0xFFFF  }
0x72: {  	_ =	strace $0x9000004D  }
0x73: {  	s0 =	stileid.u32;
	[bflag:$0x2] =	sbarrier.arrive $0xFFFF  }
0x74: {  	p0 =	sne.s32 s0, $0x0;
	s0 =	rddreg [dreg:$0x4]  }
0x75: {  	s0 =	sadd.s32 @!p0 $0x100000, s0  }
0x76: {  	[sflag:s0] =	ssyncadd.tile.s32 @!p0 $0x1;
	_ =	shalt  }
.Lfunc_end2:
_tile_overlayer_lowered:
.L_overlay_start_2:
0x77: {  	(tag) =	ssettag $0x2  }
0x78: {  	s0 =	rddreg [dreg:$0x0];
	s2 =	stileid.u32  }
0x79: {  	s1 =	rddreg [dreg:$0x1];
	p0 =	sne.s32 s2, $0x0  }
0x7a: {  	s3 =	rddreg [dreg:$0x2];
	[bflag:$0x3] =	sbarrier.arrive $0xFFFF;
	s2 =	simm.s32 @!p0 $0x1C07  }
0x7b: {  	[timem:s3], [sflag:s2] =	dma.local @!p0 [hbm:s0], s1  }
0x7c: {  	s0 =	simm.s32 @!p0 $0x7  }
0x7d: {  	_ =	swait.ge @!p0 [sflag:s0], s1  }
0x7e: {  	s1 =	ssub.s32 @!p0 $0x0, s1;
	[sflag:s0] =	ssyncset.done @!p0 $0x0  }
0x7f: {  	[sflag:s0] =	ssyncadd.s32 @!p0 s1  }
0x80: {  	[bflag:$0x3] =	sbarrier.arrive $0xFFFF  }
0x81: {  	_ =	shalt  }

// kernel: kernel.9.cloned.1.call-start
scs
__scs_entry_jumppad:
0x0: {  	(pc) =	sbr.rel $0x88, $3  }
0x1: {  	(tag) =	ssettag $0x0;
	lr =	simm.s32 $0x1  }
0x2: {  	[smem:$0x3F96] =	sst lr;
	_ =	strace $0xD0000000  }
0x3: {  	_ = 	snop  }
0x4: {  	_ = 	snop  }
0x5: {  	_ = 	snop  }
0x6: {  	_ = 	snop  }
0x7: {  	_ = 	snop  }
__scs_overlays_trampoline_lowered:
0x8: {  	[smem:$0x3FA5] =	sst s0  }
0x9: {  	[smem:$0x3FA6] =	sst s1  }
0xa: {  	[smem:$0x3FA7] =	sst s2  }
0xb: {  	[smem:$0x3FA8] =	sst s3  }
0xc: {  	[smem:$0x3FA9] =	sst s4  }
0xd: {  	[smem:$0x3FAA] =	sst s5  }
0xe: {  	[smem:$0x3FAB] =	sst s6  }
0xf: {  	[smem:$0x3FAC] =	sst s7  }
0x10: {  	[smem:$0x3FAD] =	sst s8  }
0x11: {  	[smem:$0x3FAE] =	sst s9;
	s0 =	simm.s32 @!p0 $0x0  }
0x12: {  	s1 =	sld [smem:$0x3F94];
	s0 =	simm.s32 @p0 $0x1  }
0x13: {  	[smem:$0x3FAF] =	sst s0;
	s0 =	simm.s32 @!p1 $0x0  }
0x14: {  	s2 =	sld [smem:$0x3F93];
	s0 =	simm.s32 @p1 $0x1  }
0x15: {  	[smem:$0x3FB0] =	sst s0;
	s0 =	simm.s32 @!p2 $0x0  }
0x16: {  	s3 =	sld [smem:$0x3FDB];
	s0 =	simm.s32 @p2 $0x1  }
0x17: {  	s4 =	simm.s32 $0x1BF5;
	[smem:$0x3FB2] =	sst s0  }
0x18: {  	s0 =	sld [smem:$0x3F95];
	_ =	swait.ge [sflag:s4], $0x0  }
0x19: {  	s7 =	sld [smem:$0x3F96]  }
0x1a: {  	s8 =	sadd.s32 $0xFFFFE003, lr  }
0x1b: {  	s9 =	sadd.s32 $0xFFFFFEF7, lr;
	s5 =	simm.s32 $0xFFFFFFFF;
	p2 =	slt.u32 s8, $0xFFFFF086  }
0x1c: {  	p1 =	slt.u32 s9, $0xF7A;
	s5 =	simm.s32 @!p2 $0x0  }
0x1d: {  	s5 =	simm.s32 @p1 $0x1;
	p0 =	seq.s32 s7, s2  }
0x1e: {  	s7 =	smul.u32 @!p0 $0xF7A, s2;
	p2 =	seq.s32 @!p0 s5, $0x0  }
0x1f: {  	s9 =	smul.u32 $0xF7A, s1;
	s8 =	simm.s32 @!p0 $0x1BF5;
	p2 =	por !p2, p0  }
0x20: {  	[sflag:s8] =	ssyncset.s32 @!p0 $0xFFFFF086;
	s6 =	sadd.s32 @!p0 s3, s7;
	s7 =	simm.s32 @!p0 $0x108  }
0x21: {  	s3 =	sadd.s32 s3, s9;
	s6 =	sadd.s32 @!p0 $0x88, s6;
	s7 =	simm.s32 @p2 $0x1082  }
0x22: {  	[simem:s7], [sflag:s8] =	dma.local @!p0 [hbm:s6], $0xF7A  }
0x23: {  	s9 =	sor.u32 $0xD0000000, s2;
	s6 =	simm.s32 $0x108;
	_ =	swait.ge @!p0 [sflag:s8], $0x0  }
0x24: {  	s3 =	sadd.s32 $0x88, s3;
	s6 =	simm.s32 @!p1 $0x1082;
	[sflag:s4] =	ssyncset.s32 $0xFFFFF086  }
0x25: {  	[simem:s6], [sflag:s4] =	dma.local [hbm:s3], $0xF7A  }
0x26: {  	[smem:$0x3F96] =	sst s1;
	(tag) =	ssettag s2;
	_ =	strace s9  }
0x27: {  	s1 =	sld [smem:$0x3FA6]  }
0x28: {  	s2 =	sld [smem:$0x3FA7]  }
0x29: {  	s4 =	sld [smem:$0x3FA9]  }
0x2a: {  	p0 =	seq.s32 s5, $0x0;
	s5 =	sld [smem:$0x3FAA]  }
0x2b: {  	s6 =	sld [smem:$0x3FAB]  }
0x2c: {  	s7 =	sld [smem:$0x3FAC]  }
0x2d: {  	s3 =	simm.s32 $0x108;
	s8 =	sld [smem:$0x3FAD]  }
0x2e: {  	s3 =	simm.s32 @!p0 $0x1082;
	s9 =	sld [smem:$0x3FAE]  }
0x2f: {  	lr =	sadd.s32 s0, s3;
	s0 =	sld [smem:$0x3FA5]  }
0x30: {  	s3 =	sld [smem:$0x3FA8]  }
0x31: {  	[smem:$0x3FB1] =	sst s10  }
0x32: {  	s10 =	sld [smem:$0x3FAF];
	_ =	sdelay $0x3  }
0x33: {  	p0 =	seq.s32 s10, $0x1;
	s10 =	sld [smem:$0x3FB1];
	_ =	sdelay $0x3  }
0x34: {  	[smem:$0x3FB1] =	sst s10  }
0x35: {  	s10 =	sld [smem:$0x3FB0];
	_ =	sdelay $0x3  }
0x36: {  	p1 =	seq.s32 s10, $0x1;
	s10 =	sld [smem:$0x3FB1];
	_ =	sdelay $0x3  }
0x37: {  	[smem:$0x3FB1] =	sst s10  }
0x38: {  	s10 =	sld [smem:$0x3FB2]  }
0x39: {  	_ = 	snop;
	(pc) =	sbr.ind lr, $3  }
0x3a: {  	_ = 	snop  }
0x3b: {  	_ = 	snop  }
0x3c: {  	p2 =	seq.s32 s10, $0x1;
	s10 =	sld [smem:$0x3FB1]  }
0x3d: {  	_ =	shalt  }
0x3e: {  	_ =	shalt  }
0x3f: {  	_ =	shalt  }
0x40: {  	_ =	shalt  }
0x41: {  	_ =	shalt  }
0x42: {  	_ =	shalt  }
0x43: {  	_ =	shalt  }
0x44: {  	_ =	shalt  }
0x45: {  	_ =	shalt  }
0x46: {  	_ =	shalt  }
0x47: {  	_ =	shalt  }
0x48: {  	_ =	shalt  }
0x49: {  	_ =	shalt  }
0x4a: {  	_ =	shalt  }
0x4b: {  	_ =	shalt  }
0x4c: {  	_ =	shalt  }
0x4d: {  	_ =	shalt  }
0x4e: {  	_ =	shalt  }
0x4f: {  	_ =	shalt  }
0x50: {  	_ =	shalt  }
0x51: {  	_ =	shalt  }
0x52: {  	_ =	shalt  }
0x53: {  	_ =	shalt  }
0x54: {  	_ =	shalt  }
0x55: {  	_ =	shalt  }
0x56: {  	_ =	shalt  }
0x57: {  	_ =	shalt  }
0x58: {  	_ =	shalt  }
0x59: {  	_ =	shalt  }
0x5a: {  	_ =	shalt  }
0x5b: {  	_ =	shalt  }
0x5c: {  	_ =	shalt  }
0x5d: {  	_ =	shalt  }
0x5e: {  	_ =	shalt  }
0x5f: {  	_ =	shalt  }
0x60: {  	_ =	shalt  }
0x61: {  	_ =	shalt  }
0x62: {  	_ =	shalt  }
0x63: {  	_ =	shalt  }
0x64: {  	_ =	shalt  }
0x65: {  	_ =	shalt  }
0x66: {  	_ =	shalt  }
0x67: {  	_ =	shalt  }
0x68: {  	_ =	shalt  }
0x69: {  	_ =	shalt  }
0x6a: {  	_ =	shalt  }
0x6b: {  	_ =	shalt  }
0x6c: {  	_ =	shalt  }
0x6d: {  	_ =	shalt  }
0x6e: {  	_ =	shalt  }
0x6f: {  	_ =	shalt  }
0x70: {  	_ =	shalt  }
0x71: {  	_ =	shalt  }
0x72: {  	_ =	shalt  }
0x73: {  	_ =	shalt  }
0x74: {  	_ =	shalt  }
0x75: {  	_ =	shalt  }
0x76: {  	_ =	shalt  }
0x77: {  	_ =	shalt  }
0x78: {  	_ =	shalt  }
0x79: {  	_ =	shalt  }
0x7a: {  	_ =	shalt  }
0x7b: {  	_ =	shalt  }
0x7c: {  	_ =	shalt  }
0x7d: {  	_ =	shalt  }
0x7e: {  	_ =	shalt  }
0x7f: {  	_ =	shalt  }
0x80: {  	_ =	shalt  }
0x81: {  	_ =	shalt  }
0x82: {  	_ =	shalt  }
0x83: {  	_ =	shalt  }
0x84: {  	_ =	shalt  }
0x85: {  	_ =	shalt  }
0x86: {  	_ =	shalt  }
0x87: {  	_ =	shalt  }
.Lfunc_end0:
.L_simem_size_0:
called_computation_lowered:
.L_overlay_start_0:
0x88: {  	s2 =	sld [smem:$0x3FD9]  }
0x89: {  	s3 =	sld [smem:$0x3FFE];
	_ =	sdelay $0x1  }
0x8a: {  	s1 =	srdreg.scid  }
0x8b: {  	s0 =	sand.u32 $0x1, s1  }
0x8c: {  	s17 =	sshll.u32 s0, $0xA;
	s2 =	sadd.s32 s3, s2  }
0x8d: {  	s2 =	sadd.s32 s2, s17  }
0x8e: {  	[smem:$0x3FBD] =	sst s2  }
0x8f: {  	_ = 	snop  }
0x90: {  	s2 =	sld [smem:$0x3FC8]  }
0x91: {  	s18 =	sld [smem:$0x3FD0];
	(tm) =	ssettm $0x1  }
0x92: {  	s4 =	sld [smem:$0x3FFB];
	_ =	sdelay $0x3  }
0x93: {  	_ =	strace s4  }
0x94: {  	s4 =	sld [smem:$0x3FFC];
	_ =	sdelay $0x3  }
0x95: {  	_ =	strace s4  }
0x96: {  	s4 =	sld [smem:$0x3FFD];
	_ =	sdelay $0x3  }
0x97: {  	_ =	strace s4  }
0x98: {  	_ =	strace $0x8FFFFFFF  }
0x99: {  	s19 =	sld [smem:$0x3FDB];
	_ =	sdelay $0x1  }
0x9a: {  	s5 =	simm.s32 $_scs_section_size  }
0x9b: {  	s6 =	simm.s32 $_size__tile_overlayer_lowered;
	s7 =	simm.s32 $_tile_overlayer_lowered  }
0x9c: {  	s22 =	simm.s32 $0x1BFF;
	s21 =	sshll.u32 s7, $0x1;
	s4 =	sadd.s32 s5, s19  }
0x9d: {  	s8 =	simm.s32 $0x0;
	s20 =	sshll.u32 s6, $0x1;
	s6 =	sadd.s32 s21, s4  }
0x9e: {  	[timem:s8], [sflag:s22] =	dma.local [hbm:s6], s20  }
0x9f: {  	_ =	swait.ge [sflag:s22], s20  }
0xa0: {  	s5 =	ssub.s32 $0x0, s20;
	[sflag:s22] =	ssyncset.done $0x0  }
0xa1: {  	[sflag:s22] =	ssyncadd.s32 s5;
	_ =	sdelay $0x1  }
0xa2: {  	s23 =	simm.s32 $0x1B8B  }
0xa3: {  	_ =	swait.ge [sflag:s23], $0x1  }
0xa4: {  	[sflag:s23] =	ssyncset.done $0x0  }
0xa5: {  	s25 =	simm.s32 $0x1B8E;
	s24 =	sld [smem:$0x3FFE];
	[sflag:s23] =	ssyncadd.s32 $0xFFFFFFFF  }
0xa6: {  	s26 =	simm.s32 $execute0_lowered;
	[smem:$0x3FD2] =	sst s25  }
0xa7: {  	s6 =	sshll.u32 s26, $0x1;
	_ =	strace $0x80000046;
	[dreg:$0x1] =	wrdreg $0xFFFFFFFF  }
0xa8: {  	s28 =	simm.s32 $_size_execute0_lowered;
	s4 =	sadd.s32 s4, s6;
	[dreg:$0x0] =	wrdreg $0x0  }
0xa9: {  	s6 =	sshll.u32 s28, $0x1;
	[dreg:$0x2] =	wrdreg s4  }
0xaa: {  	[dreg:$0x3] =	wrdreg s6  }
0xab: {  	[dreg:$0x4] =	wrdreg $0xC0  }
0xac: {  	_ =	task [dreg:s8], $0x5FFFF  }
0xad: {  	[dreg:$0x1] =	wrdreg $0xFFFFFFFF  }
0xae: {  	[dreg:$0x0] =	wrdreg $0x60  }
0xaf: {  	[dreg:$0x2] =	wrdreg s2  }
0xb0: {  	[dreg:$0x3] =	wrdreg s24  }
0xb1: {  	[dreg:$0x4] =	wrdreg s18  }
0xb2: {  	[dreg:$0x5] =	wrdreg $0x50800  }
0xb3: {  	[dreg:$0x6] =	wrdreg $0x9  }
0xb4: {  	_ =	task.clear_ibuf [dreg:s8], $0x7FFFF;
	_ =	strace $0x90000046  }
0xb5: {  	s29 =	simm.s32 $0x9;
	_ =	strace $0x80000048  }
0xb6: {  	_ =	swait.ge [sflag:s29], $0x1  }
0xb7: {  	[sflag:s29] =	ssyncadd.s32 $0xFFFFFFFF  }
0xb8: {  	_ =	strace $0x90000048  }
0xb9: {  	_ =	sfence  }
0xba: {  	s30 =	sld [smem:$0x0];
	_ =	sdelay $0x2  }
0xbb: {  	s31 =	sshll.u32 s1, $0xD;
	s1 =	sshrl.u32 s1, $0x2  }
0xbc: {  	s3 =	sand.u32 $0x4000, s31;
	s1 =	sadd.s32 s1, s30  }
0xbd: {  	s0 =	sor.u32 s3, s0;
	s1 =	sshll.u32 s1, $0x11  }
0xbe: {  	s0 =	sor.u32 s1, s0  }
0xbf: {  	s0 =	sadd.s32 $0x8F2B, s0  }
0xc0: {  	[sflag:s0] =	ssyncadd.remote.s32 $0x1  }
0xc1: {  	_ =	sfence.sel $0xFFFF  }
0xc2: {  	[dreg:$0x0] =	wrdreg $0xFFFFFFFF;
	(pc) =	sbr.abs _section_cstart, $3  }
0xc3: {  	[dreg:$0x1] =	wrdreg $0xFFFFFFFF  }
0xc4: {  	_ =	task.clear_ibuf [dreg:s8], $0x2FFFF;
	_ =	strace $0x9FFFFFFF  }
0xc5: {  	(tm) =	ssettm $0x7FFFFFFF  }
tec
execute0_lowered:
.L_overlay_start_1:
0x0: {  	(tag) =	ssettag $0x1  }
0x1: {  	s6 =	rddreg [dreg:$0x0]  }
0x2: {  	s5 =	rddreg [dreg:$0x1]  }
0x3: {  	s8 =	rddreg [dreg:$0x2]  }
0x4: {  	s2 =	rddreg [dreg:$0x3]  }
0x5: {  	s0 =	rddreg [dreg:$0x4]  }
0x6: {  	s1 =	stileid.u32;
	s3 =	simm.s32 $0x0;
	s4 =	srdreg.scid  }
0x7: {  	s7 =	smul.u32 $0x280, s1;
	[smem:$0x7FF] =	sst s3;
	s9 =	sand.u32 $0x1, s4  }
0x8: {  	s4 =	sadd.s32 $0x3000, s5;
	s24 =	smul.u32 $0x4C, s1;
	s31 =	sshll.u32 s1, $0x6  }
0x9: {  	_ =	strace $0x80000047;
	s10 =	sshll.u32 s9, $0x4;
	s16 =	smul.u32 $0x4C0, s9  }
0xa: {  	s23 =	ssub.s32 $0x2, s9;
	s9 =	smul.u32 $0x500, s9;
	s15 =	sshrl.u32 s7, $0x3  }
0xb: {  	s22 =	sor.u32 s1, s10;
	s14 =	sshrl.u32 s23, $0x1;
	s26 =	sadd.s32 s7, s2  }
0xc: {  	s11 =	sadd.s32 s15, s5;
	s12 =	smul.u32 $0x4C, s22;
	s13 =	smin.u32 s22, $0x11  }
0xd: {  	s10 =	ssub.s32 s23, s14;
	p0 =	slt.u32 s22, $0x11;
	s5 =	simm.s32 $0x50  }
0xe: {  	s14 =	sadd.s32 s24, s16;
	s29 =	sadd.s32 s8, s9;
	s16 =	simm.s32 $0x0  }
0xf: {  	s13 =	sshll.u32 s13, $0x2;
	s5 =	simm.s32 @!p0 $0x4C;
	s7 =	sadd.s32 $0x3200, s11  }
0x10: {  	s8 =	smax.u32 s10, $0x1;
	s10 =	simm.s32 $0x5000;
	s11 =	simm.s32 $0x1  }
0x11: {  	s15 =	sadd.s32 s15, s29;
	s12 =	sadd.s32 s12, s13;
	s25 =	sadd.s32 s13, s14  }
0x12: {  	s13 =	sshrl.u32 s26, $0x3;
	s12 =	smin.u32 s12, $0x974;
	s28 =	smax.u32 s25, $0x974  }
0x13: {  	s14 =	simm.s32 $0x80;
	s12 =	sshll.u32 s12, $0x5;
	s30 =	sshll.u32 s28, $0x8  }
0x14: {  	s6 =	sadd.s32 s6, s12;
	s9 =	sadd.s32 $0xFFF68C80, s30;
	s12 =	sor.u32 $0x1C01, s31  }
.LBB2_1:
0x15: {  	[tilespmem:s10], [sflag:$0x1] =	stream.linear.gather [hbm4b:s4+s3], $0x80, $0x38;
	[tilespmem:$0x5300] =	vst v63  }
0x16: {  	_ =	swait.ge [sflag:s11], $0x80  }
0x17: {  	[sflag:s11] =	ssyncset.done $0x0  }
0x18: {  	[sflag:s11] =	ssyncadd.s32 $0xFFFFFF80  }
0x19: {  	[tilespmem:s3], [sflag:$0x1] =	stream.linear.gather [hbm4b:s6+s3], $0x5000, $0x38;
	[tilespmem:$0x5300] =	vst v63  }
0x1a: {  	_ =	swait.ge [sflag:s11], $0x5000  }
0x1b: {  	[sflag:s11] =	ssyncset.done $0x0  }
0x1c: {  	[sflag:s11] =	ssyncadd.s32 $0xFFFFB000  }
0x1d: {  	[spmem:s13], [sflag:s12] =	dma.local [hbm:s7], $0x50  }
0x1e: {  	_ =	swait.ge [sflag:s11], $0x50  }
0x1f: {  	p0 =	sne.s32 s5, $0x1;
	[sflag:s11] =	ssyncset.done $0x0  }
.Ltmp0:
0x20: {  	[sflag:s11] =	ssyncadd.s32 $0xFFFFFFB0;
	(pc) =	sbr.rel @!p0 .LBB2_3-.Ltmp0, $4  }
0x21: {  	[bflag:$0x0] =	sbarrier.arrive $0xFFFF  }
0x22: {  	[spmem:s2] =	stream.indirect.scatter.add.f32 [tilespmem:s10], [sflag:$0x1], $0x1, s9, s14, $0xb8;
	[tilespmem:$0x5300] =	vst v63  }
0x23: {  	_ =	swait.ge [sflag:s11], $0x80  }
0x24: {  	s17 =	sadd.s32 $0xFFFFFFFF, s5;
	s18 =	smov.u32 s9;
	[sflag:s11] =	ssyncset.done $0x0  }
.LBB2_2:
0x25: {  	p0 =	sne.s32 s17, $0x1;
	[sflag:s11] =	ssyncadd.s32 $0xFFFFFF80;
	s18 =	sadd.s32 $0x100, s18  }
.Ltmp1:
0x26: {  	s17 =	sadd.s32 $0xFFFFFFFF, s17;
	(pc) =	sbr.rel @p0 .LBB2_2-.Ltmp1, $4  }
0x27: {  	_ = 	snop  }
0x28: {  	[spmem:s2] =	stream.indirect.scatter.add.f32 [tilespmem:s10], [sflag:$0x1], $0x1, s18, s14, $0xb8;
	[tilespmem:$0x5300] =	vst v63  }
0x29: {  	_ =	swait.ge [sflag:s11], $0x80  }
0x2a: {  	[sflag:s11] =	ssyncset.done $0x0  }
.LBB2_3:
0x2b: {  	s16 =	sadd.s32 $0x1, s16  }
0x2c: {  	[sflag:s11] =	ssyncadd.s32 $0xFFFFFF80;
	p0 =	sne.s32 s16, s8  }
.Ltmp2:
0x2d: {  	[bflag:$0x0] =	sbarrier.arrive $0xFFFF;
	(pc) =	sbr.rel @p0 .LBB2_1-.Ltmp2, $4  }
0x2e: {  	[hbm:s15], [sflag:s12] =	dma.local [spmem:s13], $0x50  }
0x2f: {  	_ =	swait.ge [sflag:s11], $0x50  }
0x30: {  	[sflag:s11] =	ssyncset.done $0x0  }
0x31: {  	[sflag:s11] =	ssyncadd.s32 $0xFFFFFFB0  }
0x32: {  	_ =	sfence.sel $0x180000  }
0x33: {  	[bflag:$0x0] =	sbarrier.arrive $0xFFFF  }
0x34: {  	p0 =	sne.s32 s1, $0x0;
	_ =	strace $0x90000047  }
0x35: {  	s0 =	sadd.s32 @!p0 $0x100000, s0;
	[bflag:$0x2] =	sbarrier.arrive $0xFFFF  }
0x36: {  	[sflag:s0] =	ssyncadd.tile.s32 @!p0 $0x1;
	_ =	shalt  }
.Lfunc_end2:
_tile_overlayer_lowered:
.L_overlay_start_2:
0x37: {  	(tag) =	ssettag $0x2  }
0x38: {  	s0 =	rddreg [dreg:$0x0];
	s2 =	stileid.u32  }
0x39: {  	s1 =	rddreg [dreg:$0x1];
	p0 =	sne.s32 s2, $0x0  }
0x3a: {  	s3 =	rddreg [dreg:$0x2];
	[bflag:$0x3] =	sbarrier.arrive $0xFFFF;
	s2 =	simm.s32 @!p0 $0x1C01  }
0x3b: {  	[timem:s3], [sflag:s2] =	dma.local @!p0 [hbm:s0], s1  }
0x3c: {  	s0 =	simm.s32 @!p0 $0x1  }
0x3d: {  	_ =	swait.ge @!p0 [sflag:s0], s1  }
0x3e: {  	s1 =	ssub.s32 @!p0 $0x0, s1;
	[sflag:s0] =	ssyncset.done @!p0 $0x0  }
0x3f: {  	[sflag:s0] =	ssyncadd.s32 @!p0 s1  }
0x40: {  	[bflag:$0x3] =	sbarrier.arrive $0xFFFF  }
0x41: {  	_ =	shalt  }

</sc_bundles>
